<compile_context>
chip_gen: v7x
topology: tpu7x:2x2x1
jax: 0.10.2.dev20260603
libtpu: 0.0.44.dev20260713+nightly
codegen_flags: <defaults>
</compile_context>

<pallas_src>
import functools

import jax
import jax.numpy as jnp
from jax import lax
from jax.experimental import pallas as pl
from jax.experimental.pallas import tpu as pltpu
from jax.experimental.pallas import tpu_sc as plsc

_B, _S, _D = 4, 2048, 1024
_NC, _NS = 2, 16
_NW = _NC * _NS
_SROWS = _S // _NW
_CROWS = 16
_NPOS = _SROWS // _CROWS
_NSTEP = _NPOS * _B
_NXB = 5


def _sc_body(x_hbm, pos_hbm, out_hbm,
             xb0, xb1, xb2, xb3, xb4, pb0, pb1,
             xs0, xs1, xs2, xs3, xs4, os0, os1, os2, os3, os4, ps0, ps1):
    xbufs = (xb0, xb1, xb2, xb3, xb4)
    pbufs = (pb0, pb1)
    xsems = (xs0, xs1, xs2, xs3, xs4)
    osems = (os0, os1, os2, os3, os4)
    psems = (ps0, ps1)

    wid = lax.axis_index("s") * _NC + lax.axis_index("c")
    row_base = wid * _SROWS

    def rows(t):
        i, b = divmod(t, _B)
        return b, row_base + i * _CROWS

    def start_xload(t):
        b, r0 = rows(t)
        return pltpu.async_copy(
            x_hbm.at[b, pl.ds(r0, _CROWS)], xbufs[t % _NXB], xsems[t % _NXB])

    def start_pload(i):
        return pltpu.async_copy(
            pos_hbm.at[pl.ds(row_base + i * _CROWS, _CROWS)],
            pbufs[i % 2], psems[i % 2])

    xloads = [None] * _NSTEP
    ploads = [None] * _NPOS
    ostores = [None] * _NSTEP

    ploads[0] = start_pload(0)
    ploads[1] = start_pload(1)
    for t in range(min(_NXB - 1, _NSTEP)):
        xloads[t] = start_xload(t)

    for t in range(_NSTEP):
        i, b = divmod(t, _B)
        xb = xbufs[t % _NXB]
        pb = pbufs[i % 2]

        xloads[t].wait()
        if b == 0:
            ploads[i].wait()

        @plsc.parallel_loop(0, _CROWS * _D, step=16, unroll=4)
        def _(o):
            r = o // _D
            c = o % _D
            plsc.addupdate(xb.at[r, pl.ds(c, 16)], pb[r, pl.ds(c, 16)])

        bb, r0 = rows(t)
        ostores[t] = pltpu.async_copy(
            xb, out_hbm.at[bb, pl.ds(r0, _CROWS)], osems[t % _NXB])
        if t + _NXB - 1 < _NSTEP:
            if t - 1 >= 0:
                ostores[t - 1].wait()
            xloads[t + _NXB - 1] = start_xload(t + _NXB - 1)
        if b == _B - 1 and i + 2 < _NPOS:
            ploads[i + 2] = start_pload(i + 2)

    for t in range(_NSTEP - _NXB, _NSTEP):
        ostores[t].wait()


@functools.partial(jax.jit)
def _sc_add(x, pos_table):
    mesh = plsc.VectorSubcoreMesh(core_axis_name="c", subcore_axis_name="s")
    return pl.kernel(
        _sc_body,
        out_type=jax.ShapeDtypeStruct((_B, _S, _D), jnp.float32),
        mesh=mesh,
        compiler_params=pltpu.CompilerParams(
            disable_bounds_checks=True,
            disable_semaphore_checks=True,
            skip_device_barrier=True,
        ),
        scratch_types=[
            pltpu.VMEM((_CROWS, _D), jnp.float32),
            pltpu.VMEM((_CROWS, _D), jnp.float32),
            pltpu.VMEM((_CROWS, _D), jnp.float32),
            pltpu.VMEM((_CROWS, _D), jnp.float32),
            pltpu.VMEM((_CROWS, _D), jnp.float32),
            pltpu.VMEM((_CROWS, _D), jnp.float32),
            pltpu.VMEM((_CROWS, _D), jnp.float32),
            pltpu.SemaphoreType.DMA,
            pltpu.SemaphoreType.DMA,
            pltpu.SemaphoreType.DMA,
            pltpu.SemaphoreType.DMA,
            pltpu.SemaphoreType.DMA,
            pltpu.SemaphoreType.DMA,
            pltpu.SemaphoreType.DMA,
            pltpu.SemaphoreType.DMA,
            pltpu.SemaphoreType.DMA,
            pltpu.SemaphoreType.DMA,
            pltpu.SemaphoreType.DMA,
            pltpu.SemaphoreType.DMA,
        ],
    )(x, pos_table)


def kernel(x, pos_table):
    return _sc_add(x, pos_table)

# --- scband reference (transcript-rebuilt; emitter-appended) ---
"""Pipeline reference for scband-token-and-position-embedding-for-esm-59717225283861 (READ-ONLY COPY).

The authoritative reference and input builder live on the scoring server;
editing this copy changes nothing except your own understanding.
"""

import jax, jax.numpy as jnp
import numpy as np

MAXLEN = 2048
EMBED_DIM = 1024
BATCH = 4
SEQ_LEN = 2048

def setup_inputs(seed: int = 0) -> dict:
    key = jax.random.key(seed)
    k_x, k_pos = jax.random.split(key)
    x = jax.random.normal(k_x, (BATCH, SEQ_LEN, EMBED_DIM), dtype=jnp.float32)
    # learned position embedding table, keras Embedding default init ~ uniform(-0.05, 0.05)
    pos_table = jax.random.uniform(k_pos, (MAXLEN, EMBED_DIM), dtype=jnp.float32, minval=-0.05, maxval=0.05)
    return {"x": x, "pos_table": pos_table}

def reference(x, pos_table):
    seq_len = x.shape[1]
    positions_idx = jnp.arange(seq_len)
    positions = jnp.take(pos_table, positions_idx, axis=0)  # [S, D] gather
    positions = positions[None, :, :]  # expand batch dim
    positions = jnp.broadcast_to(positions, x.shape)  # tile over batch
    return x + positions

if __name__ == "__main__":
    import jax
    _d = setup_inputs()
    print(jax.jit(kernel)(*tuple(_d.values())))

</pallas_src>

<mosaic_0001>
#map = affine_map<(d0, d1) -> (0, 0, 0)>
#map1 = affine_map<(d0, d1) -> (0, 0)>
module attributes {stable_mosaic.version = 14 : i64} {
  func.func @_sc_body(%arg0: i32, %arg1: i32, %arg2: memref<4x2048x1024xf32, #tpu.memory_space<hbm>>, %arg3: memref<2048x1024xf32, #tpu.memory_space<hbm>>, %arg4: memref<4x2048x1024xf32, #tpu.memory_space<hbm>>, %arg5: memref<16x1024xf32, #tpu.memory_space<vmem>>, %arg6: memref<16x1024xf32, #tpu.memory_space<vmem>>, %arg7: memref<16x1024xf32, #tpu.memory_space<vmem>>, %arg8: memref<16x1024xf32, #tpu.memory_space<vmem>>, %arg9: memref<16x1024xf32, #tpu.memory_space<vmem>>, %arg10: memref<16x1024xf32, #tpu.memory_space<vmem>>, %arg11: memref<16x1024xf32, #tpu.memory_space<vmem>>, %arg12: memref<!tpu.dma_semaphore, #tpu.memory_space<semaphore_mem>>, %arg13: memref<!tpu.dma_semaphore, #tpu.memory_space<semaphore_mem>>, %arg14: memref<!tpu.dma_semaphore, #tpu.memory_space<semaphore_mem>>, %arg15: memref<!tpu.dma_semaphore, #tpu.memory_space<semaphore_mem>>, %arg16: memref<!tpu.dma_semaphore, #tpu.memory_space<semaphore_mem>>, %arg17: memref<!tpu.dma_semaphore, #tpu.memory_space<semaphore_mem>>, %arg18: memref<!tpu.dma_semaphore, #tpu.memory_space<semaphore_mem>>, %arg19: memref<!tpu.dma_semaphore, #tpu.memory_space<semaphore_mem>>, %arg20: memref<!tpu.dma_semaphore, #tpu.memory_space<semaphore_mem>>, %arg21: memref<!tpu.dma_semaphore, #tpu.memory_space<semaphore_mem>>, %arg22: memref<!tpu.dma_semaphore, #tpu.memory_space<semaphore_mem>>, %arg23: memref<!tpu.dma_semaphore, #tpu.memory_space<semaphore_mem>>) attributes {dimension_semantics = [#tpu.dimension_semantics<core_parallel>, #tpu.dimension_semantics<subcore_parallel>], iteration_bounds = array<i64: 2, 16>, scalar_prefetch = 0 : i64, scratch_operands = 19 : i64, tpu.core_type = #tpu.core_type<sc_vector_subcore>, window_params = [{transform_indices = #map}, {transform_indices = #map1}, {transform_indices = #map}]} {
    %mul3A = arith.constant 2 : i32
    %mul3A_0 = arith.muli %arg1, %mul3A : i32
    %add3A = arith.addi %mul3A_0, %arg0 : i32
    %mul3A_1 = arith.constant 64 : i32
    %mul3A_2 = arith.muli %add3A, %mul3A_1 : i32
    %add3A_3 = arith.constant 0 : i32
    %add3A_4 = arith.addi %mul3A_2, %add3A_3 : i32
    %dma_start3A = arith.constant 0 : i32
    %dma_start3A_5 = tpu.memref_slice %arg3[%add3A_4, %dma_start3A] : memref<2048x1024xf32, #tpu.memory_space<hbm>> -> memref<16x1024xf32, #tpu.memory_space<hbm>>
    %dma_start3A_6 = arith.constant 0 : i32
    %dma_start3A_7 = tpu.memref_slice %arg3[%add3A_4, %dma_start3A_6] : memref<2048x1024xf32, #tpu.memory_space<hbm>> -> memref<16x1024xf32, #tpu.memory_space<hbm>>
    tpu.enqueue_dma source(%dma_start3A_7 : memref<16x1024xf32, #tpu.memory_space<hbm>>) target(%arg10 : memref<16x1024xf32, #tpu.memory_space<vmem>>) target_semaphore(%arg22 : memref<!tpu.dma_semaphore, #tpu.memory_space<semaphore_mem>>)
    %add3A_8 = arith.constant 16 : i32
    %add3A_9 = arith.addi %mul3A_2, %add3A_8 : i32
    %dma_start3A_10 = arith.constant 0 : i32
    %dma_start3A_11 = tpu.memref_slice %arg3[%add3A_9, %dma_start3A_10] : memref<2048x1024xf32, #tpu.memory_space<hbm>> -> memref<16x1024xf32, #tpu.memory_space<hbm>>
    %dma_start3A_12 = arith.constant 0 : i32
    %dma_start3A_13 = tpu.memref_slice %arg3[%add3A_9, %dma_start3A_12] : memref<2048x1024xf32, #tpu.memory_space<hbm>> -> memref<16x1024xf32, #tpu.memory_space<hbm>>
    tpu.enqueue_dma source(%dma_start3A_13 : memref<16x1024xf32, #tpu.memory_space<hbm>>) target(%arg11 : memref<16x1024xf32, #tpu.memory_space<vmem>>) target_semaphore(%arg23 : memref<!tpu.dma_semaphore, #tpu.memory_space<semaphore_mem>>)
    %add3A_14 = arith.constant 0 : i32
    %add3A_15 = arith.addi %mul3A_2, %add3A_14 : i32
    %dma_start3A_16 = arith.constant 0 : i32
    %dma_start3A_17 = arith.constant 0 : i32
    %dma_start3A_18 = tpu.memref_slice %arg2[%dma_start3A_16, %add3A_15, %dma_start3A_17] : memref<4x2048x1024xf32, #tpu.memory_space<hbm>> -> memref<1x16x1024xf32, #tpu.memory_space<hbm>>
    %dma_start3A_19 = tpu.memref_squeeze %dma_start3A_18 : memref<1x16x1024xf32, #tpu.memory_space<hbm>> -> memref<16x1024xf32, #tpu.memory_space<hbm>>
    %dma_start3A_20 = arith.constant 0 : i32
    %dma_start3A_21 = tpu.memref_slice %arg2[%dma_start3A_16, %add3A_15, %dma_start3A_20] : memref<4x2048x1024xf32, #tpu.memory_space<hbm>> -> memref<1x16x1024xf32, #tpu.memory_space<hbm>>
    %dma_start3A_22 = tpu.memref_squeeze %dma_start3A_21 : memref<1x16x1024xf32, #tpu.memory_space<hbm>> -> memref<16x1024xf32, #tpu.memory_space<hbm>>
    tpu.enqueue_dma source(%dma_start3A_22 : memref<16x1024xf32, #tpu.memory_space<hbm>>) target(%arg5 : memref<16x1024xf32, #tpu.memory_space<vmem>>) target_semaphore(%arg12 : memref<!tpu.dma_semaphore, #tpu.memory_space<semaphore_mem>>)
    %add3A_23 = arith.constant 0 : i32
    %add3A_24 = arith.addi %mul3A_2, %add3A_23 : i32
    %dma_start3A_25 = arith.constant 1 : i32
    %dma_start3A_26 = arith.constant 0 : i32
    %dma_start3A_27 = tpu.memref_slice %arg2[%dma_start3A_25, %add3A_24, %dma_start3A_26] : memref<4x2048x1024xf32, #tpu.memory_space<hbm>> -> memref<1x16x1024xf32, #tpu.memory_space<hbm>>
    %dma_start3A_28 = tpu.memref_squeeze %dma_start3A_27 : memref<1x16x1024xf32, #tpu.memory_space<hbm>> -> memref<16x1024xf32, #tpu.memory_space<hbm>>
    %dma_start3A_29 = arith.constant 0 : i32
    %dma_start3A_30 = tpu.memref_slice %arg2[%dma_start3A_25, %add3A_24, %dma_start3A_29] : memref<4x2048x1024xf32, #tpu.memory_space<hbm>> -> memref<1x16x1024xf32, #tpu.memory_space<hbm>>
    %dma_start3A_31 = tpu.memref_squeeze %dma_start3A_30 : memref<1x16x1024xf32, #tpu.memory_space<hbm>> -> memref<16x1024xf32, #tpu.memory_space<hbm>>
    tpu.enqueue_dma source(%dma_start3A_31 : memref<16x1024xf32, #tpu.memory_space<hbm>>) target(%arg6 : memref<16x1024xf32, #tpu.memory_space<vmem>>) target_semaphore(%arg13 : memref<!tpu.dma_semaphore, #tpu.memory_space<semaphore_mem>>)
    %add3A_32 = arith.constant 0 : i32
    %add3A_33 = arith.addi %mul3A_2, %add3A_32 : i32
    %dma_start3A_34 = arith.constant 2 : i32
    %dma_start3A_35 = arith.constant 0 : i32
    %dma_start3A_36 = tpu.memref_slice %arg2[%dma_start3A_34, %add3A_33, %dma_start3A_35] : memref<4x2048x1024xf32, #tpu.memory_space<hbm>> -> memref<1x16x1024xf32, #tpu.memory_space<hbm>>
    %dma_start3A_37 = tpu.memref_squeeze %dma_start3A_36 : memref<1x16x1024xf32, #tpu.memory_space<hbm>> -> memref<16x1024xf32, #tpu.memory_space<hbm>>
    %dma_start3A_38 = arith.constant 0 : i32
    %dma_start3A_39 = tpu.memref_slice %arg2[%dma_start3A_34, %add3A_33, %dma_start3A_38] : memref<4x2048x1024xf32, #tpu.memory_space<hbm>> -> memref<1x16x1024xf32, #tpu.memory_space<hbm>>
    %dma_start3A_40 = tpu.memref_squeeze %dma_start3A_39 : memref<1x16x1024xf32, #tpu.memory_space<hbm>> -> memref<16x1024xf32, #tpu.memory_space<hbm>>
    tpu.enqueue_dma source(%dma_start3A_40 : memref<16x1024xf32, #tpu.memory_space<hbm>>) target(%arg7 : memref<16x1024xf32, #tpu.memory_space<vmem>>) target_semaphore(%arg14 : memref<!tpu.dma_semaphore, #tpu.memory_space<semaphore_mem>>)
    %add3A_41 = arith.constant 0 : i32
    %add3A_42 = arith.addi %mul3A_2, %add3A_41 : i32
    %dma_start3A_43 = arith.constant 3 : i32
    %dma_start3A_44 = arith.constant 0 : i32
    %dma_start3A_45 = tpu.memref_slice %arg2[%dma_start3A_43, %add3A_42, %dma_start3A_44] : memref<4x2048x1024xf32, #tpu.memory_space<hbm>> -> memref<1x16x1024xf32, #tpu.memory_space<hbm>>
    %dma_start3A_46 = tpu.memref_squeeze %dma_start3A_45 : memref<1x16x1024xf32, #tpu.memory_space<hbm>> -> memref<16x1024xf32, #tpu.memory_space<hbm>>
    %dma_start3A_47 = arith.constant 0 : i32
    %dma_start3A_48 = tpu.memref_slice %arg2[%dma_start3A_43, %add3A_42, %dma_start3A_47] : memref<4x2048x1024xf32, #tpu.memory_space<hbm>> -> memref<1x16x1024xf32, #tpu.memory_space<hbm>>
    %dma_start3A_49 = tpu.memref_squeeze %dma_start3A_48 : memref<1x16x1024xf32, #tpu.memory_space<hbm>> -> memref<16x1024xf32, #tpu.memory_space<hbm>>
    tpu.enqueue_dma source(%dma_start3A_49 : memref<16x1024xf32, #tpu.memory_space<hbm>>) target(%arg8 : memref<16x1024xf32, #tpu.memory_space<vmem>>) target_semaphore(%arg15 : memref<!tpu.dma_semaphore, #tpu.memory_space<semaphore_mem>>)
    %dma_wait3A = arith.constant 0 : i32
    %dma_wait3A_50 = arith.constant 0 : i32
    %dma_wait3A_51 = tpu.memref_slice %arg2[%dma_wait3A, %add3A_15, %dma_wait3A_50] : memref<4x2048x1024xf32, #tpu.memory_space<hbm>> -> memref<1x16x1024xf32, #tpu.memory_space<hbm>>
    %dma_wait3A_52 = tpu.memref_squeeze %dma_wait3A_51 : memref<1x16x1024xf32, #tpu.memory_space<hbm>> -> memref<16x1024xf32, #tpu.memory_space<hbm>>
    %dma_wait3A_53 = arith.constant 0 : i32
    %dma_wait3A_54 = tpu.memref_slice %arg2[%dma_wait3A, %add3A_15, %dma_wait3A_53] : memref<4x2048x1024xf32, #tpu.memory_space<hbm>> -> memref<1x16x1024xf32, #tpu.memory_space<hbm>>
    %dma_wait3A_55 = tpu.memref_squeeze %dma_wait3A_54 : memref<1x16x1024xf32, #tpu.memory_space<hbm>> -> memref<16x1024xf32, #tpu.memory_space<hbm>>
    tpu.wait_dma2 semaphore(%arg12 : memref<!tpu.dma_semaphore, #tpu.memory_space<semaphore_mem>>) src(%dma_wait3A_55 : memref<16x1024xf32, #tpu.memory_space<hbm>>) dst(%arg5 : memref<16x1024xf32, #tpu.memory_space<vmem>>)
    %dma_wait3A_56 = arith.constant 0 : i32
    %dma_wait3A_57 = tpu.memref_slice %arg3[%add3A_4, %dma_wait3A_56] : memref<2048x1024xf32, #tpu.memory_space<hbm>> -> memref<16x1024xf32, #tpu.memory_space<hbm>>
    %dma_wait3A_58 = arith.constant 0 : i32
    %dma_wait3A_59 = tpu.memref_slice %arg3[%add3A_4, %dma_wait3A_58] : memref<2048x1024xf32, #tpu.memory_space<hbm>> -> memref<16x1024xf32, #tpu.memory_space<hbm>>
    tpu.wait_dma2 semaphore(%arg22 : memref<!tpu.dma_semaphore, #tpu.memory_space<semaphore_mem>>) src(%dma_wait3A_59 : memref<16x1024xf32, #tpu.memory_space<hbm>>) dst(%arg10 : memref<16x1024xf32, #tpu.memory_space<vmem>>)
    %parallel_loop3A = arith.constant 0 : i32
    %parallel_loop3A_60 = arith.constant 16384 : i32
    %parallel_loop3A_61 = arith.constant 16 : i32
    scf.for %parallel_loop3A_600 = %parallel_loop3A to %parallel_loop3A_60 step %parallel_loop3A_61  : i32 {
      %parallel_loop3A_601 = arith.constant 1024 : i32
      %parallel_loop3A_602 = arith.divsi %parallel_loop3A_600, %parallel_loop3A_601 : i32
      %parallel_loop3A_603 = arith.constant 0 : i32
      %parallel_loop3A_604 = arith.cmpi sgt, %parallel_loop3A_600, %parallel_loop3A_603 : i32
      %parallel_loop3A_605 = arith.extui %parallel_loop3A_604 : i1 to i32
      %parallel_loop3A_606 = arith.constant 0 : i32
      %parallel_loop3A_607 = arith.cmpi slt, %parallel_loop3A_600, %parallel_loop3A_606 : i32
      %parallel_loop3A_608 = arith.extui %parallel_loop3A_607 : i1 to i32
      %parallel_loop3A_609 = arith.subi %parallel_loop3A_605, %parallel_loop3A_608 : i32
      %parallel_loop3A_610 = arith.constant 0 : i32
      %parallel_loop3A_611 = arith.cmpi sgt, %parallel_loop3A_601, %parallel_loop3A_610 : i32
      %parallel_loop3A_612 = arith.extui %parallel_loop3A_611 : i1 to i32
      %parallel_loop3A_613 = arith.constant 0 : i32
      %parallel_loop3A_614 = arith.cmpi slt, %parallel_loop3A_601, %parallel_loop3A_613 : i32
      %parallel_loop3A_615 = arith.extui %parallel_loop3A_614 : i1 to i32
      %parallel_loop3A_616 = arith.subi %parallel_loop3A_612, %parallel_loop3A_615 : i32
      %parallel_loop3A_617 = arith.cmpi ne, %parallel_loop3A_609, %parallel_loop3A_616 : i32
      %parallel_loop3A_618 = arith.remsi %parallel_loop3A_600, %parallel_loop3A_601 : i32
      %parallel_loop3A_619 = arith.constant 0 : i32
      %parallel_loop3A_620 = arith.cmpi ne, %parallel_loop3A_618, %parallel_loop3A_619 : i32
      %parallel_loop3A_621 = arith.andi %parallel_loop3A_617, %parallel_loop3A_620 : i1
      %parallel_loop3A_622 = arith.constant 1 : i32
      %parallel_loop3A_623 = arith.subi %parallel_loop3A_602, %parallel_loop3A_622 : i32
      %parallel_loop3A_624 = arith.select %parallel_loop3A_621, %parallel_loop3A_623, %parallel_loop3A_602 : i32
      %parallel_loop3A_625 = arith.constant 1024 : i32
      %parallel_loop3A_626 = arith.constant 0 : i32
      %parallel_loop3A_627 = arith.cmpi eq, %parallel_loop3A_625, %parallel_loop3A_626 : i32
      %parallel_loop3A_628 = arith.constant 1 : i32
      %parallel_loop3A_629 = arith.select %parallel_loop3A_627, %parallel_loop3A_628, %parallel_loop3A_625 : i32
      %parallel_loop3A_630 = arith.remsi %parallel_loop3A_600, %parallel_loop3A_629 : i32
      %parallel_loop3A_631 = arith.constant 0 : i32
      %parallel_loop3A_632 = arith.cmpi ne, %parallel_loop3A_630, %parallel_loop3A_631 : i32
      %parallel_loop3A_633 = arith.constant 0 : i32
      %parallel_loop3A_634 = arith.cmpi slt, %parallel_loop3A_630, %parallel_loop3A_633 : i32
      %parallel_loop3A_635 = arith.constant 0 : i32
      %parallel_loop3A_636 = arith.cmpi slt, %parallel_loop3A_629, %parallel_loop3A_635 : i32
      %parallel_loop3A_637 = arith.xori %parallel_loop3A_634, %parallel_loop3A_636 : i1
      %parallel_loop3A_638 = arith.andi %parallel_loop3A_637, %parallel_loop3A_632 : i1
      %parallel_loop3A_639 = arith.addi %parallel_loop3A_630, %parallel_loop3A_629 : i32
      %parallel_loop3A_640 = arith.select %parallel_loop3A_638, %parallel_loop3A_639, %parallel_loop3A_630 : i32
      %parallel_loop3A_641 = arith.index_cast %parallel_loop3A_624 : i32 to index
      %parallel_loop3A_642 = arith.index_cast %parallel_loop3A_640 : i32 to index
      %parallel_loop3A_643 = tpu.vector_load %arg10[%parallel_loop3A_641, %parallel_loop3A_642] {strides = array<i32>} : memref<16x1024xf32, #tpu.memory_space<vmem>>, vector<1x16xf32>,
      %parallel_loop3A_644 = vector.shape_cast %parallel_loop3A_643 : vector<1x16xf32> to vector<16xf32>
      %parallel_loop3A_645 = arith.index_cast %parallel_loop3A_624 : i32 to index
      %parallel_loop3A_646 = arith.index_cast %parallel_loop3A_640 : i32 to index
      %parallel_loop3A_647 = tpu.vector_load %arg5[%parallel_loop3A_645, %parallel_loop3A_646] {strides = array<i32>} : memref<16x1024xf32, #tpu.memory_space<vmem>>, vector<1x16xf32>,
      %parallel_loop3A_648 = vector.shape_cast %parallel_loop3A_647 : vector<1x16xf32> to vector<16xf32>
      %parallel_loop3A_649 = vector.shape_cast %parallel_loop3A_644 : vector<16xf32> to vector<1x16xf32>
      tpu.vector_store %arg5[%parallel_loop3A_645, %parallel_loop3A_646], %parallel_loop3A_649 {add = true, strides = array<i32>} : memref<16x1024xf32, #tpu.memory_space<vmem>>, vector<1x16xf32>,
    } {sc.loop_unroll_factor = 4 : i64, sc.parallel_access}
    %add3A_62 = arith.constant 0 : i32
    %add3A_63 = arith.addi %mul3A_2, %add3A_62 : i32
    %dma_start3A_64 = arith.constant 0 : i32
    %dma_start3A_65 = arith.constant 0 : i32
    %dma_start3A_66 = tpu.memref_slice %arg4[%dma_start3A_64, %add3A_63, %dma_start3A_65] : memref<4x2048x1024xf32, #tpu.memory_space<hbm>> -> memref<1x16x1024xf32, #tpu.memory_space<hbm>>
    %dma_start3A_67 = tpu.memref_squeeze %dma_start3A_66 : memref<1x16x1024xf32, #tpu.memory_space<hbm>> -> memref<16x1024xf32, #tpu.memory_space<hbm>>
    %dma_start3A_68 = arith.constant 0 : i32
    %dma_start3A_69 = tpu.memref_slice %arg4[%dma_start3A_64, %add3A_63, %dma_start3A_68] : memref<4x2048x1024xf32, #tpu.memory_space<hbm>> -> memref<1x16x1024xf32, #tpu.memory_space<hbm>>
    %dma_start3A_70 = tpu.memref_squeeze %dma_start3A_69 : memref<1x16x1024xf32, #tpu.memory_space<hbm>> -> memref<16x1024xf32, #tpu.memory_space<hbm>>
    tpu.enqueue_dma source(%arg5 : memref<16x1024xf32, #tpu.memory_space<vmem>>) target(%dma_start3A_70 : memref<16x1024xf32, #tpu.memory_space<hbm>>) target_semaphore(%arg17 : memref<!tpu.dma_semaphore, #tpu.memory_space<semaphore_mem>>)
    %add3A_71 = arith.constant 16 : i32
    %add3A_72 = arith.addi %mul3A_2, %add3A_71 : i32
    %dma_start3A_73 = arith.constant 0 : i32
    %dma_start3A_74 = arith.constant 0 : i32
    %dma_start3A_75 = tpu.memref_slice %arg2[%dma_start3A_73, %add3A_72, %dma_start3A_74] : memref<4x2048x1024xf32, #tpu.memory_space<hbm>> -> memref<1x16x1024xf32, #tpu.memory_space<hbm>>
    %dma_start3A_76 = tpu.memref_squeeze %dma_start3A_75 : memref<1x16x1024xf32, #tpu.memory_space<hbm>> -> memref<16x1024xf32, #tpu.memory_space<hbm>>
    %dma_start3A_77 = arith.constant 0 : i32
    %dma_start3A_78 = tpu.memref_slice %arg2[%dma_start3A_73, %add3A_72, %dma_start3A_77] : memref<4x2048x1024xf32, #tpu.memory_space<hbm>> -> memref<1x16x1024xf32, #tpu.memory_space<hbm>>
    %dma_start3A_79 = tpu.memref_squeeze %dma_start3A_78 : memref<1x16x1024xf32, #tpu.memory_space<hbm>> -> memref<16x1024xf32, #tpu.memory_space<hbm>>
    tpu.enqueue_dma source(%dma_start3A_79 : memref<16x1024xf32, #tpu.memory_space<hbm>>) target(%arg9 : memref<16x1024xf32, #tpu.memory_space<vmem>>) target_semaphore(%arg16 : memref<!tpu.dma_semaphore, #tpu.memory_space<semaphore_mem>>)
    %dma_wait3A_80 = arith.constant 1 : i32
    %dma_wait3A_81 = arith.constant 0 : i32
    %dma_wait3A_82 = tpu.memref_slice %arg2[%dma_wait3A_80, %add3A_24, %dma_wait3A_81] : memref<4x2048x1024xf32, #tpu.memory_space<hbm>> -> memref<1x16x1024xf32, #tpu.memory_space<hbm>>
    %dma_wait3A_83 = tpu.memref_squeeze %dma_wait3A_82 : memref<1x16x1024xf32, #tpu.memory_space<hbm>> -> memref<16x1024xf32, #tpu.memory_space<hbm>>
    %dma_wait3A_84 = arith.constant 0 : i32
    %dma_wait3A_85 = tpu.memref_slice %arg2[%dma_wait3A_80, %add3A_24, %dma_wait3A_84] : memref<4x2048x1024xf32, #tpu.memory_space<hbm>> -> memref<1x16x1024xf32, #tpu.memory_space<hbm>>
    %dma_wait3A_86 = tpu.memref_squeeze %dma_wait3A_85 : memref<1x16x1024xf32, #tpu.memory_space<hbm>> -> memref<16x1024xf32, #tpu.memory_space<hbm>>
    tpu.wait_dma2 semaphore(%arg13 : memref<!tpu.dma_semaphore, #tpu.memory_space<semaphore_mem>>) src(%dma_wait3A_86 : memref<16x1024xf32, #tpu.memory_space<hbm>>) dst(%arg6 : memref<16x1024xf32, #tpu.memory_space<vmem>>)
    %parallel_loop3A_87 = arith.constant 0 : i32
    %parallel_loop3A_88 = arith.constant 16384 : i32
    %parallel_loop3A_89 = arith.constant 16 : i32
    scf.for %parallel_loop3A_600 = %parallel_loop3A_87 to %parallel_loop3A_88 step %parallel_loop3A_89  : i32 {
      %parallel_loop3A_601 = arith.constant 1024 : i32
      %parallel_loop3A_602 = arith.divsi %parallel_loop3A_600, %parallel_loop3A_601 : i32
      %parallel_loop3A_603 = arith.constant 0 : i32
      %parallel_loop3A_604 = arith.cmpi sgt, %parallel_loop3A_600, %parallel_loop3A_603 : i32
      %parallel_loop3A_605 = arith.extui %parallel_loop3A_604 : i1 to i32
      %parallel_loop3A_606 = arith.constant 0 : i32
      %parallel_loop3A_607 = arith.cmpi slt, %parallel_loop3A_600, %parallel_loop3A_606 : i32
      %parallel_loop3A_608 = arith.extui %parallel_loop3A_607 : i1 to i32
      %parallel_loop3A_609 = arith.subi %parallel_loop3A_605, %parallel_loop3A_608 : i32
      %parallel_loop3A_610 = arith.constant 0 : i32
      %parallel_loop3A_611 = arith.cmpi sgt, %parallel_loop3A_601, %parallel_loop3A_610 : i32
      %parallel_loop3A_612 = arith.extui %parallel_loop3A_611 : i1 to i32
      %parallel_loop3A_613 = arith.constant 0 : i32
      %parallel_loop3A_614 = arith.cmpi slt, %parallel_loop3A_601, %parallel_loop3A_613 : i32
      %parallel_loop3A_615 = arith.extui %parallel_loop3A_614 : i1 to i32
      %parallel_loop3A_616 = arith.subi %parallel_loop3A_612, %parallel_loop3A_615 : i32
      %parallel_loop3A_617 = arith.cmpi ne, %parallel_loop3A_609, %parallel_loop3A_616 : i32
      %parallel_loop3A_618 = arith.remsi %parallel_loop3A_600, %parallel_loop3A_601 : i32
      %parallel_loop3A_619 = arith.constant 0 : i32
      %parallel_loop3A_620 = arith.cmpi ne, %parallel_loop3A_618, %parallel_loop3A_619 : i32
      %parallel_loop3A_621 = arith.andi %parallel_loop3A_617, %parallel_loop3A_620 : i1
      %parallel_loop3A_622 = arith.constant 1 : i32
      %parallel_loop3A_623 = arith.subi %parallel_loop3A_602, %parallel_loop3A_622 : i32
      %parallel_loop3A_624 = arith.select %parallel_loop3A_621, %parallel_loop3A_623, %parallel_loop3A_602 : i32
      %parallel_loop3A_625 = arith.constant 1024 : i32
      %parallel_loop3A_626 = arith.constant 0 : i32
      %parallel_loop3A_627 = arith.cmpi eq, %parallel_loop3A_625, %parallel_loop3A_626 : i32
      %parallel_loop3A_628 = arith.constant 1 : i32
      %parallel_loop3A_629 = arith.select %parallel_loop3A_627, %parallel_loop3A_628, %parallel_loop3A_625 : i32
      %parallel_loop3A_630 = arith.remsi %parallel_loop3A_600, %parallel_loop3A_629 : i32
      %parallel_loop3A_631 = arith.constant 0 : i32
      %parallel_loop3A_632 = arith.cmpi ne, %parallel_loop3A_630, %parallel_loop3A_631 : i32
      %parallel_loop3A_633 = arith.constant 0 : i32
      %parallel_loop3A_634 = arith.cmpi slt, %parallel_loop3A_630, %parallel_loop3A_633 : i32
      %parallel_loop3A_635 = arith.constant 0 : i32
      %parallel_loop3A_636 = arith.cmpi slt, %parallel_loop3A_629, %parallel_loop3A_635 : i32
      %parallel_loop3A_637 = arith.xori %parallel_loop3A_634, %parallel_loop3A_636 : i1
      %parallel_loop3A_638 = arith.andi %parallel_loop3A_637, %parallel_loop3A_632 : i1
      %parallel_loop3A_639 = arith.addi %parallel_loop3A_630, %parallel_loop3A_629 : i32
      %parallel_loop3A_640 = arith.select %parallel_loop3A_638, %parallel_loop3A_639, %parallel_loop3A_630 : i32
      %parallel_loop3A_641 = arith.index_cast %parallel_loop3A_624 : i32 to index
      %parallel_loop3A_642 = arith.index_cast %parallel_loop3A_640 : i32 to index
      %parallel_loop3A_643 = tpu.vector_load %arg10[%parallel_loop3A_641, %parallel_loop3A_642] {strides = array<i32>} : memref<16x1024xf32, #tpu.memory_space<vmem>>, vector<1x16xf32>,
      %parallel_loop3A_644 = vector.shape_cast %parallel_loop3A_643 : vector<1x16xf32> to vector<16xf32>
      %parallel_loop3A_645 = arith.index_cast %parallel_loop3A_624 : i32 to index
      %parallel_loop3A_646 = arith.index_cast %parallel_loop3A_640 : i32 to index
      %parallel_loop3A_647 = tpu.vector_load %arg6[%parallel_loop3A_645, %parallel_loop3A_646] {strides = array<i32>} : memref<16x1024xf32, #tpu.memory_space<vmem>>, vector<1x16xf32>,
      %parallel_loop3A_648 = vector.shape_cast %parallel_loop3A_647 : vector<1x16xf32> to vector<16xf32>
      %parallel_loop3A_649 = vector.shape_cast %parallel_loop3A_644 : vector<16xf32> to vector<1x16xf32>
      tpu.vector_store %arg6[%parallel_loop3A_645, %parallel_loop3A_646], %parallel_loop3A_649 {add = true, strides = array<i32>} : memref<16x1024xf32, #tpu.memory_space<vmem>>, vector<1x16xf32>,
    } {sc.loop_unroll_factor = 4 : i64, sc.parallel_access}
    %add3A_90 = arith.constant 0 : i32
    %add3A_91 = arith.addi %mul3A_2, %add3A_90 : i32
    %dma_start3A_92 = arith.constant 1 : i32
    %dma_start3A_93 = arith.constant 0 : i32
    %dma_start3A_94 = tpu.memref_slice %arg4[%dma_start3A_92, %add3A_91, %dma_start3A_93] : memref<4x2048x1024xf32, #tpu.memory_space<hbm>> -> memref<1x16x1024xf32, #tpu.memory_space<hbm>>
    %dma_start3A_95 = tpu.memref_squeeze %dma_start3A_94 : memref<1x16x1024xf32, #tpu.memory_space<hbm>> -> memref<16x1024xf32, #tpu.memory_space<hbm>>
    %dma_start3A_96 = arith.constant 0 : i32
    %dma_start3A_97 = tpu.memref_slice %arg4[%dma_start3A_92, %add3A_91, %dma_start3A_96] : memref<4x2048x1024xf32, #tpu.memory_space<hbm>> -> memref<1x16x1024xf32, #tpu.memory_space<hbm>>
    %dma_start3A_98 = tpu.memref_squeeze %dma_start3A_97 : memref<1x16x1024xf32, #tpu.memory_space<hbm>> -> memref<16x1024xf32, #tpu.memory_space<hbm>>
    tpu.enqueue_dma source(%arg6 : memref<16x1024xf32, #tpu.memory_space<vmem>>) target(%dma_start3A_98 : memref<16x1024xf32, #tpu.memory_space<hbm>>) target_semaphore(%arg18 : memref<!tpu.dma_semaphore, #tpu.memory_space<semaphore_mem>>)
    %dma_wait3A_99 = arith.constant 0 : i32
    %dma_wait3A_100 = arith.constant 0 : i32
    %dma_wait3A_101 = tpu.memref_slice %arg4[%dma_wait3A_99, %add3A_63, %dma_wait3A_100] : memref<4x2048x1024xf32, #tpu.memory_space<hbm>> -> memref<1x16x1024xf32, #tpu.memory_space<hbm>>
    %dma_wait3A_102 = tpu.memref_squeeze %dma_wait3A_101 : memref<1x16x1024xf32, #tpu.memory_space<hbm>> -> memref<16x1024xf32, #tpu.memory_space<hbm>>
    %dma_wait3A_103 = arith.constant 0 : i32
    %dma_wait3A_104 = tpu.memref_slice %arg4[%dma_wait3A_99, %add3A_63, %dma_wait3A_103] : memref<4x2048x1024xf32, #tpu.memory_space<hbm>> -> memref<1x16x1024xf32, #tpu.memory_space<hbm>>
    %dma_wait3A_105 = tpu.memref_squeeze %dma_wait3A_104 : memref<1x16x1024xf32, #tpu.memory_space<hbm>> -> memref<16x1024xf32, #tpu.memory_space<hbm>>
    tpu.wait_dma2 semaphore(%arg17 : memref<!tpu.dma_semaphore, #tpu.memory_space<semaphore_mem>>) src(%arg5 : memref<16x1024xf32, #tpu.memory_space<vmem>>) dst(%dma_wait3A_105 : memref<16x1024xf32, #tpu.memory_space<hbm>>)
    %add3A_106 = arith.constant 16 : i32
    %add3A_107 = arith.addi %mul3A_2, %add3A_106 : i32
    %dma_start3A_108 = arith.constant 1 : i32
    %dma_start3A_109 = arith.constant 0 : i32
    %dma_start3A_110 = tpu.memref_slice %arg2[%dma_start3A_108, %add3A_107, %dma_start3A_109] : memref<4x2048x1024xf32, #tpu.memory_space<hbm>> -> memref<1x16x1024xf32, #tpu.memory_space<hbm>>
    %dma_start3A_111 = tpu.memref_squeeze %dma_start3A_110 : memref<1x16x1024xf32, #tpu.memory_space<hbm>> -> memref<16x1024xf32, #tpu.memory_space<hbm>>
    %dma_start3A_112 = arith.constant 0 : i32
    %dma_start3A_113 = tpu.memref_slice %arg2[%dma_start3A_108, %add3A_107, %dma_start3A_112] : memref<4x2048x1024xf32, #tpu.memory_space<hbm>> -> memref<1x16x1024xf32, #tpu.memory_space<hbm>>
    %dma_start3A_114 = tpu.memref_squeeze %dma_start3A_113 : memref<1x16x1024xf32, #tpu.memory_space<hbm>> -> memref<16x1024xf32, #tpu.memory_space<hbm>>
    tpu.enqueue_dma source(%dma_start3A_114 : memref<16x1024xf32, #tpu.memory_space<hbm>>) target(%arg5 : memref<16x1024xf32, #tpu.memory_space<vmem>>) target_semaphore(%arg12 : memref<!tpu.dma_semaphore, #tpu.memory_space<semaphore_mem>>)
    %dma_wait3A_115 = arith.constant 2 : i32
    %dma_wait3A_116 = arith.constant 0 : i32
    %dma_wait3A_117 = tpu.memref_slice %arg2[%dma_wait3A_115, %add3A_33, %dma_wait3A_116] : memref<4x2048x1024xf32, #tpu.memory_space<hbm>> -> memref<1x16x1024xf32, #tpu.memory_space<hbm>>
    %dma_wait3A_118 = tpu.memref_squeeze %dma_wait3A_117 : memref<1x16x1024xf32, #tpu.memory_space<hbm>> -> memref<16x1024xf32, #tpu.memory_space<hbm>>
    %dma_wait3A_119 = arith.constant 0 : i32
    %dma_wait3A_120 = tpu.memref_slice %arg2[%dma_wait3A_115, %add3A_33, %dma_wait3A_119] : memref<4x2048x1024xf32, #tpu.memory_space<hbm>> -> memref<1x16x1024xf32, #tpu.memory_space<hbm>>
    %dma_wait3A_121 = tpu.memref_squeeze %dma_wait3A_120 : memref<1x16x1024xf32, #tpu.memory_space<hbm>> -> memref<16x1024xf32, #tpu.memory_space<hbm>>
    tpu.wait_dma2 semaphore(%arg14 : memref<!tpu.dma_semaphore, #tpu.memory_space<semaphore_mem>>) src(%dma_wait3A_121 : memref<16x1024xf32, #tpu.memory_space<hbm>>) dst(%arg7 : memref<16x1024xf32, #tpu.memory_space<vmem>>)
    %parallel_loop3A_122 = arith.constant 0 : i32
    %parallel_loop3A_123 = arith.constant 16384 : i32
    %parallel_loop3A_124 = arith.constant 16 : i32
    scf.for %parallel_loop3A_600 = %parallel_loop3A_122 to %parallel_loop3A_123 step %parallel_loop3A_124  : i32 {
      %parallel_loop3A_601 = arith.constant 1024 : i32
      %parallel_loop3A_602 = arith.divsi %parallel_loop3A_600, %parallel_loop3A_601 : i32
      %parallel_loop3A_603 = arith.constant 0 : i32
      %parallel_loop3A_604 = arith.cmpi sgt, %parallel_loop3A_600, %parallel_loop3A_603 : i32
      %parallel_loop3A_605 = arith.extui %parallel_loop3A_604 : i1 to i32
      %parallel_loop3A_606 = arith.constant 0 : i32
      %parallel_loop3A_607 = arith.cmpi slt, %parallel_loop3A_600, %parallel_loop3A_606 : i32
      %parallel_loop3A_608 = arith.extui %parallel_loop3A_607 : i1 to i32
      %parallel_loop3A_609 = arith.subi %parallel_loop3A_605, %parallel_loop3A_608 : i32
      %parallel_loop3A_610 = arith.constant 0 : i32
      %parallel_loop3A_611 = arith.cmpi sgt, %parallel_loop3A_601, %parallel_loop3A_610 : i32
      %parallel_loop3A_612 = arith.extui %parallel_loop3A_611 : i1 to i32
      %parallel_loop3A_613 = arith.constant 0 : i32
      %parallel_loop3A_614 = arith.cmpi slt, %parallel_loop3A_601, %parallel_loop3A_613 : i32
      %parallel_loop3A_615 = arith.extui %parallel_loop3A_614 : i1 to i32
      %parallel_loop3A_616 = arith.subi %parallel_loop3A_612, %parallel_loop3A_615 : i32
      %parallel_loop3A_617 = arith.cmpi ne, %parallel_loop3A_609, %parallel_loop3A_616 : i32
      %parallel_loop3A_618 = arith.remsi %parallel_loop3A_600, %parallel_loop3A_601 : i32
      %parallel_loop3A_619 = arith.constant 0 : i32
      %parallel_loop3A_620 = arith.cmpi ne, %parallel_loop3A_618, %parallel_loop3A_619 : i32
      %parallel_loop3A_621 = arith.andi %parallel_loop3A_617, %parallel_loop3A_620 : i1
      %parallel_loop3A_622 = arith.constant 1 : i32
      %parallel_loop3A_623 = arith.subi %parallel_loop3A_602, %parallel_loop3A_622 : i32
      %parallel_loop3A_624 = arith.select %parallel_loop3A_621, %parallel_loop3A_623, %parallel_loop3A_602 : i32
      %parallel_loop3A_625 = arith.constant 1024 : i32
      %parallel_loop3A_626 = arith.constant 0 : i32
      %parallel_loop3A_627 = arith.cmpi eq, %parallel_loop3A_625, %parallel_loop3A_626 : i32
      %parallel_loop3A_628 = arith.constant 1 : i32
      %parallel_loop3A_629 = arith.select %parallel_loop3A_627, %parallel_loop3A_628, %parallel_loop3A_625 : i32
      %parallel_loop3A_630 = arith.remsi %parallel_loop3A_600, %parallel_loop3A_629 : i32
      %parallel_loop3A_631 = arith.constant 0 : i32
      %parallel_loop3A_632 = arith.cmpi ne, %parallel_loop3A_630, %parallel_loop3A_631 : i32
      %parallel_loop3A_633 = arith.constant 0 : i32
      %parallel_loop3A_634 = arith.cmpi slt, %parallel_loop3A_630, %parallel_loop3A_633 : i32
      %parallel_loop3A_635 = arith.constant 0 : i32
      %parallel_loop3A_636 = arith.cmpi slt, %parallel_loop3A_629, %parallel_loop3A_635 : i32
      %parallel_loop3A_637 = arith.xori %parallel_loop3A_634, %parallel_loop3A_636 : i1
      %parallel_loop3A_638 = arith.andi %parallel_loop3A_637, %parallel_loop3A_632 : i1
      %parallel_loop3A_639 = arith.addi %parallel_loop3A_630, %parallel_loop3A_629 : i32
      %parallel_loop3A_640 = arith.select %parallel_loop3A_638, %parallel_loop3A_639, %parallel_loop3A_630 : i32
      %parallel_loop3A_641 = arith.index_cast %parallel_loop3A_624 : i32 to index
      %parallel_loop3A_642 = arith.index_cast %parallel_loop3A_640 : i32 to index
      %parallel_loop3A_643 = tpu.vector_load %arg10[%parallel_loop3A_641, %parallel_loop3A_642] {strides = array<i32>} : memref<16x1024xf32, #tpu.memory_space<vmem>>, vector<1x16xf32>,
      %parallel_loop3A_644 = vector.shape_cast %parallel_loop3A_643 : vector<1x16xf32> to vector<16xf32>
      %parallel_loop3A_645 = arith.index_cast %parallel_loop3A_624 : i32 to index
      %parallel_loop3A_646 = arith.index_cast %parallel_loop3A_640 : i32 to index
      %parallel_loop3A_647 = tpu.vector_load %arg7[%parallel_loop3A_645, %parallel_loop3A_646] {strides = array<i32>} : memref<16x1024xf32, #tpu.memory_space<vmem>>, vector<1x16xf32>,
      %parallel_loop3A_648 = vector.shape_cast %parallel_loop3A_647 : vector<1x16xf32> to vector<16xf32>
      %parallel_loop3A_649 = vector.shape_cast %parallel_loop3A_644 : vector<16xf32> to vector<1x16xf32>
      tpu.vector_store %arg7[%parallel_loop3A_645, %parallel_loop3A_646], %parallel_loop3A_649 {add = true, strides = array<i32>} : memref<16x1024xf32, #tpu.memory_space<vmem>>, vector<1x16xf32>,
    } {sc.loop_unroll_factor = 4 : i64, sc.parallel_access}
    %add3A_125 = arith.constant 0 : i32
    %add3A_126 = arith.addi %mul3A_2, %add3A_125 : i32
    %dma_start3A_127 = arith.constant 2 : i32
    %dma_start3A_128 = arith.constant 0 : i32
    %dma_start3A_129 = tpu.memref_slice %arg4[%dma_start3A_127, %add3A_126, %dma_start3A_128] : memref<4x2048x1024xf32, #tpu.memory_space<hbm>> -> memref<1x16x1024xf32, #tpu.memory_space<hbm>>
    %dma_start3A_130 = tpu.memref_squeeze %dma_start3A_129 : memref<1x16x1024xf32, #tpu.memory_space<hbm>> -> memref<16x1024xf32, #tpu.memory_space<hbm>>
    %dma_start3A_131 = arith.constant 0 : i32
    %dma_start3A_132 = tpu.memref_slice %arg4[%dma_start3A_127, %add3A_126, %dma_start3A_131] : memref<4x2048x1024xf32, #tpu.memory_space<hbm>> -> memref<1x16x1024xf32, #tpu.memory_space<hbm>>
    %dma_start3A_133 = tpu.memref_squeeze %dma_start3A_132 : memref<1x16x1024xf32, #tpu.memory_space<hbm>> -> memref<16x1024xf32, #tpu.memory_space<hbm>>
    tpu.enqueue_dma source(%arg7 : memref<16x1024xf32, #tpu.memory_space<vmem>>) target(%dma_start3A_133 : memref<16x1024xf32, #tpu.memory_space<hbm>>) target_semaphore(%arg19 : memref<!tpu.dma_semaphore, #tpu.memory_space<semaphore_mem>>)
    %dma_wait3A_134 = arith.constant 1 : i32
    %dma_wait3A_135 = arith.constant 0 : i32
    %dma_wait3A_136 = tpu.memref_slice %arg4[%dma_wait3A_134, %add3A_91, %dma_wait3A_135] : memref<4x2048x1024xf32, #tpu.memory_space<hbm>> -> memref<1x16x1024xf32, #tpu.memory_space<hbm>>
    %dma_wait3A_137 = tpu.memref_squeeze %dma_wait3A_136 : memref<1x16x1024xf32, #tpu.memory_space<hbm>> -> memref<16x1024xf32, #tpu.memory_space<hbm>>
    %dma_wait3A_138 = arith.constant 0 : i32
    %dma_wait3A_139 = tpu.memref_slice %arg4[%dma_wait3A_134, %add3A_91, %dma_wait3A_138] : memref<4x2048x1024xf32, #tpu.memory_space<hbm>> -> memref<1x16x1024xf32, #tpu.memory_space<hbm>>
    %dma_wait3A_140 = tpu.memref_squeeze %dma_wait3A_139 : memref<1x16x1024xf32, #tpu.memory_space<hbm>> -> memref<16x1024xf32, #tpu.memory_space<hbm>>
    tpu.wait_dma2 semaphore(%arg18 : memref<!tpu.dma_semaphore, #tpu.memory_space<semaphore_mem>>) src(%arg6 : memref<16x1024xf32, #tpu.memory_space<vmem>>) dst(%dma_wait3A_140 : memref<16x1024xf32, #tpu.memory_space<hbm>>)
    %add3A_141 = arith.constant 16 : i32
    %add3A_142 = arith.addi %mul3A_2, %add3A_141 : i32
    %dma_start3A_143 = arith.constant 2 : i32
    %dma_start3A_144 = arith.constant 0 : i32
    %dma_start3A_145 = tpu.memref_slice %arg2[%dma_start3A_143, %add3A_142, %dma_start3A_144] : memref<4x2048x1024xf32, #tpu.memory_space<hbm>> -> memref<1x16x1024xf32, #tpu.memory_space<hbm>>
    %dma_start3A_146 = tpu.memref_squeeze %dma_start3A_145 : memref<1x16x1024xf32, #tpu.memory_space<hbm>> -> memref<16x1024xf32, #tpu.memory_space<hbm>>
    %dma_start3A_147 = arith.constant 0 : i32
    %dma_start3A_148 = tpu.memref_slice %arg2[%dma_start3A_143, %add3A_142, %dma_start3A_147] : memref<4x2048x1024xf32, #tpu.memory_space<hbm>> -> memref<1x16x1024xf32, #tpu.memory_space<hbm>>
    %dma_start3A_149 = tpu.memref_squeeze %dma_start3A_148 : memref<1x16x1024xf32, #tpu.memory_space<hbm>> -> memref<16x1024xf32, #tpu.memory_space<hbm>>
    tpu.enqueue_dma source(%dma_start3A_149 : memref<16x1024xf32, #tpu.memory_space<hbm>>) target(%arg6 : memref<16x1024xf32, #tpu.memory_space<vmem>>) target_semaphore(%arg13 : memref<!tpu.dma_semaphore, #tpu.memory_space<semaphore_mem>>)
    %dma_wait3A_150 = arith.constant 3 : i32
    %dma_wait3A_151 = arith.constant 0 : i32
    %dma_wait3A_152 = tpu.memref_slice %arg2[%dma_wait3A_150, %add3A_42, %dma_wait3A_151] : memref<4x2048x1024xf32, #tpu.memory_space<hbm>> -> memref<1x16x1024xf32, #tpu.memory_space<hbm>>
    %dma_wait3A_153 = tpu.memref_squeeze %dma_wait3A_152 : memref<1x16x1024xf32, #tpu.memory_space<hbm>> -> memref<16x1024xf32, #tpu.memory_space<hbm>>
    %dma_wait3A_154 = arith.constant 0 : i32
    %dma_wait3A_155 = tpu.memref_slice %arg2[%dma_wait3A_150, %add3A_42, %dma_wait3A_154] : memref<4x2048x1024xf32, #tpu.memory_space<hbm>> -> memref<1x16x1024xf32, #tpu.memory_space<hbm>>
    %dma_wait3A_156 = tpu.memref_squeeze %dma_wait3A_155 : memref<1x16x1024xf32, #tpu.memory_space<hbm>> -> memref<16x1024xf32, #tpu.memory_space<hbm>>
    tpu.wait_dma2 semaphore(%arg15 : memref<!tpu.dma_semaphore, #tpu.memory_space<semaphore_mem>>) src(%dma_wait3A_156 : memref<16x1024xf32, #tpu.memory_space<hbm>>) dst(%arg8 : memref<16x1024xf32, #tpu.memory_space<vmem>>)
    %parallel_loop3A_157 = arith.constant 0 : i32
    %parallel_loop3A_158 = arith.constant 16384 : i32
    %parallel_loop3A_159 = arith.constant 16 : i32
    scf.for %parallel_loop3A_600 = %parallel_loop3A_157 to %parallel_loop3A_158 step %parallel_loop3A_159  : i32 {
      %parallel_loop3A_601 = arith.constant 1024 : i32
      %parallel_loop3A_602 = arith.divsi %parallel_loop3A_600, %parallel_loop3A_601 : i32
      %parallel_loop3A_603 = arith.constant 0 : i32
      %parallel_loop3A_604 = arith.cmpi sgt, %parallel_loop3A_600, %parallel_loop3A_603 : i32
      %parallel_loop3A_605 = arith.extui %parallel_loop3A_604 : i1 to i32
      %parallel_loop3A_606 = arith.constant 0 : i32
      %parallel_loop3A_607 = arith.cmpi slt, %parallel_loop3A_600, %parallel_loop3A_606 : i32
      %parallel_loop3A_608 = arith.extui %parallel_loop3A_607 : i1 to i32
      %parallel_loop3A_609 = arith.subi %parallel_loop3A_605, %parallel_loop3A_608 : i32
      %parallel_loop3A_610 = arith.constant 0 : i32
      %parallel_loop3A_611 = arith.cmpi sgt, %parallel_loop3A_601, %parallel_loop3A_610 : i32
      %parallel_loop3A_612 = arith.extui %parallel_loop3A_611 : i1 to i32
      %parallel_loop3A_613 = arith.constant 0 : i32
      %parallel_loop3A_614 = arith.cmpi slt, %parallel_loop3A_601, %parallel_loop3A_613 : i32
      %parallel_loop3A_615 = arith.extui %parallel_loop3A_614 : i1 to i32
      %parallel_loop3A_616 = arith.subi %parallel_loop3A_612, %parallel_loop3A_615 : i32
      %parallel_loop3A_617 = arith.cmpi ne, %parallel_loop3A_609, %parallel_loop3A_616 : i32
      %parallel_loop3A_618 = arith.remsi %parallel_loop3A_600, %parallel_loop3A_601 : i32
      %parallel_loop3A_619 = arith.constant 0 : i32
      %parallel_loop3A_620 = arith.cmpi ne, %parallel_loop3A_618, %parallel_loop3A_619 : i32
      %parallel_loop3A_621 = arith.andi %parallel_loop3A_617, %parallel_loop3A_620 : i1
      %parallel_loop3A_622 = arith.constant 1 : i32
      %parallel_loop3A_623 = arith.subi %parallel_loop3A_602, %parallel_loop3A_622 : i32
      %parallel_loop3A_624 = arith.select %parallel_loop3A_621, %parallel_loop3A_623, %parallel_loop3A_602 : i32
      %parallel_loop3A_625 = arith.constant 1024 : i32
      %parallel_loop3A_626 = arith.constant 0 : i32
      %parallel_loop3A_627 = arith.cmpi eq, %parallel_loop3A_625, %parallel_loop3A_626 : i32
      %parallel_loop3A_628 = arith.constant 1 : i32
      %parallel_loop3A_629 = arith.select %parallel_loop3A_627, %parallel_loop3A_628, %parallel_loop3A_625 : i32
      %parallel_loop3A_630 = arith.remsi %parallel_loop3A_600, %parallel_loop3A_629 : i32
      %parallel_loop3A_631 = arith.constant 0 : i32
      %parallel_loop3A_632 = arith.cmpi ne, %parallel_loop3A_630, %parallel_loop3A_631 : i32
      %parallel_loop3A_633 = arith.constant 0 : i32
      %parallel_loop3A_634 = arith.cmpi slt, %parallel_loop3A_630, %parallel_loop3A_633 : i32
      %parallel_loop3A_635 = arith.constant 0 : i32
      %parallel_loop3A_636 = arith.cmpi slt, %parallel_loop3A_629, %parallel_loop3A_635 : i32
      %parallel_loop3A_637 = arith.xori %parallel_loop3A_634, %parallel_loop3A_636 : i1
      %parallel_loop3A_638 = arith.andi %parallel_loop3A_637, %parallel_loop3A_632 : i1
      %parallel_loop3A_639 = arith.addi %parallel_loop3A_630, %parallel_loop3A_629 : i32
      %parallel_loop3A_640 = arith.select %parallel_loop3A_638, %parallel_loop3A_639, %parallel_loop3A_630 : i32
      %parallel_loop3A_641 = arith.index_cast %parallel_loop3A_624 : i32 to index
      %parallel_loop3A_642 = arith.index_cast %parallel_loop3A_640 : i32 to index
      %parallel_loop3A_643 = tpu.vector_load %arg10[%parallel_loop3A_641, %parallel_loop3A_642] {strides = array<i32>} : memref<16x1024xf32, #tpu.memory_space<vmem>>, vector<1x16xf32>,
      %parallel_loop3A_644 = vector.shape_cast %parallel_loop3A_643 : vector<1x16xf32> to vector<16xf32>
      %parallel_loop3A_645 = arith.index_cast %parallel_loop3A_624 : i32 to index
      %parallel_loop3A_646 = arith.index_cast %parallel_loop3A_640 : i32 to index
      %parallel_loop3A_647 = tpu.vector_load %arg8[%parallel_loop3A_645, %parallel_loop3A_646] {strides = array<i32>} : memref<16x1024xf32, #tpu.memory_space<vmem>>, vector<1x16xf32>,
      %parallel_loop3A_648 = vector.shape_cast %parallel_loop3A_647 : vector<1x16xf32> to vector<16xf32>
      %parallel_loop3A_649 = vector.shape_cast %parallel_loop3A_644 : vector<16xf32> to vector<1x16xf32>
      tpu.vector_store %arg8[%parallel_loop3A_645, %parallel_loop3A_646], %parallel_loop3A_649 {add = true, strides = array<i32>} : memref<16x1024xf32, #tpu.memory_space<vmem>>, vector<1x16xf32>,
    } {sc.loop_unroll_factor = 4 : i64, sc.parallel_access}
    %add3A_160 = arith.constant 0 : i32
    %add3A_161 = arith.addi %mul3A_2, %add3A_160 : i32
    %dma_start3A_162 = arith.constant 3 : i32
    %dma_start3A_163 = arith.constant 0 : i32
    %dma_start3A_164 = tpu.memref_slice %arg4[%dma_start3A_162, %add3A_161, %dma_start3A_163] : memref<4x2048x1024xf32, #tpu.memory_space<hbm>> -> memref<1x16x1024xf32, #tpu.memory_space<hbm>>
    %dma_start3A_165 = tpu.memref_squeeze %dma_start3A_164 : memref<1x16x1024xf32, #tpu.memory_space<hbm>> -> memref<16x1024xf32, #tpu.memory_space<hbm>>
    %dma_start3A_166 = arith.constant 0 : i32
    %dma_start3A_167 = tpu.memref_slice %arg4[%dma_start3A_162, %add3A_161, %dma_start3A_166] : memref<4x2048x1024xf32, #tpu.memory_space<hbm>> -> memref<1x16x1024xf32, #tpu.memory_space<hbm>>
    %dma_start3A_168 = tpu.memref_squeeze %dma_start3A_167 : memref<1x16x1024xf32, #tpu.memory_space<hbm>> -> memref<16x1024xf32, #tpu.memory_space<hbm>>
    tpu.enqueue_dma source(%arg8 : memref<16x1024xf32, #tpu.memory_space<vmem>>) target(%dma_start3A_168 : memref<16x1024xf32, #tpu.memory_space<hbm>>) target_semaphore(%arg20 : memref<!tpu.dma_semaphore, #tpu.memory_space<semaphore_mem>>)
    %dma_wait3A_169 = arith.constant 2 : i32
    %dma_wait3A_170 = arith.constant 0 : i32
    %dma_wait3A_171 = tpu.memref_slice %arg4[%dma_wait3A_169, %add3A_126, %dma_wait3A_170] : memref<4x2048x1024xf32, #tpu.memory_space<hbm>> -> memref<1x16x1024xf32, #tpu.memory_space<hbm>>
    %dma_wait3A_172 = tpu.memref_squeeze %dma_wait3A_171 : memref<1x16x1024xf32, #tpu.memory_space<hbm>> -> memref<16x1024xf32, #tpu.memory_space<hbm>>
    %dma_wait3A_173 = arith.constant 0 : i32
    %dma_wait3A_174 = tpu.memref_slice %arg4[%dma_wait3A_169, %add3A_126, %dma_wait3A_173] : memref<4x2048x1024xf32, #tpu.memory_space<hbm>> -> memref<1x16x1024xf32, #tpu.memory_space<hbm>>
    %dma_wait3A_175 = tpu.memref_squeeze %dma_wait3A_174 : memref<1x16x1024xf32, #tpu.memory_space<hbm>> -> memref<16x1024xf32, #tpu.memory_space<hbm>>
    tpu.wait_dma2 semaphore(%arg19 : memref<!tpu.dma_semaphore, #tpu.memory_space<semaphore_mem>>) src(%arg7 : memref<16x1024xf32, #tpu.memory_space<vmem>>) dst(%dma_wait3A_175 : memref<16x1024xf32, #tpu.memory_space<hbm>>)
    %add3A_176 = arith.constant 16 : i32
    %add3A_177 = arith.addi %mul3A_2, %add3A_176 : i32
    %dma_start3A_178 = arith.constant 3 : i32
    %dma_start3A_179 = arith.constant 0 : i32
    %dma_start3A_180 = tpu.memref_slice %arg2[%dma_start3A_178, %add3A_177, %dma_start3A_179] : memref<4x2048x1024xf32, #tpu.memory_space<hbm>> -> memref<1x16x1024xf32, #tpu.memory_space<hbm>>
    %dma_start3A_181 = tpu.memref_squeeze %dma_start3A_180 : memref<1x16x1024xf32, #tpu.memory_space<hbm>> -> memref<16x1024xf32, #tpu.memory_space<hbm>>
    %dma_start3A_182 = arith.constant 0 : i32
    %dma_start3A_183 = tpu.memref_slice %arg2[%dma_start3A_178, %add3A_177, %dma_start3A_182] : memref<4x2048x1024xf32, #tpu.memory_space<hbm>> -> memref<1x16x1024xf32, #tpu.memory_space<hbm>>
    %dma_start3A_184 = tpu.memref_squeeze %dma_start3A_183 : memref<1x16x1024xf32, #tpu.memory_space<hbm>> -> memref<16x1024xf32, #tpu.memory_space<hbm>>
    tpu.enqueue_dma source(%dma_start3A_184 : memref<16x1024xf32, #tpu.memory_space<hbm>>) target(%arg7 : memref<16x1024xf32, #tpu.memory_space<vmem>>) target_semaphore(%arg14 : memref<!tpu.dma_semaphore, #tpu.memory_space<semaphore_mem>>)
    %add3A_185 = arith.constant 32 : i32
    %add3A_186 = arith.addi %mul3A_2, %add3A_185 : i32
    %dma_start3A_187 = arith.constant 0 : i32
    %dma_start3A_188 = tpu.memref_slice %arg3[%add3A_186, %dma_start3A_187] : memref<2048x1024xf32, #tpu.memory_space<hbm>> -> memref<16x1024xf32, #tpu.memory_space<hbm>>
    %dma_start3A_189 = arith.constant 0 : i32
    %dma_start3A_190 = tpu.memref_slice %arg3[%add3A_186, %dma_start3A_189] : memref<2048x1024xf32, #tpu.memory_space<hbm>> -> memref<16x1024xf32, #tpu.memory_space<hbm>>
    tpu.enqueue_dma source(%dma_start3A_190 : memref<16x1024xf32, #tpu.memory_space<hbm>>) target(%arg10 : memref<16x1024xf32, #tpu.memory_space<vmem>>) target_semaphore(%arg22 : memref<!tpu.dma_semaphore, #tpu.memory_space<semaphore_mem>>)
    %dma_wait3A_191 = arith.constant 0 : i32
    %dma_wait3A_192 = arith.constant 0 : i32
    %dma_wait3A_193 = tpu.memref_slice %arg2[%dma_wait3A_191, %add3A_72, %dma_wait3A_192] : memref<4x2048x1024xf32, #tpu.memory_space<hbm>> -> memref<1x16x1024xf32, #tpu.memory_space<hbm>>
    %dma_wait3A_194 = tpu.memref_squeeze %dma_wait3A_193 : memref<1x16x1024xf32, #tpu.memory_space<hbm>> -> memref<16x1024xf32, #tpu.memory_space<hbm>>
    %dma_wait3A_195 = arith.constant 0 : i32
    %dma_wait3A_196 = tpu.memref_slice %arg2[%dma_wait3A_191, %add3A_72, %dma_wait3A_195] : memref<4x2048x1024xf32, #tpu.memory_space<hbm>> -> memref<1x16x1024xf32, #tpu.memory_space<hbm>>
    %dma_wait3A_197 = tpu.memref_squeeze %dma_wait3A_196 : memref<1x16x1024xf32, #tpu.memory_space<hbm>> -> memref<16x1024xf32, #tpu.memory_space<hbm>>
    tpu.wait_dma2 semaphore(%arg16 : memref<!tpu.dma_semaphore, #tpu.memory_space<semaphore_mem>>) src(%dma_wait3A_197 : memref<16x1024xf32, #tpu.memory_space<hbm>>) dst(%arg9 : memref<16x1024xf32, #tpu.memory_space<vmem>>)
    %dma_wait3A_198 = arith.constant 0 : i32
    %dma_wait3A_199 = tpu.memref_slice %arg3[%add3A_9, %dma_wait3A_198] : memref<2048x1024xf32, #tpu.memory_space<hbm>> -> memref<16x1024xf32, #tpu.memory_space<hbm>>
    %dma_wait3A_200 = arith.constant 0 : i32
    %dma_wait3A_201 = tpu.memref_slice %arg3[%add3A_9, %dma_wait3A_200] : memref<2048x1024xf32, #tpu.memory_space<hbm>> -> memref<16x1024xf32, #tpu.memory_space<hbm>>
    tpu.wait_dma2 semaphore(%arg23 : memref<!tpu.dma_semaphore, #tpu.memory_space<semaphore_mem>>) src(%dma_wait3A_201 : memref<16x1024xf32, #tpu.memory_space<hbm>>) dst(%arg11 : memref<16x1024xf32, #tpu.memory_space<vmem>>)
    %parallel_loop3A_202 = arith.constant 0 : i32
    %parallel_loop3A_203 = arith.constant 16384 : i32
    %parallel_loop3A_204 = arith.constant 16 : i32
    scf.for %parallel_loop3A_600 = %parallel_loop3A_202 to %parallel_loop3A_203 step %parallel_loop3A_204  : i32 {
      %parallel_loop3A_601 = arith.constant 1024 : i32
      %parallel_loop3A_602 = arith.divsi %parallel_loop3A_600, %parallel_loop3A_601 : i32
      %parallel_loop3A_603 = arith.constant 0 : i32
      %parallel_loop3A_604 = arith.cmpi sgt, %parallel_loop3A_600, %parallel_loop3A_603 : i32
      %parallel_loop3A_605 = arith.extui %parallel_loop3A_604 : i1 to i32
      %parallel_loop3A_606 = arith.constant 0 : i32
      %parallel_loop3A_607 = arith.cmpi slt, %parallel_loop3A_600, %parallel_loop3A_606 : i32
      %parallel_loop3A_608 = arith.extui %parallel_loop3A_607 : i1 to i32
      %parallel_loop3A_609 = arith.subi %parallel_loop3A_605, %parallel_loop3A_608 : i32
      %parallel_loop3A_610 = arith.constant 0 : i32
      %parallel_loop3A_611 = arith.cmpi sgt, %parallel_loop3A_601, %parallel_loop3A_610 : i32
      %parallel_loop3A_612 = arith.extui %parallel_loop3A_611 : i1 to i32
      %parallel_loop3A_613 = arith.constant 0 : i32
      %parallel_loop3A_614 = arith.cmpi slt, %parallel_loop3A_601, %parallel_loop3A_613 : i32
      %parallel_loop3A_615 = arith.extui %parallel_loop3A_614 : i1 to i32
      %parallel_loop3A_616 = arith.subi %parallel_loop3A_612, %parallel_loop3A_615 : i32
      %parallel_loop3A_617 = arith.cmpi ne, %parallel_loop3A_609, %parallel_loop3A_616 : i32
      %parallel_loop3A_618 = arith.remsi %parallel_loop3A_600, %parallel_loop3A_601 : i32
      %parallel_loop3A_619 = arith.constant 0 : i32
      %parallel_loop3A_620 = arith.cmpi ne, %parallel_loop3A_618, %parallel_loop3A_619 : i32
      %parallel_loop3A_621 = arith.andi %parallel_loop3A_617, %parallel_loop3A_620 : i1
      %parallel_loop3A_622 = arith.constant 1 : i32
      %parallel_loop3A_623 = arith.subi %parallel_loop3A_602, %parallel_loop3A_622 : i32
      %parallel_loop3A_624 = arith.select %parallel_loop3A_621, %parallel_loop3A_623, %parallel_loop3A_602 : i32
      %parallel_loop3A_625 = arith.constant 1024 : i32
      %parallel_loop3A_626 = arith.constant 0 : i32
      %parallel_loop3A_627 = arith.cmpi eq, %parallel_loop3A_625, %parallel_loop3A_626 : i32
      %parallel_loop3A_628 = arith.constant 1 : i32
      %parallel_loop3A_629 = arith.select %parallel_loop3A_627, %parallel_loop3A_628, %parallel_loop3A_625 : i32
      %parallel_loop3A_630 = arith.remsi %parallel_loop3A_600, %parallel_loop3A_629 : i32
      %parallel_loop3A_631 = arith.constant 0 : i32
      %parallel_loop3A_632 = arith.cmpi ne, %parallel_loop3A_630, %parallel_loop3A_631 : i32
      %parallel_loop3A_633 = arith.constant 0 : i32
      %parallel_loop3A_634 = arith.cmpi slt, %parallel_loop3A_630, %parallel_loop3A_633 : i32
      %parallel_loop3A_635 = arith.constant 0 : i32
      %parallel_loop3A_636 = arith.cmpi slt, %parallel_loop3A_629, %parallel_loop3A_635 : i32
      %parallel_loop3A_637 = arith.xori %parallel_loop3A_634, %parallel_loop3A_636 : i1
      %parallel_loop3A_638 = arith.andi %parallel_loop3A_637, %parallel_loop3A_632 : i1
      %parallel_loop3A_639 = arith.addi %parallel_loop3A_630, %parallel_loop3A_629 : i32
      %parallel_loop3A_640 = arith.select %parallel_loop3A_638, %parallel_loop3A_639, %parallel_loop3A_630 : i32
      %parallel_loop3A_641 = arith.index_cast %parallel_loop3A_624 : i32 to index
      %parallel_loop3A_642 = arith.index_cast %parallel_loop3A_640 : i32 to index
      %parallel_loop3A_643 = tpu.vector_load %arg11[%parallel_loop3A_641, %parallel_loop3A_642] {strides = array<i32>} : memref<16x1024xf32, #tpu.memory_space<vmem>>, vector<1x16xf32>,
      %parallel_loop3A_644 = vector.shape_cast %parallel_loop3A_643 : vector<1x16xf32> to vector<16xf32>
      %parallel_loop3A_645 = arith.index_cast %parallel_loop3A_624 : i32 to index
      %parallel_loop3A_646 = arith.index_cast %parallel_loop3A_640 : i32 to index
      %parallel_loop3A_647 = tpu.vector_load %arg9[%parallel_loop3A_645, %parallel_loop3A_646] {strides = array<i32>} : memref<16x1024xf32, #tpu.memory_space<vmem>>, vector<1x16xf32>,
      %parallel_loop3A_648 = vector.shape_cast %parallel_loop3A_647 : vector<1x16xf32> to vector<16xf32>
      %parallel_loop3A_649 = vector.shape_cast %parallel_loop3A_644 : vector<16xf32> to vector<1x16xf32>
      tpu.vector_store %arg9[%parallel_loop3A_645, %parallel_loop3A_646], %parallel_loop3A_649 {add = true, strides = array<i32>} : memref<16x1024xf32, #tpu.memory_space<vmem>>, vector<1x16xf32>,
    } {sc.loop_unroll_factor = 4 : i64, sc.parallel_access}
    %add3A_205 = arith.constant 16 : i32
    %add3A_206 = arith.addi %mul3A_2, %add3A_205 : i32
    %dma_start3A_207 = arith.constant 0 : i32
    %dma_start3A_208 = arith.constant 0 : i32
    %dma_start3A_209 = tpu.memref_slice %arg4[%dma_start3A_207, %add3A_206, %dma_start3A_208] : memref<4x2048x1024xf32, #tpu.memory_space<hbm>> -> memref<1x16x1024xf32, #tpu.memory_space<hbm>>
    %dma_start3A_210 = tpu.memref_squeeze %dma_start3A_209 : memref<1x16x1024xf32, #tpu.memory_space<hbm>> -> memref<16x1024xf32, #tpu.memory_space<hbm>>
    %dma_start3A_211 = arith.constant 0 : i32
    %dma_start3A_212 = tpu.memref_slice %arg4[%dma_start3A_207, %add3A_206, %dma_start3A_211] : memref<4x2048x1024xf32, #tpu.memory_space<hbm>> -> memref<1x16x1024xf32, #tpu.memory_space<hbm>>
    %dma_start3A_213 = tpu.memref_squeeze %dma_start3A_212 : memref<1x16x1024xf32, #tpu.memory_space<hbm>> -> memref<16x1024xf32, #tpu.memory_space<hbm>>
    tpu.enqueue_dma source(%arg9 : memref<16x1024xf32, #tpu.memory_space<vmem>>) target(%dma_start3A_213 : memref<16x1024xf32, #tpu.memory_space<hbm>>) target_semaphore(%arg21 : memref<!tpu.dma_semaphore, #tpu.memory_space<semaphore_mem>>)
    %dma_wait3A_214 = arith.constant 3 : i32
    %dma_wait3A_215 = arith.constant 0 : i32
    %dma_wait3A_216 = tpu.memref_slice %arg4[%dma_wait3A_214, %add3A_161, %dma_wait3A_215] : memref<4x2048x1024xf32, #tpu.memory_space<hbm>> -> memref<1x16x1024xf32, #tpu.memory_space<hbm>>
    %dma_wait3A_217 = tpu.memref_squeeze %dma_wait3A_216 : memref<1x16x1024xf32, #tpu.memory_space<hbm>> -> memref<16x1024xf32, #tpu.memory_space<hbm>>
    %dma_wait3A_218 = arith.constant 0 : i32
    %dma_wait3A_219 = tpu.memref_slice %arg4[%dma_wait3A_214, %add3A_161, %dma_wait3A_218] : memref<4x2048x1024xf32, #tpu.memory_space<hbm>> -> memref<1x16x1024xf32, #tpu.memory_space<hbm>>
    %dma_wait3A_220 = tpu.memref_squeeze %dma_wait3A_219 : memref<1x16x1024xf32, #tpu.memory_space<hbm>> -> memref<16x1024xf32, #tpu.memory_space<hbm>>
    tpu.wait_dma2 semaphore(%arg20 : memref<!tpu.dma_semaphore, #tpu.memory_space<semaphore_mem>>) src(%arg8 : memref<16x1024xf32, #tpu.memory_space<vmem>>) dst(%dma_wait3A_220 : memref<16x1024xf32, #tpu.memory_space<hbm>>)
    %add3A_221 = arith.constant 32 : i32
    %add3A_222 = arith.addi %mul3A_2, %add3A_221 : i32
    %dma_start3A_223 = arith.constant 0 : i32
    %dma_start3A_224 = arith.constant 0 : i32
    %dma_start3A_225 = tpu.memref_slice %arg2[%dma_start3A_223, %add3A_222, %dma_start3A_224] : memref<4x2048x1024xf32, #tpu.memory_space<hbm>> -> memref<1x16x1024xf32, #tpu.memory_space<hbm>>
    %dma_start3A_226 = tpu.memref_squeeze %dma_start3A_225 : memref<1x16x1024xf32, #tpu.memory_space<hbm>> -> memref<16x1024xf32, #tpu.memory_space<hbm>>
    %dma_start3A_227 = arith.constant 0 : i32
    %dma_start3A_228 = tpu.memref_slice %arg2[%dma_start3A_223, %add3A_222, %dma_start3A_227] : memref<4x2048x1024xf32, #tpu.memory_space<hbm>> -> memref<1x16x1024xf32, #tpu.memory_space<hbm>>
    %dma_start3A_229 = tpu.memref_squeeze %dma_start3A_228 : memref<1x16x1024xf32, #tpu.memory_space<hbm>> -> memref<16x1024xf32, #tpu.memory_space<hbm>>
    tpu.enqueue_dma source(%dma_start3A_229 : memref<16x1024xf32, #tpu.memory_space<hbm>>) target(%arg8 : memref<16x1024xf32, #tpu.memory_space<vmem>>) target_semaphore(%arg15 : memref<!tpu.dma_semaphore, #tpu.memory_space<semaphore_mem>>)
    %dma_wait3A_230 = arith.constant 1 : i32
    %dma_wait3A_231 = arith.constant 0 : i32
    %dma_wait3A_232 = tpu.memref_slice %arg2[%dma_wait3A_230, %add3A_107, %dma_wait3A_231] : memref<4x2048x1024xf32, #tpu.memory_space<hbm>> -> memref<1x16x1024xf32, #tpu.memory_space<hbm>>
    %dma_wait3A_233 = tpu.memref_squeeze %dma_wait3A_232 : memref<1x16x1024xf32, #tpu.memory_space<hbm>> -> memref<16x1024xf32, #tpu.memory_space<hbm>>
    %dma_wait3A_234 = arith.constant 0 : i32
    %dma_wait3A_235 = tpu.memref_slice %arg2[%dma_wait3A_230, %add3A_107, %dma_wait3A_234] : memref<4x2048x1024xf32, #tpu.memory_space<hbm>> -> memref<1x16x1024xf32, #tpu.memory_space<hbm>>
    %dma_wait3A_236 = tpu.memref_squeeze %dma_wait3A_235 : memref<1x16x1024xf32, #tpu.memory_space<hbm>> -> memref<16x1024xf32, #tpu.memory_space<hbm>>
    tpu.wait_dma2 semaphore(%arg12 : memref<!tpu.dma_semaphore, #tpu.memory_space<semaphore_mem>>) src(%dma_wait3A_236 : memref<16x1024xf32, #tpu.memory_space<hbm>>) dst(%arg5 : memref<16x1024xf32, #tpu.memory_space<vmem>>)
    %parallel_loop3A_237 = arith.constant 0 : i32
    %parallel_loop3A_238 = arith.constant 16384 : i32
    %parallel_loop3A_239 = arith.constant 16 : i32
    scf.for %parallel_loop3A_600 = %parallel_loop3A_237 to %parallel_loop3A_238 step %parallel_loop3A_239  : i32 {
      %parallel_loop3A_601 = arith.constant 1024 : i32
      %parallel_loop3A_602 = arith.divsi %parallel_loop3A_600, %parallel_loop3A_601 : i32
      %parallel_loop3A_603 = arith.constant 0 : i32
      %parallel_loop3A_604 = arith.cmpi sgt, %parallel_loop3A_600, %parallel_loop3A_603 : i32
      %parallel_loop3A_605 = arith.extui %parallel_loop3A_604 : i1 to i32
      %parallel_loop3A_606 = arith.constant 0 : i32
      %parallel_loop3A_607 = arith.cmpi slt, %parallel_loop3A_600, %parallel_loop3A_606 : i32
      %parallel_loop3A_608 = arith.extui %parallel_loop3A_607 : i1 to i32
      %parallel_loop3A_609 = arith.subi %parallel_loop3A_605, %parallel_loop3A_608 : i32
      %parallel_loop3A_610 = arith.constant 0 : i32
      %parallel_loop3A_611 = arith.cmpi sgt, %parallel_loop3A_601, %parallel_loop3A_610 : i32
      %parallel_loop3A_612 = arith.extui %parallel_loop3A_611 : i1 to i32
      %parallel_loop3A_613 = arith.constant 0 : i32
      %parallel_loop3A_614 = arith.cmpi slt, %parallel_loop3A_601, %parallel_loop3A_613 : i32
      %parallel_loop3A_615 = arith.extui %parallel_loop3A_614 : i1 to i32
      %parallel_loop3A_616 = arith.subi %parallel_loop3A_612, %parallel_loop3A_615 : i32
      %parallel_loop3A_617 = arith.cmpi ne, %parallel_loop3A_609, %parallel_loop3A_616 : i32
      %parallel_loop3A_618 = arith.remsi %parallel_loop3A_600, %parallel_loop3A_601 : i32
      %parallel_loop3A_619 = arith.constant 0 : i32
      %parallel_loop3A_620 = arith.cmpi ne, %parallel_loop3A_618, %parallel_loop3A_619 : i32
      %parallel_loop3A_621 = arith.andi %parallel_loop3A_617, %parallel_loop3A_620 : i1
      %parallel_loop3A_622 = arith.constant 1 : i32
      %parallel_loop3A_623 = arith.subi %parallel_loop3A_602, %parallel_loop3A_622 : i32
      %parallel_loop3A_624 = arith.select %parallel_loop3A_621, %parallel_loop3A_623, %parallel_loop3A_602 : i32
      %parallel_loop3A_625 = arith.constant 1024 : i32
      %parallel_loop3A_626 = arith.constant 0 : i32
      %parallel_loop3A_627 = arith.cmpi eq, %parallel_loop3A_625, %parallel_loop3A_626 : i32
      %parallel_loop3A_628 = arith.constant 1 : i32
      %parallel_loop3A_629 = arith.select %parallel_loop3A_627, %parallel_loop3A_628, %parallel_loop3A_625 : i32
      %parallel_loop3A_630 = arith.remsi %parallel_loop3A_600, %parallel_loop3A_629 : i32
      %parallel_loop3A_631 = arith.constant 0 : i32
      %parallel_loop3A_632 = arith.cmpi ne, %parallel_loop3A_630, %parallel_loop3A_631 : i32
      %parallel_loop3A_633 = arith.constant 0 : i32
      %parallel_loop3A_634 = arith.cmpi slt, %parallel_loop3A_630, %parallel_loop3A_633 : i32
      %parallel_loop3A_635 = arith.constant 0 : i32
      %parallel_loop3A_636 = arith.cmpi slt, %parallel_loop3A_629, %parallel_loop3A_635 : i32
      %parallel_loop3A_637 = arith.xori %parallel_loop3A_634, %parallel_loop3A_636 : i1
      %parallel_loop3A_638 = arith.andi %parallel_loop3A_637, %parallel_loop3A_632 : i1
      %parallel_loop3A_639 = arith.addi %parallel_loop3A_630, %parallel_loop3A_629 : i32
      %parallel_loop3A_640 = arith.select %parallel_loop3A_638, %parallel_loop3A_639, %parallel_loop3A_630 : i32
      %parallel_loop3A_641 = arith.index_cast %parallel_loop3A_624 : i32 to index
      %parallel_loop3A_642 = arith.index_cast %parallel_loop3A_640 : i32 to index
      %parallel_loop3A_643 = tpu.vector_load %arg11[%parallel_loop3A_641, %parallel_loop3A_642] {strides = array<i32>} : memref<16x1024xf32, #tpu.memory_space<vmem>>, vector<1x16xf32>,
      %parallel_loop3A_644 = vector.shape_cast %parallel_loop3A_643 : vector<1x16xf32> to vector<16xf32>
      %parallel_loop3A_645 = arith.index_cast %parallel_loop3A_624 : i32 to index
      %parallel_loop3A_646 = arith.index_cast %parallel_loop3A_640 : i32 to index
      %parallel_loop3A_647 = tpu.vector_load %arg5[%parallel_loop3A_645, %parallel_loop3A_646] {strides = array<i32>} : memref<16x1024xf32, #tpu.memory_space<vmem>>, vector<1x16xf32>,
      %parallel_loop3A_648 = vector.shape_cast %parallel_loop3A_647 : vector<1x16xf32> to vector<16xf32>
      %parallel_loop3A_649 = vector.shape_cast %parallel_loop3A_644 : vector<16xf32> to vector<1x16xf32>
      tpu.vector_store %arg5[%parallel_loop3A_645, %parallel_loop3A_646], %parallel_loop3A_649 {add = true, strides = array<i32>} : memref<16x1024xf32, #tpu.memory_space<vmem>>, vector<1x16xf32>,
    } {sc.loop_unroll_factor = 4 : i64, sc.parallel_access}
    %add3A_240 = arith.constant 16 : i32
    %add3A_241 = arith.addi %mul3A_2, %add3A_240 : i32
    %dma_start3A_242 = arith.constant 1 : i32
    %dma_start3A_243 = arith.constant 0 : i32
    %dma_start3A_244 = tpu.memref_slice %arg4[%dma_start3A_242, %add3A_241, %dma_start3A_243] : memref<4x2048x1024xf32, #tpu.memory_space<hbm>> -> memref<1x16x1024xf32, #tpu.memory_space<hbm>>
    %dma_start3A_245 = tpu.memref_squeeze %dma_start3A_244 : memref<1x16x1024xf32, #tpu.memory_space<hbm>> -> memref<16x1024xf32, #tpu.memory_space<hbm>>
    %dma_start3A_246 = arith.constant 0 : i32
    %dma_start3A_247 = tpu.memref_slice %arg4[%dma_start3A_242, %add3A_241, %dma_start3A_246] : memref<4x2048x1024xf32, #tpu.memory_space<hbm>> -> memref<1x16x1024xf32, #tpu.memory_space<hbm>>
    %dma_start3A_248 = tpu.memref_squeeze %dma_start3A_247 : memref<1x16x1024xf32, #tpu.memory_space<hbm>> -> memref<16x1024xf32, #tpu.memory_space<hbm>>
    tpu.enqueue_dma source(%arg5 : memref<16x1024xf32, #tpu.memory_space<vmem>>) target(%dma_start3A_248 : memref<16x1024xf32, #tpu.memory_space<hbm>>) target_semaphore(%arg17 : memref<!tpu.dma_semaphore, #tpu.memory_space<semaphore_mem>>)
    %dma_wait3A_249 = arith.constant 0 : i32
    %dma_wait3A_250 = arith.constant 0 : i32
    %dma_wait3A_251 = tpu.memref_slice %arg4[%dma_wait3A_249, %add3A_206, %dma_wait3A_250] : memref<4x2048x1024xf32, #tpu.memory_space<hbm>> -> memref<1x16x1024xf32, #tpu.memory_space<hbm>>
    %dma_wait3A_252 = tpu.memref_squeeze %dma_wait3A_251 : memref<1x16x1024xf32, #tpu.memory_space<hbm>> -> memref<16x1024xf32, #tpu.memory_space<hbm>>
    %dma_wait3A_253 = arith.constant 0 : i32
    %dma_wait3A_254 = tpu.memref_slice %arg4[%dma_wait3A_249, %add3A_206, %dma_wait3A_253] : memref<4x2048x1024xf32, #tpu.memory_space<hbm>> -> memref<1x16x1024xf32, #tpu.memory_space<hbm>>
    %dma_wait3A_255 = tpu.memref_squeeze %dma_wait3A_254 : memref<1x16x1024xf32, #tpu.memory_space<hbm>> -> memref<16x1024xf32, #tpu.memory_space<hbm>>
    tpu.wait_dma2 semaphore(%arg21 : memref<!tpu.dma_semaphore, #tpu.memory_space<semaphore_mem>>) src(%arg9 : memref<16x1024xf32, #tpu.memory_space<vmem>>) dst(%dma_wait3A_255 : memref<16x1024xf32, #tpu.memory_space<hbm>>)
    %add3A_256 = arith.constant 32 : i32
    %add3A_257 = arith.addi %mul3A_2, %add3A_256 : i32
    %dma_start3A_258 = arith.constant 1 : i32
    %dma_start3A_259 = arith.constant 0 : i32
    %dma_start3A_260 = tpu.memref_slice %arg2[%dma_start3A_258, %add3A_257, %dma_start3A_259] : memref<4x2048x1024xf32, #tpu.memory_space<hbm>> -> memref<1x16x1024xf32, #tpu.memory_space<hbm>>
    %dma_start3A_261 = tpu.memref_squeeze %dma_start3A_260 : memref<1x16x1024xf32, #tpu.memory_space<hbm>> -> memref<16x1024xf32, #tpu.memory_space<hbm>>
    %dma_start3A_262 = arith.constant 0 : i32
    %dma_start3A_263 = tpu.memref_slice %arg2[%dma_start3A_258, %add3A_257, %dma_start3A_262] : memref<4x2048x1024xf32, #tpu.memory_space<hbm>> -> memref<1x16x1024xf32, #tpu.memory_space<hbm>>
    %dma_start3A_264 = tpu.memref_squeeze %dma_start3A_263 : memref<1x16x1024xf32, #tpu.memory_space<hbm>> -> memref<16x1024xf32, #tpu.memory_space<hbm>>
    tpu.enqueue_dma source(%dma_start3A_264 : memref<16x1024xf32, #tpu.memory_space<hbm>>) target(%arg9 : memref<16x1024xf32, #tpu.memory_space<vmem>>) target_semaphore(%arg16 : memref<!tpu.dma_semaphore, #tpu.memory_space<semaphore_mem>>)
    %dma_wait3A_265 = arith.constant 2 : i32
    %dma_wait3A_266 = arith.constant 0 : i32
    %dma_wait3A_267 = tpu.memref_slice %arg2[%dma_wait3A_265, %add3A_142, %dma_wait3A_266] : memref<4x2048x1024xf32, #tpu.memory_space<hbm>> -> memref<1x16x1024xf32, #tpu.memory_space<hbm>>
    %dma_wait3A_268 = tpu.memref_squeeze %dma_wait3A_267 : memref<1x16x1024xf32, #tpu.memory_space<hbm>> -> memref<16x1024xf32, #tpu.memory_space<hbm>>
    %dma_wait3A_269 = arith.constant 0 : i32
    %dma_wait3A_270 = tpu.memref_slice %arg2[%dma_wait3A_265, %add3A_142, %dma_wait3A_269] : memref<4x2048x1024xf32, #tpu.memory_space<hbm>> -> memref<1x16x1024xf32, #tpu.memory_space<hbm>>
    %dma_wait3A_271 = tpu.memref_squeeze %dma_wait3A_270 : memref<1x16x1024xf32, #tpu.memory_space<hbm>> -> memref<16x1024xf32, #tpu.memory_space<hbm>>
    tpu.wait_dma2 semaphore(%arg13 : memref<!tpu.dma_semaphore, #tpu.memory_space<semaphore_mem>>) src(%dma_wait3A_271 : memref<16x1024xf32, #tpu.memory_space<hbm>>) dst(%arg6 : memref<16x1024xf32, #tpu.memory_space<vmem>>)
    %parallel_loop3A_272 = arith.constant 0 : i32
    %parallel_loop3A_273 = arith.constant 16384 : i32
    %parallel_loop3A_274 = arith.constant 16 : i32
    scf.for %parallel_loop3A_600 = %parallel_loop3A_272 to %parallel_loop3A_273 step %parallel_loop3A_274  : i32 {
      %parallel_loop3A_601 = arith.constant 1024 : i32
      %parallel_loop3A_602 = arith.divsi %parallel_loop3A_600, %parallel_loop3A_601 : i32
      %parallel_loop3A_603 = arith.constant 0 : i32
      %parallel_loop3A_604 = arith.cmpi sgt, %parallel_loop3A_600, %parallel_loop3A_603 : i32
      %parallel_loop3A_605 = arith.extui %parallel_loop3A_604 : i1 to i32
      %parallel_loop3A_606 = arith.constant 0 : i32
      %parallel_loop3A_607 = arith.cmpi slt, %parallel_loop3A_600, %parallel_loop3A_606 : i32
      %parallel_loop3A_608 = arith.extui %parallel_loop3A_607 : i1 to i32
      %parallel_loop3A_609 = arith.subi %parallel_loop3A_605, %parallel_loop3A_608 : i32
      %parallel_loop3A_610 = arith.constant 0 : i32
      %parallel_loop3A_611 = arith.cmpi sgt, %parallel_loop3A_601, %parallel_loop3A_610 : i32
      %parallel_loop3A_612 = arith.extui %parallel_loop3A_611 : i1 to i32
      %parallel_loop3A_613 = arith.constant 0 : i32
      %parallel_loop3A_614 = arith.cmpi slt, %parallel_loop3A_601, %parallel_loop3A_613 : i32
      %parallel_loop3A_615 = arith.extui %parallel_loop3A_614 : i1 to i32
      %parallel_loop3A_616 = arith.subi %parallel_loop3A_612, %parallel_loop3A_615 : i32
      %parallel_loop3A_617 = arith.cmpi ne, %parallel_loop3A_609, %parallel_loop3A_616 : i32
      %parallel_loop3A_618 = arith.remsi %parallel_loop3A_600, %parallel_loop3A_601 : i32
      %parallel_loop3A_619 = arith.constant 0 : i32
      %parallel_loop3A_620 = arith.cmpi ne, %parallel_loop3A_618, %parallel_loop3A_619 : i32
      %parallel_loop3A_621 = arith.andi %parallel_loop3A_617, %parallel_loop3A_620 : i1
      %parallel_loop3A_622 = arith.constant 1 : i32
      %parallel_loop3A_623 = arith.subi %parallel_loop3A_602, %parallel_loop3A_622 : i32
      %parallel_loop3A_624 = arith.select %parallel_loop3A_621, %parallel_loop3A_623, %parallel_loop3A_602 : i32
      %parallel_loop3A_625 = arith.constant 1024 : i32
      %parallel_loop3A_626 = arith.constant 0 : i32
      %parallel_loop3A_627 = arith.cmpi eq, %parallel_loop3A_625, %parallel_loop3A_626 : i32
      %parallel_loop3A_628 = arith.constant 1 : i32
      %parallel_loop3A_629 = arith.select %parallel_loop3A_627, %parallel_loop3A_628, %parallel_loop3A_625 : i32
      %parallel_loop3A_630 = arith.remsi %parallel_loop3A_600, %parallel_loop3A_629 : i32
      %parallel_loop3A_631 = arith.constant 0 : i32
      %parallel_loop3A_632 = arith.cmpi ne, %parallel_loop3A_630, %parallel_loop3A_631 : i32
      %parallel_loop3A_633 = arith.constant 0 : i32
      %parallel_loop3A_634 = arith.cmpi slt, %parallel_loop3A_630, %parallel_loop3A_633 : i32
      %parallel_loop3A_635 = arith.constant 0 : i32
      %parallel_loop3A_636 = arith.cmpi slt, %parallel_loop3A_629, %parallel_loop3A_635 : i32
      %parallel_loop3A_637 = arith.xori %parallel_loop3A_634, %parallel_loop3A_636 : i1
      %parallel_loop3A_638 = arith.andi %parallel_loop3A_637, %parallel_loop3A_632 : i1
      %parallel_loop3A_639 = arith.addi %parallel_loop3A_630, %parallel_loop3A_629 : i32
      %parallel_loop3A_640 = arith.select %parallel_loop3A_638, %parallel_loop3A_639, %parallel_loop3A_630 : i32
      %parallel_loop3A_641 = arith.index_cast %parallel_loop3A_624 : i32 to index
      %parallel_loop3A_642 = arith.index_cast %parallel_loop3A_640 : i32 to index
      %parallel_loop3A_643 = tpu.vector_load %arg11[%parallel_loop3A_641, %parallel_loop3A_642] {strides = array<i32>} : memref<16x1024xf32, #tpu.memory_space<vmem>>, vector<1x16xf32>,
      %parallel_loop3A_644 = vector.shape_cast %parallel_loop3A_643 : vector<1x16xf32> to vector<16xf32>
      %parallel_loop3A_645 = arith.index_cast %parallel_loop3A_624 : i32 to index
      %parallel_loop3A_646 = arith.index_cast %parallel_loop3A_640 : i32 to index
      %parallel_loop3A_647 = tpu.vector_load %arg6[%parallel_loop3A_645, %parallel_loop3A_646] {strides = array<i32>} : memref<16x1024xf32, #tpu.memory_space<vmem>>, vector<1x16xf32>,
      %parallel_loop3A_648 = vector.shape_cast %parallel_loop3A_647 : vector<1x16xf32> to vector<16xf32>
      %parallel_loop3A_649 = vector.shape_cast %parallel_loop3A_644 : vector<16xf32> to vector<1x16xf32>
      tpu.vector_store %arg6[%parallel_loop3A_645, %parallel_loop3A_646], %parallel_loop3A_649 {add = true, strides = array<i32>} : memref<16x1024xf32, #tpu.memory_space<vmem>>, vector<1x16xf32>,
    } {sc.loop_unroll_factor = 4 : i64, sc.parallel_access}
    %add3A_275 = arith.constant 16 : i32
    %add3A_276 = arith.addi %mul3A_2, %add3A_275 : i32
    %dma_start3A_277 = arith.constant 2 : i32
    %dma_start3A_278 = arith.constant 0 : i32
    %dma_start3A_279 = tpu.memref_slice %arg4[%dma_start3A_277, %add3A_276, %dma_start3A_278] : memref<4x2048x1024xf32, #tpu.memory_space<hbm>> -> memref<1x16x1024xf32, #tpu.memory_space<hbm>>
    %dma_start3A_280 = tpu.memref_squeeze %dma_start3A_279 : memref<1x16x1024xf32, #tpu.memory_space<hbm>> -> memref<16x1024xf32, #tpu.memory_space<hbm>>
    %dma_start3A_281 = arith.constant 0 : i32
    %dma_start3A_282 = tpu.memref_slice %arg4[%dma_start3A_277, %add3A_276, %dma_start3A_281] : memref<4x2048x1024xf32, #tpu.memory_space<hbm>> -> memref<1x16x1024xf32, #tpu.memory_space<hbm>>
    %dma_start3A_283 = tpu.memref_squeeze %dma_start3A_282 : memref<1x16x1024xf32, #tpu.memory_space<hbm>> -> memref<16x1024xf32, #tpu.memory_space<hbm>>
    tpu.enqueue_dma source(%arg6 : memref<16x1024xf32, #tpu.memory_space<vmem>>) target(%dma_start3A_283 : memref<16x1024xf32, #tpu.memory_space<hbm>>) target_semaphore(%arg18 : memref<!tpu.dma_semaphore, #tpu.memory_space<semaphore_mem>>)
    %dma_wait3A_284 = arith.constant 1 : i32
    %dma_wait3A_285 = arith.constant 0 : i32
    %dma_wait3A_286 = tpu.memref_slice %arg4[%dma_wait3A_284, %add3A_241, %dma_wait3A_285] : memref<4x2048x1024xf32, #tpu.memory_space<hbm>> -> memref<1x16x1024xf32, #tpu.memory_space<hbm>>
    %dma_wait3A_287 = tpu.memref_squeeze %dma_wait3A_286 : memref<1x16x1024xf32, #tpu.memory_space<hbm>> -> memref<16x1024xf32, #tpu.memory_space<hbm>>
    %dma_wait3A_288 = arith.constant 0 : i32
    %dma_wait3A_289 = tpu.memref_slice %arg4[%dma_wait3A_284, %add3A_241, %dma_wait3A_288] : memref<4x2048x1024xf32, #tpu.memory_space<hbm>> -> memref<1x16x1024xf32, #tpu.memory_space<hbm>>
    %dma_wait3A_290 = tpu.memref_squeeze %dma_wait3A_289 : memref<1x16x1024xf32, #tpu.memory_space<hbm>> -> memref<16x1024xf32, #tpu.memory_space<hbm>>
    tpu.wait_dma2 semaphore(%arg17 : memref<!tpu.dma_semaphore, #tpu.memory_space<semaphore_mem>>) src(%arg5 : memref<16x1024xf32, #tpu.memory_space<vmem>>) dst(%dma_wait3A_290 : memref<16x1024xf32, #tpu.memory_space<hbm>>)
    %add3A_291 = arith.constant 32 : i32
    %add3A_292 = arith.addi %mul3A_2, %add3A_291 : i32
    %dma_start3A_293 = arith.constant 2 : i32
    %dma_start3A_294 = arith.constant 0 : i32
    %dma_start3A_295 = tpu.memref_slice %arg2[%dma_start3A_293, %add3A_292, %dma_start3A_294] : memref<4x2048x1024xf32, #tpu.memory_space<hbm>> -> memref<1x16x1024xf32, #tpu.memory_space<hbm>>
    %dma_start3A_296 = tpu.memref_squeeze %dma_start3A_295 : memref<1x16x1024xf32, #tpu.memory_space<hbm>> -> memref<16x1024xf32, #tpu.memory_space<hbm>>
    %dma_start3A_297 = arith.constant 0 : i32
    %dma_start3A_298 = tpu.memref_slice %arg2[%dma_start3A_293, %add3A_292, %dma_start3A_297] : memref<4x2048x1024xf32, #tpu.memory_space<hbm>> -> memref<1x16x1024xf32, #tpu.memory_space<hbm>>
    %dma_start3A_299 = tpu.memref_squeeze %dma_start3A_298 : memref<1x16x1024xf32, #tpu.memory_space<hbm>> -> memref<16x1024xf32, #tpu.memory_space<hbm>>
    tpu.enqueue_dma source(%dma_start3A_299 : memref<16x1024xf32, #tpu.memory_space<hbm>>) target(%arg5 : memref<16x1024xf32, #tpu.memory_space<vmem>>) target_semaphore(%arg12 : memref<!tpu.dma_semaphore, #tpu.memory_space<semaphore_mem>>)
    %dma_wait3A_300 = arith.constant 3 : i32
    %dma_wait3A_301 = arith.constant 0 : i32
    %dma_wait3A_302 = tpu.memref_slice %arg2[%dma_wait3A_300, %add3A_177, %dma_wait3A_301] : memref<4x2048x1024xf32, #tpu.memory_space<hbm>> -> memref<1x16x1024xf32, #tpu.memory_space<hbm>>
    %dma_wait3A_303 = tpu.memref_squeeze %dma_wait3A_302 : memref<1x16x1024xf32, #tpu.memory_space<hbm>> -> memref<16x1024xf32, #tpu.memory_space<hbm>>
    %dma_wait3A_304 = arith.constant 0 : i32
    %dma_wait3A_305 = tpu.memref_slice %arg2[%dma_wait3A_300, %add3A_177, %dma_wait3A_304] : memref<4x2048x1024xf32, #tpu.memory_space<hbm>> -> memref<1x16x1024xf32, #tpu.memory_space<hbm>>
    %dma_wait3A_306 = tpu.memref_squeeze %dma_wait3A_305 : memref<1x16x1024xf32, #tpu.memory_space<hbm>> -> memref<16x1024xf32, #tpu.memory_space<hbm>>
    tpu.wait_dma2 semaphore(%arg14 : memref<!tpu.dma_semaphore, #tpu.memory_space<semaphore_mem>>) src(%dma_wait3A_306 : memref<16x1024xf32, #tpu.memory_space<hbm>>) dst(%arg7 : memref<16x1024xf32, #tpu.memory_space<vmem>>)
    %parallel_loop3A_307 = arith.constant 0 : i32
    %parallel_loop3A_308 = arith.constant 16384 : i32
    %parallel_loop3A_309 = arith.constant 16 : i32
    scf.for %parallel_loop3A_600 = %parallel_loop3A_307 to %parallel_loop3A_308 step %parallel_loop3A_309  : i32 {
      %parallel_loop3A_601 = arith.constant 1024 : i32
      %parallel_loop3A_602 = arith.divsi %parallel_loop3A_600, %parallel_loop3A_601 : i32
      %parallel_loop3A_603 = arith.constant 0 : i32
      %parallel_loop3A_604 = arith.cmpi sgt, %parallel_loop3A_600, %parallel_loop3A_603 : i32
      %parallel_loop3A_605 = arith.extui %parallel_loop3A_604 : i1 to i32
      %parallel_loop3A_606 = arith.constant 0 : i32
      %parallel_loop3A_607 = arith.cmpi slt, %parallel_loop3A_600, %parallel_loop3A_606 : i32
      %parallel_loop3A_608 = arith.extui %parallel_loop3A_607 : i1 to i32
      %parallel_loop3A_609 = arith.subi %parallel_loop3A_605, %parallel_loop3A_608 : i32
      %parallel_loop3A_610 = arith.constant 0 : i32
      %parallel_loop3A_611 = arith.cmpi sgt, %parallel_loop3A_601, %parallel_loop3A_610 : i32
      %parallel_loop3A_612 = arith.extui %parallel_loop3A_611 : i1 to i32
      %parallel_loop3A_613 = arith.constant 0 : i32
      %parallel_loop3A_614 = arith.cmpi slt, %parallel_loop3A_601, %parallel_loop3A_613 : i32
      %parallel_loop3A_615 = arith.extui %parallel_loop3A_614 : i1 to i32
      %parallel_loop3A_616 = arith.subi %parallel_loop3A_612, %parallel_loop3A_615 : i32
      %parallel_loop3A_617 = arith.cmpi ne, %parallel_loop3A_609, %parallel_loop3A_616 : i32
      %parallel_loop3A_618 = arith.remsi %parallel_loop3A_600, %parallel_loop3A_601 : i32
      %parallel_loop3A_619 = arith.constant 0 : i32
      %parallel_loop3A_620 = arith.cmpi ne, %parallel_loop3A_618, %parallel_loop3A_619 : i32
      %parallel_loop3A_621 = arith.andi %parallel_loop3A_617, %parallel_loop3A_620 : i1
      %parallel_loop3A_622 = arith.constant 1 : i32
      %parallel_loop3A_623 = arith.subi %parallel_loop3A_602, %parallel_loop3A_622 : i32
      %parallel_loop3A_624 = arith.select %parallel_loop3A_621, %parallel_loop3A_623, %parallel_loop3A_602 : i32
      %parallel_loop3A_625 = arith.constant 1024 : i32
      %parallel_loop3A_626 = arith.constant 0 : i32
      %parallel_loop3A_627 = arith.cmpi eq, %parallel_loop3A_625, %parallel_loop3A_626 : i32
      %parallel_loop3A_628 = arith.constant 1 : i32
      %parallel_loop3A_629 = arith.select %parallel_loop3A_627, %parallel_loop3A_628, %parallel_loop3A_625 : i32
      %parallel_loop3A_630 = arith.remsi %parallel_loop3A_600, %parallel_loop3A_629 : i32
      %parallel_loop3A_631 = arith.constant 0 : i32
      %parallel_loop3A_632 = arith.cmpi ne, %parallel_loop3A_630, %parallel_loop3A_631 : i32
      %parallel_loop3A_633 = arith.constant 0 : i32
      %parallel_loop3A_634 = arith.cmpi slt, %parallel_loop3A_630, %parallel_loop3A_633 : i32
      %parallel_loop3A_635 = arith.constant 0 : i32
      %parallel_loop3A_636 = arith.cmpi slt, %parallel_loop3A_629, %parallel_loop3A_635 : i32
      %parallel_loop3A_637 = arith.xori %parallel_loop3A_634, %parallel_loop3A_636 : i1
      %parallel_loop3A_638 = arith.andi %parallel_loop3A_637, %parallel_loop3A_632 : i1
      %parallel_loop3A_639 = arith.addi %parallel_loop3A_630, %parallel_loop3A_629 : i32
      %parallel_loop3A_640 = arith.select %parallel_loop3A_638, %parallel_loop3A_639, %parallel_loop3A_630 : i32
      %parallel_loop3A_641 = arith.index_cast %parallel_loop3A_624 : i32 to index
      %parallel_loop3A_642 = arith.index_cast %parallel_loop3A_640 : i32 to index
      %parallel_loop3A_643 = tpu.vector_load %arg11[%parallel_loop3A_641, %parallel_loop3A_642] {strides = array<i32>} : memref<16x1024xf32, #tpu.memory_space<vmem>>, vector<1x16xf32>,
      %parallel_loop3A_644 = vector.shape_cast %parallel_loop3A_643 : vector<1x16xf32> to vector<16xf32>
      %parallel_loop3A_645 = arith.index_cast %parallel_loop3A_624 : i32 to index
      %parallel_loop3A_646 = arith.index_cast %parallel_loop3A_640 : i32 to index
      %parallel_loop3A_647 = tpu.vector_load %arg7[%parallel_loop3A_645, %parallel_loop3A_646] {strides = array<i32>} : memref<16x1024xf32, #tpu.memory_space<vmem>>, vector<1x16xf32>,
      %parallel_loop3A_648 = vector.shape_cast %parallel_loop3A_647 : vector<1x16xf32> to vector<16xf32>
      %parallel_loop3A_649 = vector.shape_cast %parallel_loop3A_644 : vector<16xf32> to vector<1x16xf32>
      tpu.vector_store %arg7[%parallel_loop3A_645, %parallel_loop3A_646], %parallel_loop3A_649 {add = true, strides = array<i32>} : memref<16x1024xf32, #tpu.memory_space<vmem>>, vector<1x16xf32>,
    } {sc.loop_unroll_factor = 4 : i64, sc.parallel_access}
    %add3A_310 = arith.constant 16 : i32
    %add3A_311 = arith.addi %mul3A_2, %add3A_310 : i32
    %dma_start3A_312 = arith.constant 3 : i32
    %dma_start3A_313 = arith.constant 0 : i32
    %dma_start3A_314 = tpu.memref_slice %arg4[%dma_start3A_312, %add3A_311, %dma_start3A_313] : memref<4x2048x1024xf32, #tpu.memory_space<hbm>> -> memref<1x16x1024xf32, #tpu.memory_space<hbm>>
    %dma_start3A_315 = tpu.memref_squeeze %dma_start3A_314 : memref<1x16x1024xf32, #tpu.memory_space<hbm>> -> memref<16x1024xf32, #tpu.memory_space<hbm>>
    %dma_start3A_316 = arith.constant 0 : i32
    %dma_start3A_317 = tpu.memref_slice %arg4[%dma_start3A_312, %add3A_311, %dma_start3A_316] : memref<4x2048x1024xf32, #tpu.memory_space<hbm>> -> memref<1x16x1024xf32, #tpu.memory_space<hbm>>
    %dma_start3A_318 = tpu.memref_squeeze %dma_start3A_317 : memref<1x16x1024xf32, #tpu.memory_space<hbm>> -> memref<16x1024xf32, #tpu.memory_space<hbm>>
    tpu.enqueue_dma source(%arg7 : memref<16x1024xf32, #tpu.memory_space<vmem>>) target(%dma_start3A_318 : memref<16x1024xf32, #tpu.memory_space<hbm>>) target_semaphore(%arg19 : memref<!tpu.dma_semaphore, #tpu.memory_space<semaphore_mem>>)
    %dma_wait3A_319 = arith.constant 2 : i32
    %dma_wait3A_320 = arith.constant 0 : i32
    %dma_wait3A_321 = tpu.memref_slice %arg4[%dma_wait3A_319, %add3A_276, %dma_wait3A_320] : memref<4x2048x1024xf32, #tpu.memory_space<hbm>> -> memref<1x16x1024xf32, #tpu.memory_space<hbm>>
    %dma_wait3A_322 = tpu.memref_squeeze %dma_wait3A_321 : memref<1x16x1024xf32, #tpu.memory_space<hbm>> -> memref<16x1024xf32, #tpu.memory_space<hbm>>
    %dma_wait3A_323 = arith.constant 0 : i32
    %dma_wait3A_324 = tpu.memref_slice %arg4[%dma_wait3A_319, %add3A_276, %dma_wait3A_323] : memref<4x2048x1024xf32, #tpu.memory_space<hbm>> -> memref<1x16x1024xf32, #tpu.memory_space<hbm>>
    %dma_wait3A_325 = tpu.memref_squeeze %dma_wait3A_324 : memref<1x16x1024xf32, #tpu.memory_space<hbm>> -> memref<16x1024xf32, #tpu.memory_space<hbm>>
    tpu.wait_dma2 semaphore(%arg18 : memref<!tpu.dma_semaphore, #tpu.memory_space<semaphore_mem>>) src(%arg6 : memref<16x1024xf32, #tpu.memory_space<vmem>>) dst(%dma_wait3A_325 : memref<16x1024xf32, #tpu.memory_space<hbm>>)
    %add3A_326 = arith.constant 32 : i32
    %add3A_327 = arith.addi %mul3A_2, %add3A_326 : i32
    %dma_start3A_328 = arith.constant 3 : i32
    %dma_start3A_329 = arith.constant 0 : i32
    %dma_start3A_330 = tpu.memref_slice %arg2[%dma_start3A_328, %add3A_327, %dma_start3A_329] : memref<4x2048x1024xf32, #tpu.memory_space<hbm>> -> memref<1x16x1024xf32, #tpu.memory_space<hbm>>
    %dma_start3A_331 = tpu.memref_squeeze %dma_start3A_330 : memref<1x16x1024xf32, #tpu.memory_space<hbm>> -> memref<16x1024xf32, #tpu.memory_space<hbm>>
    %dma_start3A_332 = arith.constant 0 : i32
    %dma_start3A_333 = tpu.memref_slice %arg2[%dma_start3A_328, %add3A_327, %dma_start3A_332] : memref<4x2048x1024xf32, #tpu.memory_space<hbm>> -> memref<1x16x1024xf32, #tpu.memory_space<hbm>>
    %dma_start3A_334 = tpu.memref_squeeze %dma_start3A_333 : memref<1x16x1024xf32, #tpu.memory_space<hbm>> -> memref<16x1024xf32, #tpu.memory_space<hbm>>
    tpu.enqueue_dma source(%dma_start3A_334 : memref<16x1024xf32, #tpu.memory_space<hbm>>) target(%arg6 : memref<16x1024xf32, #tpu.memory_space<vmem>>) target_semaphore(%arg13 : memref<!tpu.dma_semaphore, #tpu.memory_space<semaphore_mem>>)
    %add3A_335 = arith.constant 48 : i32
    %add3A_336 = arith.addi %mul3A_2, %add3A_335 : i32
    %dma_start3A_337 = arith.constant 0 : i32
    %dma_start3A_338 = tpu.memref_slice %arg3[%add3A_336, %dma_start3A_337] : memref<2048x1024xf32, #tpu.memory_space<hbm>> -> memref<16x1024xf32, #tpu.memory_space<hbm>>
    %dma_start3A_339 = arith.constant 0 : i32
    %dma_start3A_340 = tpu.memref_slice %arg3[%add3A_336, %dma_start3A_339] : memref<2048x1024xf32, #tpu.memory_space<hbm>> -> memref<16x1024xf32, #tpu.memory_space<hbm>>
    tpu.enqueue_dma source(%dma_start3A_340 : memref<16x1024xf32, #tpu.memory_space<hbm>>) target(%arg11 : memref<16x1024xf32, #tpu.memory_space<vmem>>) target_semaphore(%arg23 : memref<!tpu.dma_semaphore, #tpu.memory_space<semaphore_mem>>)
    %dma_wait3A_341 = arith.constant 0 : i32
    %dma_wait3A_342 = arith.constant 0 : i32
    %dma_wait3A_343 = tpu.memref_slice %arg2[%dma_wait3A_341, %add3A_222, %dma_wait3A_342] : memref<4x2048x1024xf32, #tpu.memory_space<hbm>> -> memref<1x16x1024xf32, #tpu.memory_space<hbm>>
    %dma_wait3A_344 = tpu.memref_squeeze %dma_wait3A_343 : memref<1x16x1024xf32, #tpu.memory_space<hbm>> -> memref<16x1024xf32, #tpu.memory_space<hbm>>
    %dma_wait3A_345 = arith.constant 0 : i32
    %dma_wait3A_346 = tpu.memref_slice %arg2[%dma_wait3A_341, %add3A_222, %dma_wait3A_345] : memref<4x2048x1024xf32, #tpu.memory_space<hbm>> -> memref<1x16x1024xf32, #tpu.memory_space<hbm>>
    %dma_wait3A_347 = tpu.memref_squeeze %dma_wait3A_346 : memref<1x16x1024xf32, #tpu.memory_space<hbm>> -> memref<16x1024xf32, #tpu.memory_space<hbm>>
    tpu.wait_dma2 semaphore(%arg15 : memref<!tpu.dma_semaphore, #tpu.memory_space<semaphore_mem>>) src(%dma_wait3A_347 : memref<16x1024xf32, #tpu.memory_space<hbm>>) dst(%arg8 : memref<16x1024xf32, #tpu.memory_space<vmem>>)
    %dma_wait3A_348 = arith.constant 0 : i32
    %dma_wait3A_349 = tpu.memref_slice %arg3[%add3A_186, %dma_wait3A_348] : memref<2048x1024xf32, #tpu.memory_space<hbm>> -> memref<16x1024xf32, #tpu.memory_space<hbm>>
    %dma_wait3A_350 = arith.constant 0 : i32
    %dma_wait3A_351 = tpu.memref_slice %arg3[%add3A_186, %dma_wait3A_350] : memref<2048x1024xf32, #tpu.memory_space<hbm>> -> memref<16x1024xf32, #tpu.memory_space<hbm>>
    tpu.wait_dma2 semaphore(%arg22 : memref<!tpu.dma_semaphore, #tpu.memory_space<semaphore_mem>>) src(%dma_wait3A_351 : memref<16x1024xf32, #tpu.memory_space<hbm>>) dst(%arg10 : memref<16x1024xf32, #tpu.memory_space<vmem>>)
    %parallel_loop3A_352 = arith.constant 0 : i32
    %parallel_loop3A_353 = arith.constant 16384 : i32
    %parallel_loop3A_354 = arith.constant 16 : i32
    scf.for %parallel_loop3A_600 = %parallel_loop3A_352 to %parallel_loop3A_353 step %parallel_loop3A_354  : i32 {
      %parallel_loop3A_601 = arith.constant 1024 : i32
      %parallel_loop3A_602 = arith.divsi %parallel_loop3A_600, %parallel_loop3A_601 : i32
      %parallel_loop3A_603 = arith.constant 0 : i32
      %parallel_loop3A_604 = arith.cmpi sgt, %parallel_loop3A_600, %parallel_loop3A_603 : i32
      %parallel_loop3A_605 = arith.extui %parallel_loop3A_604 : i1 to i32
      %parallel_loop3A_606 = arith.constant 0 : i32
      %parallel_loop3A_607 = arith.cmpi slt, %parallel_loop3A_600, %parallel_loop3A_606 : i32
      %parallel_loop3A_608 = arith.extui %parallel_loop3A_607 : i1 to i32
      %parallel_loop3A_609 = arith.subi %parallel_loop3A_605, %parallel_loop3A_608 : i32
      %parallel_loop3A_610 = arith.constant 0 : i32
      %parallel_loop3A_611 = arith.cmpi sgt, %parallel_loop3A_601, %parallel_loop3A_610 : i32
      %parallel_loop3A_612 = arith.extui %parallel_loop3A_611 : i1 to i32
      %parallel_loop3A_613 = arith.constant 0 : i32
      %parallel_loop3A_614 = arith.cmpi slt, %parallel_loop3A_601, %parallel_loop3A_613 : i32
      %parallel_loop3A_615 = arith.extui %parallel_loop3A_614 : i1 to i32
      %parallel_loop3A_616 = arith.subi %parallel_loop3A_612, %parallel_loop3A_615 : i32
      %parallel_loop3A_617 = arith.cmpi ne, %parallel_loop3A_609, %parallel_loop3A_616 : i32
      %parallel_loop3A_618 = arith.remsi %parallel_loop3A_600, %parallel_loop3A_601 : i32
      %parallel_loop3A_619 = arith.constant 0 : i32
      %parallel_loop3A_620 = arith.cmpi ne, %parallel_loop3A_618, %parallel_loop3A_619 : i32
      %parallel_loop3A_621 = arith.andi %parallel_loop3A_617, %parallel_loop3A_620 : i1
      %parallel_loop3A_622 = arith.constant 1 : i32
      %parallel_loop3A_623 = arith.subi %parallel_loop3A_602, %parallel_loop3A_622 : i32
      %parallel_loop3A_624 = arith.select %parallel_loop3A_621, %parallel_loop3A_623, %parallel_loop3A_602 : i32
      %parallel_loop3A_625 = arith.constant 1024 : i32
      %parallel_loop3A_626 = arith.constant 0 : i32
      %parallel_loop3A_627 = arith.cmpi eq, %parallel_loop3A_625, %parallel_loop3A_626 : i32
      %parallel_loop3A_628 = arith.constant 1 : i32
      %parallel_loop3A_629 = arith.select %parallel_loop3A_627, %parallel_loop3A_628, %parallel_loop3A_625 : i32
      %parallel_loop3A_630 = arith.remsi %parallel_loop3A_600, %parallel_loop3A_629 : i32
      %parallel_loop3A_631 = arith.constant 0 : i32
      %parallel_loop3A_632 = arith.cmpi ne, %parallel_loop3A_630, %parallel_loop3A_631 : i32
      %parallel_loop3A_633 = arith.constant 0 : i32
      %parallel_loop3A_634 = arith.cmpi slt, %parallel_loop3A_630, %parallel_loop3A_633 : i32
      %parallel_loop3A_635 = arith.constant 0 : i32
      %parallel_loop3A_636 = arith.cmpi slt, %parallel_loop3A_629, %parallel_loop3A_635 : i32
      %parallel_loop3A_637 = arith.xori %parallel_loop3A_634, %parallel_loop3A_636 : i1
      %parallel_loop3A_638 = arith.andi %parallel_loop3A_637, %parallel_loop3A_632 : i1
      %parallel_loop3A_639 = arith.addi %parallel_loop3A_630, %parallel_loop3A_629 : i32
      %parallel_loop3A_640 = arith.select %parallel_loop3A_638, %parallel_loop3A_639, %parallel_loop3A_630 : i32
      %parallel_loop3A_641 = arith.index_cast %parallel_loop3A_624 : i32 to index
      %parallel_loop3A_642 = arith.index_cast %parallel_loop3A_640 : i32 to index
      %parallel_loop3A_643 = tpu.vector_load %arg10[%parallel_loop3A_641, %parallel_loop3A_642] {strides = array<i32>} : memref<16x1024xf32, #tpu.memory_space<vmem>>, vector<1x16xf32>,
      %parallel_loop3A_644 = vector.shape_cast %parallel_loop3A_643 : vector<1x16xf32> to vector<16xf32>
      %parallel_loop3A_645 = arith.index_cast %parallel_loop3A_624 : i32 to index
      %parallel_loop3A_646 = arith.index_cast %parallel_loop3A_640 : i32 to index
      %parallel_loop3A_647 = tpu.vector_load %arg8[%parallel_loop3A_645, %parallel_loop3A_646] {strides = array<i32>} : memref<16x1024xf32, #tpu.memory_space<vmem>>, vector<1x16xf32>,
      %parallel_loop3A_648 = vector.shape_cast %parallel_loop3A_647 : vector<1x16xf32> to vector<16xf32>
      %parallel_loop3A_649 = vector.shape_cast %parallel_loop3A_644 : vector<16xf32> to vector<1x16xf32>
      tpu.vector_store %arg8[%parallel_loop3A_645, %parallel_loop3A_646], %parallel_loop3A_649 {add = true, strides = array<i32>} : memref<16x1024xf32, #tpu.memory_space<vmem>>, vector<1x16xf32>,
    } {sc.loop_unroll_factor = 4 : i64, sc.parallel_access}
    %add3A_355 = arith.constant 32 : i32
    %add3A_356 = arith.addi %mul3A_2, %add3A_355 : i32
    %dma_start3A_357 = arith.constant 0 : i32
    %dma_start3A_358 = arith.constant 0 : i32
    %dma_start3A_359 = tpu.memref_slice %arg4[%dma_start3A_357, %add3A_356, %dma_start3A_358] : memref<4x2048x1024xf32, #tpu.memory_space<hbm>> -> memref<1x16x1024xf32, #tpu.memory_space<hbm>>
    %dma_start3A_360 = tpu.memref_squeeze %dma_start3A_359 : memref<1x16x1024xf32, #tpu.memory_space<hbm>> -> memref<16x1024xf32, #tpu.memory_space<hbm>>
    %dma_start3A_361 = arith.constant 0 : i32
    %dma_start3A_362 = tpu.memref_slice %arg4[%dma_start3A_357, %add3A_356, %dma_start3A_361] : memref<4x2048x1024xf32, #tpu.memory_space<hbm>> -> memref<1x16x1024xf32, #tpu.memory_space<hbm>>
    %dma_start3A_363 = tpu.memref_squeeze %dma_start3A_362 : memref<1x16x1024xf32, #tpu.memory_space<hbm>> -> memref<16x1024xf32, #tpu.memory_space<hbm>>
    tpu.enqueue_dma source(%arg8 : memref<16x1024xf32, #tpu.memory_space<vmem>>) target(%dma_start3A_363 : memref<16x1024xf32, #tpu.memory_space<hbm>>) target_semaphore(%arg20 : memref<!tpu.dma_semaphore, #tpu.memory_space<semaphore_mem>>)
    %dma_wait3A_364 = arith.constant 3 : i32
    %dma_wait3A_365 = arith.constant 0 : i32
    %dma_wait3A_366 = tpu.memref_slice %arg4[%dma_wait3A_364, %add3A_311, %dma_wait3A_365] : memref<4x2048x1024xf32, #tpu.memory_space<hbm>> -> memref<1x16x1024xf32, #tpu.memory_space<hbm>>
    %dma_wait3A_367 = tpu.memref_squeeze %dma_wait3A_366 : memref<1x16x1024xf32, #tpu.memory_space<hbm>> -> memref<16x1024xf32, #tpu.memory_space<hbm>>
    %dma_wait3A_368 = arith.constant 0 : i32
    %dma_wait3A_369 = tpu.memref_slice %arg4[%dma_wait3A_364, %add3A_311, %dma_wait3A_368] : memref<4x2048x1024xf32, #tpu.memory_space<hbm>> -> memref<1x16x1024xf32, #tpu.memory_space<hbm>>
    %dma_wait3A_370 = tpu.memref_squeeze %dma_wait3A_369 : memref<1x16x1024xf32, #tpu.memory_space<hbm>> -> memref<16x1024xf32, #tpu.memory_space<hbm>>
    tpu.wait_dma2 semaphore(%arg19 : memref<!tpu.dma_semaphore, #tpu.memory_space<semaphore_mem>>) src(%arg7 : memref<16x1024xf32, #tpu.memory_space<vmem>>) dst(%dma_wait3A_370 : memref<16x1024xf32, #tpu.memory_space<hbm>>)
    %add3A_371 = arith.constant 48 : i32
    %add3A_372 = arith.addi %mul3A_2, %add3A_371 : i32
    %dma_start3A_373 = arith.constant 0 : i32
    %dma_start3A_374 = arith.constant 0 : i32
    %dma_start3A_375 = tpu.memref_slice %arg2[%dma_start3A_373, %add3A_372, %dma_start3A_374] : memref<4x2048x1024xf32, #tpu.memory_space<hbm>> -> memref<1x16x1024xf32, #tpu.memory_space<hbm>>
    %dma_start3A_376 = tpu.memref_squeeze %dma_start3A_375 : memref<1x16x1024xf32, #tpu.memory_space<hbm>> -> memref<16x1024xf32, #tpu.memory_space<hbm>>
    %dma_start3A_377 = arith.constant 0 : i32
    %dma_start3A_378 = tpu.memref_slice %arg2[%dma_start3A_373, %add3A_372, %dma_start3A_377] : memref<4x2048x1024xf32, #tpu.memory_space<hbm>> -> memref<1x16x1024xf32, #tpu.memory_space<hbm>>
    %dma_start3A_379 = tpu.memref_squeeze %dma_start3A_378 : memref<1x16x1024xf32, #tpu.memory_space<hbm>> -> memref<16x1024xf32, #tpu.memory_space<hbm>>
    tpu.enqueue_dma source(%dma_start3A_379 : memref<16x1024xf32, #tpu.memory_space<hbm>>) target(%arg7 : memref<16x1024xf32, #tpu.memory_space<vmem>>) target_semaphore(%arg14 : memref<!tpu.dma_semaphore, #tpu.memory_space<semaphore_mem>>)
    %dma_wait3A_380 = arith.constant 1 : i32
    %dma_wait3A_381 = arith.constant 0 : i32
    %dma_wait3A_382 = tpu.memref_slice %arg2[%dma_wait3A_380, %add3A_257, %dma_wait3A_381] : memref<4x2048x1024xf32, #tpu.memory_space<hbm>> -> memref<1x16x1024xf32, #tpu.memory_space<hbm>>
    %dma_wait3A_383 = tpu.memref_squeeze %dma_wait3A_382 : memref<1x16x1024xf32, #tpu.memory_space<hbm>> -> memref<16x1024xf32, #tpu.memory_space<hbm>>
    %dma_wait3A_384 = arith.constant 0 : i32
    %dma_wait3A_385 = tpu.memref_slice %arg2[%dma_wait3A_380, %add3A_257, %dma_wait3A_384] : memref<4x2048x1024xf32, #tpu.memory_space<hbm>> -> memref<1x16x1024xf32, #tpu.memory_space<hbm>>
    %dma_wait3A_386 = tpu.memref_squeeze %dma_wait3A_385 : memref<1x16x1024xf32, #tpu.memory_space<hbm>> -> memref<16x1024xf32, #tpu.memory_space<hbm>>
    tpu.wait_dma2 semaphore(%arg16 : memref<!tpu.dma_semaphore, #tpu.memory_space<semaphore_mem>>) src(%dma_wait3A_386 : memref<16x1024xf32, #tpu.memory_space<hbm>>) dst(%arg9 : memref<16x1024xf32, #tpu.memory_space<vmem>>)
    %parallel_loop3A_387 = arith.constant 0 : i32
    %parallel_loop3A_388 = arith.constant 16384 : i32
    %parallel_loop3A_389 = arith.constant 16 : i32
    scf.for %parallel_loop3A_600 = %parallel_loop3A_387 to %parallel_loop3A_388 step %parallel_loop3A_389  : i32 {
      %parallel_loop3A_601 = arith.constant 1024 : i32
      %parallel_loop3A_602 = arith.divsi %parallel_loop3A_600, %parallel_loop3A_601 : i32
      %parallel_loop3A_603 = arith.constant 0 : i32
      %parallel_loop3A_604 = arith.cmpi sgt, %parallel_loop3A_600, %parallel_loop3A_603 : i32
      %parallel_loop3A_605 = arith.extui %parallel_loop3A_604 : i1 to i32
      %parallel_loop3A_606 = arith.constant 0 : i32
      %parallel_loop3A_607 = arith.cmpi slt, %parallel_loop3A_600, %parallel_loop3A_606 : i32
      %parallel_loop3A_608 = arith.extui %parallel_loop3A_607 : i1 to i32
      %parallel_loop3A_609 = arith.subi %parallel_loop3A_605, %parallel_loop3A_608 : i32
      %parallel_loop3A_610 = arith.constant 0 : i32
      %parallel_loop3A_611 = arith.cmpi sgt, %parallel_loop3A_601, %parallel_loop3A_610 : i32
      %parallel_loop3A_612 = arith.extui %parallel_loop3A_611 : i1 to i32
      %parallel_loop3A_613 = arith.constant 0 : i32
      %parallel_loop3A_614 = arith.cmpi slt, %parallel_loop3A_601, %parallel_loop3A_613 : i32
      %parallel_loop3A_615 = arith.extui %parallel_loop3A_614 : i1 to i32
      %parallel_loop3A_616 = arith.subi %parallel_loop3A_612, %parallel_loop3A_615 : i32
      %parallel_loop3A_617 = arith.cmpi ne, %parallel_loop3A_609, %parallel_loop3A_616 : i32
      %parallel_loop3A_618 = arith.remsi %parallel_loop3A_600, %parallel_loop3A_601 : i32
      %parallel_loop3A_619 = arith.constant 0 : i32
      %parallel_loop3A_620 = arith.cmpi ne, %parallel_loop3A_618, %parallel_loop3A_619 : i32
      %parallel_loop3A_621 = arith.andi %parallel_loop3A_617, %parallel_loop3A_620 : i1
      %parallel_loop3A_622 = arith.constant 1 : i32
      %parallel_loop3A_623 = arith.subi %parallel_loop3A_602, %parallel_loop3A_622 : i32
      %parallel_loop3A_624 = arith.select %parallel_loop3A_621, %parallel_loop3A_623, %parallel_loop3A_602 : i32
      %parallel_loop3A_625 = arith.constant 1024 : i32
      %parallel_loop3A_626 = arith.constant 0 : i32
      %parallel_loop3A_627 = arith.cmpi eq, %parallel_loop3A_625, %parallel_loop3A_626 : i32
      %parallel_loop3A_628 = arith.constant 1 : i32
      %parallel_loop3A_629 = arith.select %parallel_loop3A_627, %parallel_loop3A_628, %parallel_loop3A_625 : i32
      %parallel_loop3A_630 = arith.remsi %parallel_loop3A_600, %parallel_loop3A_629 : i32
      %parallel_loop3A_631 = arith.constant 0 : i32
      %parallel_loop3A_632 = arith.cmpi ne, %parallel_loop3A_630, %parallel_loop3A_631 : i32
      %parallel_loop3A_633 = arith.constant 0 : i32
      %parallel_loop3A_634 = arith.cmpi slt, %parallel_loop3A_630, %parallel_loop3A_633 : i32
      %parallel_loop3A_635 = arith.constant 0 : i32
      %parallel_loop3A_636 = arith.cmpi slt, %parallel_loop3A_629, %parallel_loop3A_635 : i32
      %parallel_loop3A_637 = arith.xori %parallel_loop3A_634, %parallel_loop3A_636 : i1
      %parallel_loop3A_638 = arith.andi %parallel_loop3A_637, %parallel_loop3A_632 : i1
      %parallel_loop3A_639 = arith.addi %parallel_loop3A_630, %parallel_loop3A_629 : i32
      %parallel_loop3A_640 = arith.select %parallel_loop3A_638, %parallel_loop3A_639, %parallel_loop3A_630 : i32
      %parallel_loop3A_641 = arith.index_cast %parallel_loop3A_624 : i32 to index
      %parallel_loop3A_642 = arith.index_cast %parallel_loop3A_640 : i32 to index
      %parallel_loop3A_643 = tpu.vector_load %arg10[%parallel_loop3A_641, %parallel_loop3A_642] {strides = array<i32>} : memref<16x1024xf32, #tpu.memory_space<vmem>>, vector<1x16xf32>,
      %parallel_loop3A_644 = vector.shape_cast %parallel_loop3A_643 : vector<1x16xf32> to vector<16xf32>
      %parallel_loop3A_645 = arith.index_cast %parallel_loop3A_624 : i32 to index
      %parallel_loop3A_646 = arith.index_cast %parallel_loop3A_640 : i32 to index
      %parallel_loop3A_647 = tpu.vector_load %arg9[%parallel_loop3A_645, %parallel_loop3A_646] {strides = array<i32>} : memref<16x1024xf32, #tpu.memory_space<vmem>>, vector<1x16xf32>,
      %parallel_loop3A_648 = vector.shape_cast %parallel_loop3A_647 : vector<1x16xf32> to vector<16xf32>
      %parallel_loop3A_649 = vector.shape_cast %parallel_loop3A_644 : vector<16xf32> to vector<1x16xf32>
      tpu.vector_store %arg9[%parallel_loop3A_645, %parallel_loop3A_646], %parallel_loop3A_649 {add = true, strides = array<i32>} : memref<16x1024xf32, #tpu.memory_space<vmem>>, vector<1x16xf32>,
    } {sc.loop_unroll_factor = 4 : i64, sc.parallel_access}
    %add3A_390 = arith.constant 32 : i32
    %add3A_391 = arith.addi %mul3A_2, %add3A_390 : i32
    %dma_start3A_392 = arith.constant 1 : i32
    %dma_start3A_393 = arith.constant 0 : i32
    %dma_start3A_394 = tpu.memref_slice %arg4[%dma_start3A_392, %add3A_391, %dma_start3A_393] : memref<4x2048x1024xf32, #tpu.memory_space<hbm>> -> memref<1x16x1024xf32, #tpu.memory_space<hbm>>
    %dma_start3A_395 = tpu.memref_squeeze %dma_start3A_394 : memref<1x16x1024xf32, #tpu.memory_space<hbm>> -> memref<16x1024xf32, #tpu.memory_space<hbm>>
    %dma_start3A_396 = arith.constant 0 : i32
    %dma_start3A_397 = tpu.memref_slice %arg4[%dma_start3A_392, %add3A_391, %dma_start3A_396] : memref<4x2048x1024xf32, #tpu.memory_space<hbm>> -> memref<1x16x1024xf32, #tpu.memory_space<hbm>>
    %dma_start3A_398 = tpu.memref_squeeze %dma_start3A_397 : memref<1x16x1024xf32, #tpu.memory_space<hbm>> -> memref<16x1024xf32, #tpu.memory_space<hbm>>
    tpu.enqueue_dma source(%arg9 : memref<16x1024xf32, #tpu.memory_space<vmem>>) target(%dma_start3A_398 : memref<16x1024xf32, #tpu.memory_space<hbm>>) target_semaphore(%arg21 : memref<!tpu.dma_semaphore, #tpu.memory_space<semaphore_mem>>)
    %dma_wait3A_399 = arith.constant 0 : i32
    %dma_wait3A_400 = arith.constant 0 : i32
    %dma_wait3A_401 = tpu.memref_slice %arg4[%dma_wait3A_399, %add3A_356, %dma_wait3A_400] : memref<4x2048x1024xf32, #tpu.memory_space<hbm>> -> memref<1x16x1024xf32, #tpu.memory_space<hbm>>
    %dma_wait3A_402 = tpu.memref_squeeze %dma_wait3A_401 : memref<1x16x1024xf32, #tpu.memory_space<hbm>> -> memref<16x1024xf32, #tpu.memory_space<hbm>>
    %dma_wait3A_403 = arith.constant 0 : i32
    %dma_wait3A_404 = tpu.memref_slice %arg4[%dma_wait3A_399, %add3A_356, %dma_wait3A_403] : memref<4x2048x1024xf32, #tpu.memory_space<hbm>> -> memref<1x16x1024xf32, #tpu.memory_space<hbm>>
    %dma_wait3A_405 = tpu.memref_squeeze %dma_wait3A_404 : memref<1x16x1024xf32, #tpu.memory_space<hbm>> -> memref<16x1024xf32, #tpu.memory_space<hbm>>
    tpu.wait_dma2 semaphore(%arg20 : memref<!tpu.dma_semaphore, #tpu.memory_space<semaphore_mem>>) src(%arg8 : memref<16x1024xf32, #tpu.memory_space<vmem>>) dst(%dma_wait3A_405 : memref<16x1024xf32, #tpu.memory_space<hbm>>)
    %add3A_406 = arith.constant 48 : i32
    %add3A_407 = arith.addi %mul3A_2, %add3A_406 : i32
    %dma_start3A_408 = arith.constant 1 : i32
    %dma_start3A_409 = arith.constant 0 : i32
    %dma_start3A_410 = tpu.memref_slice %arg2[%dma_start3A_408, %add3A_407, %dma_start3A_409] : memref<4x2048x1024xf32, #tpu.memory_space<hbm>> -> memref<1x16x1024xf32, #tpu.memory_space<hbm>>
    %dma_start3A_411 = tpu.memref_squeeze %dma_start3A_410 : memref<1x16x1024xf32, #tpu.memory_space<hbm>> -> memref<16x1024xf32, #tpu.memory_space<hbm>>
    %dma_start3A_412 = arith.constant 0 : i32
    %dma_start3A_413 = tpu.memref_slice %arg2[%dma_start3A_408, %add3A_407, %dma_start3A_412] : memref<4x2048x1024xf32, #tpu.memory_space<hbm>> -> memref<1x16x1024xf32, #tpu.memory_space<hbm>>
    %dma_start3A_414 = tpu.memref_squeeze %dma_start3A_413 : memref<1x16x1024xf32, #tpu.memory_space<hbm>> -> memref<16x1024xf32, #tpu.memory_space<hbm>>
    tpu.enqueue_dma source(%dma_start3A_414 : memref<16x1024xf32, #tpu.memory_space<hbm>>) target(%arg8 : memref<16x1024xf32, #tpu.memory_space<vmem>>) target_semaphore(%arg15 : memref<!tpu.dma_semaphore, #tpu.memory_space<semaphore_mem>>)
    %dma_wait3A_415 = arith.constant 2 : i32
    %dma_wait3A_416 = arith.constant 0 : i32
    %dma_wait3A_417 = tpu.memref_slice %arg2[%dma_wait3A_415, %add3A_292, %dma_wait3A_416] : memref<4x2048x1024xf32, #tpu.memory_space<hbm>> -> memref<1x16x1024xf32, #tpu.memory_space<hbm>>
    %dma_wait3A_418 = tpu.memref_squeeze %dma_wait3A_417 : memref<1x16x1024xf32, #tpu.memory_space<hbm>> -> memref<16x1024xf32, #tpu.memory_space<hbm>>
    %dma_wait3A_419 = arith.constant 0 : i32
    %dma_wait3A_420 = tpu.memref_slice %arg2[%dma_wait3A_415, %add3A_292, %dma_wait3A_419] : memref<4x2048x1024xf32, #tpu.memory_space<hbm>> -> memref<1x16x1024xf32, #tpu.memory_space<hbm>>
    %dma_wait3A_421 = tpu.memref_squeeze %dma_wait3A_420 : memref<1x16x1024xf32, #tpu.memory_space<hbm>> -> memref<16x1024xf32, #tpu.memory_space<hbm>>
    tpu.wait_dma2 semaphore(%arg12 : memref<!tpu.dma_semaphore, #tpu.memory_space<semaphore_mem>>) src(%dma_wait3A_421 : memref<16x1024xf32, #tpu.memory_space<hbm>>) dst(%arg5 : memref<16x1024xf32, #tpu.memory_space<vmem>>)
    %parallel_loop3A_422 = arith.constant 0 : i32
    %parallel_loop3A_423 = arith.constant 16384 : i32
    %parallel_loop3A_424 = arith.constant 16 : i32
    scf.for %parallel_loop3A_600 = %parallel_loop3A_422 to %parallel_loop3A_423 step %parallel_loop3A_424  : i32 {
      %parallel_loop3A_601 = arith.constant 1024 : i32
      %parallel_loop3A_602 = arith.divsi %parallel_loop3A_600, %parallel_loop3A_601 : i32
      %parallel_loop3A_603 = arith.constant 0 : i32
      %parallel_loop3A_604 = arith.cmpi sgt, %parallel_loop3A_600, %parallel_loop3A_603 : i32
      %parallel_loop3A_605 = arith.extui %parallel_loop3A_604 : i1 to i32
      %parallel_loop3A_606 = arith.constant 0 : i32
      %parallel_loop3A_607 = arith.cmpi slt, %parallel_loop3A_600, %parallel_loop3A_606 : i32
      %parallel_loop3A_608 = arith.extui %parallel_loop3A_607 : i1 to i32
      %parallel_loop3A_609 = arith.subi %parallel_loop3A_605, %parallel_loop3A_608 : i32
      %parallel_loop3A_610 = arith.constant 0 : i32
      %parallel_loop3A_611 = arith.cmpi sgt, %parallel_loop3A_601, %parallel_loop3A_610 : i32
      %parallel_loop3A_612 = arith.extui %parallel_loop3A_611 : i1 to i32
      %parallel_loop3A_613 = arith.constant 0 : i32
      %parallel_loop3A_614 = arith.cmpi slt, %parallel_loop3A_601, %parallel_loop3A_613 : i32
      %parallel_loop3A_615 = arith.extui %parallel_loop3A_614 : i1 to i32
      %parallel_loop3A_616 = arith.subi %parallel_loop3A_612, %parallel_loop3A_615 : i32
      %parallel_loop3A_617 = arith.cmpi ne, %parallel_loop3A_609, %parallel_loop3A_616 : i32
      %parallel_loop3A_618 = arith.remsi %parallel_loop3A_600, %parallel_loop3A_601 : i32
      %parallel_loop3A_619 = arith.constant 0 : i32
      %parallel_loop3A_620 = arith.cmpi ne, %parallel_loop3A_618, %parallel_loop3A_619 : i32
      %parallel_loop3A_621 = arith.andi %parallel_loop3A_617, %parallel_loop3A_620 : i1
      %parallel_loop3A_622 = arith.constant 1 : i32
      %parallel_loop3A_623 = arith.subi %parallel_loop3A_602, %parallel_loop3A_622 : i32
      %parallel_loop3A_624 = arith.select %parallel_loop3A_621, %parallel_loop3A_623, %parallel_loop3A_602 : i32
      %parallel_loop3A_625 = arith.constant 1024 : i32
      %parallel_loop3A_626 = arith.constant 0 : i32
      %parallel_loop3A_627 = arith.cmpi eq, %parallel_loop3A_625, %parallel_loop3A_626 : i32
      %parallel_loop3A_628 = arith.constant 1 : i32
      %parallel_loop3A_629 = arith.select %parallel_loop3A_627, %parallel_loop3A_628, %parallel_loop3A_625 : i32
      %parallel_loop3A_630 = arith.remsi %parallel_loop3A_600, %parallel_loop3A_629 : i32
      %parallel_loop3A_631 = arith.constant 0 : i32
      %parallel_loop3A_632 = arith.cmpi ne, %parallel_loop3A_630, %parallel_loop3A_631 : i32
      %parallel_loop3A_633 = arith.constant 0 : i32
      %parallel_loop3A_634 = arith.cmpi slt, %parallel_loop3A_630, %parallel_loop3A_633 : i32
      %parallel_loop3A_635 = arith.constant 0 : i32
      %parallel_loop3A_636 = arith.cmpi slt, %parallel_loop3A_629, %parallel_loop3A_635 : i32
      %parallel_loop3A_637 = arith.xori %parallel_loop3A_634, %parallel_loop3A_636 : i1
      %parallel_loop3A_638 = arith.andi %parallel_loop3A_637, %parallel_loop3A_632 : i1
      %parallel_loop3A_639 = arith.addi %parallel_loop3A_630, %parallel_loop3A_629 : i32
      %parallel_loop3A_640 = arith.select %parallel_loop3A_638, %parallel_loop3A_639, %parallel_loop3A_630 : i32
      %parallel_loop3A_641 = arith.index_cast %parallel_loop3A_624 : i32 to index
      %parallel_loop3A_642 = arith.index_cast %parallel_loop3A_640 : i32 to index
      %parallel_loop3A_643 = tpu.vector_load %arg10[%parallel_loop3A_641, %parallel_loop3A_642] {strides = array<i32>} : memref<16x1024xf32, #tpu.memory_space<vmem>>, vector<1x16xf32>,
      %parallel_loop3A_644 = vector.shape_cast %parallel_loop3A_643 : vector<1x16xf32> to vector<16xf32>
      %parallel_loop3A_645 = arith.index_cast %parallel_loop3A_624 : i32 to index
      %parallel_loop3A_646 = arith.index_cast %parallel_loop3A_640 : i32 to index
      %parallel_loop3A_647 = tpu.vector_load %arg5[%parallel_loop3A_645, %parallel_loop3A_646] {strides = array<i32>} : memref<16x1024xf32, #tpu.memory_space<vmem>>, vector<1x16xf32>,
      %parallel_loop3A_648 = vector.shape_cast %parallel_loop3A_647 : vector<1x16xf32> to vector<16xf32>
      %parallel_loop3A_649 = vector.shape_cast %parallel_loop3A_644 : vector<16xf32> to vector<1x16xf32>
      tpu.vector_store %arg5[%parallel_loop3A_645, %parallel_loop3A_646], %parallel_loop3A_649 {add = true, strides = array<i32>} : memref<16x1024xf32, #tpu.memory_space<vmem>>, vector<1x16xf32>,
    } {sc.loop_unroll_factor = 4 : i64, sc.parallel_access}
    %add3A_425 = arith.constant 32 : i32
    %add3A_426 = arith.addi %mul3A_2, %add3A_425 : i32
    %dma_start3A_427 = arith.constant 2 : i32
    %dma_start3A_428 = arith.constant 0 : i32
    %dma_start3A_429 = tpu.memref_slice %arg4[%dma_start3A_427, %add3A_426, %dma_start3A_428] : memref<4x2048x1024xf32, #tpu.memory_space<hbm>> -> memref<1x16x1024xf32, #tpu.memory_space<hbm>>
    %dma_start3A_430 = tpu.memref_squeeze %dma_start3A_429 : memref<1x16x1024xf32, #tpu.memory_space<hbm>> -> memref<16x1024xf32, #tpu.memory_space<hbm>>
    %dma_start3A_431 = arith.constant 0 : i32
    %dma_start3A_432 = tpu.memref_slice %arg4[%dma_start3A_427, %add3A_426, %dma_start3A_431] : memref<4x2048x1024xf32, #tpu.memory_space<hbm>> -> memref<1x16x1024xf32, #tpu.memory_space<hbm>>
    %dma_start3A_433 = tpu.memref_squeeze %dma_start3A_432 : memref<1x16x1024xf32, #tpu.memory_space<hbm>> -> memref<16x1024xf32, #tpu.memory_space<hbm>>
    tpu.enqueue_dma source(%arg5 : memref<16x1024xf32, #tpu.memory_space<vmem>>) target(%dma_start3A_433 : memref<16x1024xf32, #tpu.memory_space<hbm>>) target_semaphore(%arg17 : memref<!tpu.dma_semaphore, #tpu.memory_space<semaphore_mem>>)
    %dma_wait3A_434 = arith.constant 1 : i32
    %dma_wait3A_435 = arith.constant 0 : i32
    %dma_wait3A_436 = tpu.memref_slice %arg4[%dma_wait3A_434, %add3A_391, %dma_wait3A_435] : memref<4x2048x1024xf32, #tpu.memory_space<hbm>> -> memref<1x16x1024xf32, #tpu.memory_space<hbm>>
    %dma_wait3A_437 = tpu.memref_squeeze %dma_wait3A_436 : memref<1x16x1024xf32, #tpu.memory_space<hbm>> -> memref<16x1024xf32, #tpu.memory_space<hbm>>
    %dma_wait3A_438 = arith.constant 0 : i32
    %dma_wait3A_439 = tpu.memref_slice %arg4[%dma_wait3A_434, %add3A_391, %dma_wait3A_438] : memref<4x2048x1024xf32, #tpu.memory_space<hbm>> -> memref<1x16x1024xf32, #tpu.memory_space<hbm>>
    %dma_wait3A_440 = tpu.memref_squeeze %dma_wait3A_439 : memref<1x16x1024xf32, #tpu.memory_space<hbm>> -> memref<16x1024xf32, #tpu.memory_space<hbm>>
    tpu.wait_dma2 semaphore(%arg21 : memref<!tpu.dma_semaphore, #tpu.memory_space<semaphore_mem>>) src(%arg9 : memref<16x1024xf32, #tpu.memory_space<vmem>>) dst(%dma_wait3A_440 : memref<16x1024xf32, #tpu.memory_space<hbm>>)
    %add3A_441 = arith.constant 48 : i32
    %add3A_442 = arith.addi %mul3A_2, %add3A_441 : i32
    %dma_start3A_443 = arith.constant 2 : i32
    %dma_start3A_444 = arith.constant 0 : i32
    %dma_start3A_445 = tpu.memref_slice %arg2[%dma_start3A_443, %add3A_442, %dma_start3A_444] : memref<4x2048x1024xf32, #tpu.memory_space<hbm>> -> memref<1x16x1024xf32, #tpu.memory_space<hbm>>
    %dma_start3A_446 = tpu.memref_squeeze %dma_start3A_445 : memref<1x16x1024xf32, #tpu.memory_space<hbm>> -> memref<16x1024xf32, #tpu.memory_space<hbm>>
    %dma_start3A_447 = arith.constant 0 : i32
    %dma_start3A_448 = tpu.memref_slice %arg2[%dma_start3A_443, %add3A_442, %dma_start3A_447] : memref<4x2048x1024xf32, #tpu.memory_space<hbm>> -> memref<1x16x1024xf32, #tpu.memory_space<hbm>>
    %dma_start3A_449 = tpu.memref_squeeze %dma_start3A_448 : memref<1x16x1024xf32, #tpu.memory_space<hbm>> -> memref<16x1024xf32, #tpu.memory_space<hbm>>
    tpu.enqueue_dma source(%dma_start3A_449 : memref<16x1024xf32, #tpu.memory_space<hbm>>) target(%arg9 : memref<16x1024xf32, #tpu.memory_space<vmem>>) target_semaphore(%arg16 : memref<!tpu.dma_semaphore, #tpu.memory_space<semaphore_mem>>)
    %dma_wait3A_450 = arith.constant 3 : i32
    %dma_wait3A_451 = arith.constant 0 : i32
    %dma_wait3A_452 = tpu.memref_slice %arg2[%dma_wait3A_450, %add3A_327, %dma_wait3A_451] : memref<4x2048x1024xf32, #tpu.memory_space<hbm>> -> memref<1x16x1024xf32, #tpu.memory_space<hbm>>
    %dma_wait3A_453 = tpu.memref_squeeze %dma_wait3A_452 : memref<1x16x1024xf32, #tpu.memory_space<hbm>> -> memref<16x1024xf32, #tpu.memory_space<hbm>>
    %dma_wait3A_454 = arith.constant 0 : i32
    %dma_wait3A_455 = tpu.memref_slice %arg2[%dma_wait3A_450, %add3A_327, %dma_wait3A_454] : memref<4x2048x1024xf32, #tpu.memory_space<hbm>> -> memref<1x16x1024xf32, #tpu.memory_space<hbm>>
    %dma_wait3A_456 = tpu.memref_squeeze %dma_wait3A_455 : memref<1x16x1024xf32, #tpu.memory_space<hbm>> -> memref<16x1024xf32, #tpu.memory_space<hbm>>
    tpu.wait_dma2 semaphore(%arg13 : memref<!tpu.dma_semaphore, #tpu.memory_space<semaphore_mem>>) src(%dma_wait3A_456 : memref<16x1024xf32, #tpu.memory_space<hbm>>) dst(%arg6 : memref<16x1024xf32, #tpu.memory_space<vmem>>)
    %parallel_loop3A_457 = arith.constant 0 : i32
    %parallel_loop3A_458 = arith.constant 16384 : i32
    %parallel_loop3A_459 = arith.constant 16 : i32
    scf.for %parallel_loop3A_600 = %parallel_loop3A_457 to %parallel_loop3A_458 step %parallel_loop3A_459  : i32 {
      %parallel_loop3A_601 = arith.constant 1024 : i32
      %parallel_loop3A_602 = arith.divsi %parallel_loop3A_600, %parallel_loop3A_601 : i32
      %parallel_loop3A_603 = arith.constant 0 : i32
      %parallel_loop3A_604 = arith.cmpi sgt, %parallel_loop3A_600, %parallel_loop3A_603 : i32
      %parallel_loop3A_605 = arith.extui %parallel_loop3A_604 : i1 to i32
      %parallel_loop3A_606 = arith.constant 0 : i32
      %parallel_loop3A_607 = arith.cmpi slt, %parallel_loop3A_600, %parallel_loop3A_606 : i32
      %parallel_loop3A_608 = arith.extui %parallel_loop3A_607 : i1 to i32
      %parallel_loop3A_609 = arith.subi %parallel_loop3A_605, %parallel_loop3A_608 : i32
      %parallel_loop3A_610 = arith.constant 0 : i32
      %parallel_loop3A_611 = arith.cmpi sgt, %parallel_loop3A_601, %parallel_loop3A_610 : i32
      %parallel_loop3A_612 = arith.extui %parallel_loop3A_611 : i1 to i32
      %parallel_loop3A_613 = arith.constant 0 : i32
      %parallel_loop3A_614 = arith.cmpi slt, %parallel_loop3A_601, %parallel_loop3A_613 : i32
      %parallel_loop3A_615 = arith.extui %parallel_loop3A_614 : i1 to i32
      %parallel_loop3A_616 = arith.subi %parallel_loop3A_612, %parallel_loop3A_615 : i32
      %parallel_loop3A_617 = arith.cmpi ne, %parallel_loop3A_609, %parallel_loop3A_616 : i32
      %parallel_loop3A_618 = arith.remsi %parallel_loop3A_600, %parallel_loop3A_601 : i32
      %parallel_loop3A_619 = arith.constant 0 : i32
      %parallel_loop3A_620 = arith.cmpi ne, %parallel_loop3A_618, %parallel_loop3A_619 : i32
      %parallel_loop3A_621 = arith.andi %parallel_loop3A_617, %parallel_loop3A_620 : i1
      %parallel_loop3A_622 = arith.constant 1 : i32
      %parallel_loop3A_623 = arith.subi %parallel_loop3A_602, %parallel_loop3A_622 : i32
      %parallel_loop3A_624 = arith.select %parallel_loop3A_621, %parallel_loop3A_623, %parallel_loop3A_602 : i32
      %parallel_loop3A_625 = arith.constant 1024 : i32
      %parallel_loop3A_626 = arith.constant 0 : i32
      %parallel_loop3A_627 = arith.cmpi eq, %parallel_loop3A_625, %parallel_loop3A_626 : i32
      %parallel_loop3A_628 = arith.constant 1 : i32
      %parallel_loop3A_629 = arith.select %parallel_loop3A_627, %parallel_loop3A_628, %parallel_loop3A_625 : i32
      %parallel_loop3A_630 = arith.remsi %parallel_loop3A_600, %parallel_loop3A_629 : i32
      %parallel_loop3A_631 = arith.constant 0 : i32
      %parallel_loop3A_632 = arith.cmpi ne, %parallel_loop3A_630, %parallel_loop3A_631 : i32
      %parallel_loop3A_633 = arith.constant 0 : i32
      %parallel_loop3A_634 = arith.cmpi slt, %parallel_loop3A_630, %parallel_loop3A_633 : i32
      %parallel_loop3A_635 = arith.constant 0 : i32
      %parallel_loop3A_636 = arith.cmpi slt, %parallel_loop3A_629, %parallel_loop3A_635 : i32
      %parallel_loop3A_637 = arith.xori %parallel_loop3A_634, %parallel_loop3A_636 : i1
      %parallel_loop3A_638 = arith.andi %parallel_loop3A_637, %parallel_loop3A_632 : i1
      %parallel_loop3A_639 = arith.addi %parallel_loop3A_630, %parallel_loop3A_629 : i32
      %parallel_loop3A_640 = arith.select %parallel_loop3A_638, %parallel_loop3A_639, %parallel_loop3A_630 : i32
      %parallel_loop3A_641 = arith.index_cast %parallel_loop3A_624 : i32 to index
      %parallel_loop3A_642 = arith.index_cast %parallel_loop3A_640 : i32 to index
      %parallel_loop3A_643 = tpu.vector_load %arg10[%parallel_loop3A_641, %parallel_loop3A_642] {strides = array<i32>} : memref<16x1024xf32, #tpu.memory_space<vmem>>, vector<1x16xf32>,
      %parallel_loop3A_644 = vector.shape_cast %parallel_loop3A_643 : vector<1x16xf32> to vector<16xf32>
      %parallel_loop3A_645 = arith.index_cast %parallel_loop3A_624 : i32 to index
      %parallel_loop3A_646 = arith.index_cast %parallel_loop3A_640 : i32 to index
      %parallel_loop3A_647 = tpu.vector_load %arg6[%parallel_loop3A_645, %parallel_loop3A_646] {strides = array<i32>} : memref<16x1024xf32, #tpu.memory_space<vmem>>, vector<1x16xf32>,
      %parallel_loop3A_648 = vector.shape_cast %parallel_loop3A_647 : vector<1x16xf32> to vector<16xf32>
      %parallel_loop3A_649 = vector.shape_cast %parallel_loop3A_644 : vector<16xf32> to vector<1x16xf32>
      tpu.vector_store %arg6[%parallel_loop3A_645, %parallel_loop3A_646], %parallel_loop3A_649 {add = true, strides = array<i32>} : memref<16x1024xf32, #tpu.memory_space<vmem>>, vector<1x16xf32>,
    } {sc.loop_unroll_factor = 4 : i64, sc.parallel_access}
    %add3A_460 = arith.constant 32 : i32
    %add3A_461 = arith.addi %mul3A_2, %add3A_460 : i32
    %dma_start3A_462 = arith.constant 3 : i32
    %dma_start3A_463 = arith.constant 0 : i32
    %dma_start3A_464 = tpu.memref_slice %arg4[%dma_start3A_462, %add3A_461, %dma_start3A_463] : memref<4x2048x1024xf32, #tpu.memory_space<hbm>> -> memref<1x16x1024xf32, #tpu.memory_space<hbm>>
    %dma_start3A_465 = tpu.memref_squeeze %dma_start3A_464 : memref<1x16x1024xf32, #tpu.memory_space<hbm>> -> memref<16x1024xf32, #tpu.memory_space<hbm>>
    %dma_start3A_466 = arith.constant 0 : i32
    %dma_start3A_467 = tpu.memref_slice %arg4[%dma_start3A_462, %add3A_461, %dma_start3A_466] : memref<4x2048x1024xf32, #tpu.memory_space<hbm>> -> memref<1x16x1024xf32, #tpu.memory_space<hbm>>
    %dma_start3A_468 = tpu.memref_squeeze %dma_start3A_467 : memref<1x16x1024xf32, #tpu.memory_space<hbm>> -> memref<16x1024xf32, #tpu.memory_space<hbm>>
    tpu.enqueue_dma source(%arg6 : memref<16x1024xf32, #tpu.memory_space<vmem>>) target(%dma_start3A_468 : memref<16x1024xf32, #tpu.memory_space<hbm>>) target_semaphore(%arg18 : memref<!tpu.dma_semaphore, #tpu.memory_space<semaphore_mem>>)
    %dma_wait3A_469 = arith.constant 2 : i32
    %dma_wait3A_470 = arith.constant 0 : i32
    %dma_wait3A_471 = tpu.memref_slice %arg4[%dma_wait3A_469, %add3A_426, %dma_wait3A_470] : memref<4x2048x1024xf32, #tpu.memory_space<hbm>> -> memref<1x16x1024xf32, #tpu.memory_space<hbm>>
    %dma_wait3A_472 = tpu.memref_squeeze %dma_wait3A_471 : memref<1x16x1024xf32, #tpu.memory_space<hbm>> -> memref<16x1024xf32, #tpu.memory_space<hbm>>
    %dma_wait3A_473 = arith.constant 0 : i32
    %dma_wait3A_474 = tpu.memref_slice %arg4[%dma_wait3A_469, %add3A_426, %dma_wait3A_473] : memref<4x2048x1024xf32, #tpu.memory_space<hbm>> -> memref<1x16x1024xf32, #tpu.memory_space<hbm>>
    %dma_wait3A_475 = tpu.memref_squeeze %dma_wait3A_474 : memref<1x16x1024xf32, #tpu.memory_space<hbm>> -> memref<16x1024xf32, #tpu.memory_space<hbm>>
    tpu.wait_dma2 semaphore(%arg17 : memref<!tpu.dma_semaphore, #tpu.memory_space<semaphore_mem>>) src(%arg5 : memref<16x1024xf32, #tpu.memory_space<vmem>>) dst(%dma_wait3A_475 : memref<16x1024xf32, #tpu.memory_space<hbm>>)
    %add3A_476 = arith.constant 48 : i32
    %add3A_477 = arith.addi %mul3A_2, %add3A_476 : i32
    %dma_start3A_478 = arith.constant 3 : i32
    %dma_start3A_479 = arith.constant 0 : i32
    %dma_start3A_480 = tpu.memref_slice %arg2[%dma_start3A_478, %add3A_477, %dma_start3A_479] : memref<4x2048x1024xf32, #tpu.memory_space<hbm>> -> memref<1x16x1024xf32, #tpu.memory_space<hbm>>
    %dma_start3A_481 = tpu.memref_squeeze %dma_start3A_480 : memref<1x16x1024xf32, #tpu.memory_space<hbm>> -> memref<16x1024xf32, #tpu.memory_space<hbm>>
    %dma_start3A_482 = arith.constant 0 : i32
    %dma_start3A_483 = tpu.memref_slice %arg2[%dma_start3A_478, %add3A_477, %dma_start3A_482] : memref<4x2048x1024xf32, #tpu.memory_space<hbm>> -> memref<1x16x1024xf32, #tpu.memory_space<hbm>>
    %dma_start3A_484 = tpu.memref_squeeze %dma_start3A_483 : memref<1x16x1024xf32, #tpu.memory_space<hbm>> -> memref<16x1024xf32, #tpu.memory_space<hbm>>
    tpu.enqueue_dma source(%dma_start3A_484 : memref<16x1024xf32, #tpu.memory_space<hbm>>) target(%arg5 : memref<16x1024xf32, #tpu.memory_space<vmem>>) target_semaphore(%arg12 : memref<!tpu.dma_semaphore, #tpu.memory_space<semaphore_mem>>)
    %dma_wait3A_485 = arith.constant 0 : i32
    %dma_wait3A_486 = arith.constant 0 : i32
    %dma_wait3A_487 = tpu.memref_slice %arg2[%dma_wait3A_485, %add3A_372, %dma_wait3A_486] : memref<4x2048x1024xf32, #tpu.memory_space<hbm>> -> memref<1x16x1024xf32, #tpu.memory_space<hbm>>
    %dma_wait3A_488 = tpu.memref_squeeze %dma_wait3A_487 : memref<1x16x1024xf32, #tpu.memory_space<hbm>> -> memref<16x1024xf32, #tpu.memory_space<hbm>>
    %dma_wait3A_489 = arith.constant 0 : i32
    %dma_wait3A_490 = tpu.memref_slice %arg2[%dma_wait3A_485, %add3A_372, %dma_wait3A_489] : memref<4x2048x1024xf32, #tpu.memory_space<hbm>> -> memref<1x16x1024xf32, #tpu.memory_space<hbm>>
    %dma_wait3A_491 = tpu.memref_squeeze %dma_wait3A_490 : memref<1x16x1024xf32, #tpu.memory_space<hbm>> -> memref<16x1024xf32, #tpu.memory_space<hbm>>
    tpu.wait_dma2 semaphore(%arg14 : memref<!tpu.dma_semaphore, #tpu.memory_space<semaphore_mem>>) src(%dma_wait3A_491 : memref<16x1024xf32, #tpu.memory_space<hbm>>) dst(%arg7 : memref<16x1024xf32, #tpu.memory_space<vmem>>)
    %dma_wait3A_492 = arith.constant 0 : i32
    %dma_wait3A_493 = tpu.memref_slice %arg3[%add3A_336, %dma_wait3A_492] : memref<2048x1024xf32, #tpu.memory_space<hbm>> -> memref<16x1024xf32, #tpu.memory_space<hbm>>
    %dma_wait3A_494 = arith.constant 0 : i32
    %dma_wait3A_495 = tpu.memref_slice %arg3[%add3A_336, %dma_wait3A_494] : memref<2048x1024xf32, #tpu.memory_space<hbm>> -> memref<16x1024xf32, #tpu.memory_space<hbm>>
    tpu.wait_dma2 semaphore(%arg23 : memref<!tpu.dma_semaphore, #tpu.memory_space<semaphore_mem>>) src(%dma_wait3A_495 : memref<16x1024xf32, #tpu.memory_space<hbm>>) dst(%arg11 : memref<16x1024xf32, #tpu.memory_space<vmem>>)
    %parallel_loop3A_496 = arith.constant 0 : i32
    %parallel_loop3A_497 = arith.constant 16384 : i32
    %parallel_loop3A_498 = arith.constant 16 : i32
    scf.for %parallel_loop3A_600 = %parallel_loop3A_496 to %parallel_loop3A_497 step %parallel_loop3A_498  : i32 {
      %parallel_loop3A_601 = arith.constant 1024 : i32
      %parallel_loop3A_602 = arith.divsi %parallel_loop3A_600, %parallel_loop3A_601 : i32
      %parallel_loop3A_603 = arith.constant 0 : i32
      %parallel_loop3A_604 = arith.cmpi sgt, %parallel_loop3A_600, %parallel_loop3A_603 : i32
      %parallel_loop3A_605 = arith.extui %parallel_loop3A_604 : i1 to i32
      %parallel_loop3A_606 = arith.constant 0 : i32
      %parallel_loop3A_607 = arith.cmpi slt, %parallel_loop3A_600, %parallel_loop3A_606 : i32
      %parallel_loop3A_608 = arith.extui %parallel_loop3A_607 : i1 to i32
      %parallel_loop3A_609 = arith.subi %parallel_loop3A_605, %parallel_loop3A_608 : i32
      %parallel_loop3A_610 = arith.constant 0 : i32
      %parallel_loop3A_611 = arith.cmpi sgt, %parallel_loop3A_601, %parallel_loop3A_610 : i32
      %parallel_loop3A_612 = arith.extui %parallel_loop3A_611 : i1 to i32
      %parallel_loop3A_613 = arith.constant 0 : i32
      %parallel_loop3A_614 = arith.cmpi slt, %parallel_loop3A_601, %parallel_loop3A_613 : i32
      %parallel_loop3A_615 = arith.extui %parallel_loop3A_614 : i1 to i32
      %parallel_loop3A_616 = arith.subi %parallel_loop3A_612, %parallel_loop3A_615 : i32
      %parallel_loop3A_617 = arith.cmpi ne, %parallel_loop3A_609, %parallel_loop3A_616 : i32
      %parallel_loop3A_618 = arith.remsi %parallel_loop3A_600, %parallel_loop3A_601 : i32
      %parallel_loop3A_619 = arith.constant 0 : i32
      %parallel_loop3A_620 = arith.cmpi ne, %parallel_loop3A_618, %parallel_loop3A_619 : i32
      %parallel_loop3A_621 = arith.andi %parallel_loop3A_617, %parallel_loop3A_620 : i1
      %parallel_loop3A_622 = arith.constant 1 : i32
      %parallel_loop3A_623 = arith.subi %parallel_loop3A_602, %parallel_loop3A_622 : i32
      %parallel_loop3A_624 = arith.select %parallel_loop3A_621, %parallel_loop3A_623, %parallel_loop3A_602 : i32
      %parallel_loop3A_625 = arith.constant 1024 : i32
      %parallel_loop3A_626 = arith.constant 0 : i32
      %parallel_loop3A_627 = arith.cmpi eq, %parallel_loop3A_625, %parallel_loop3A_626 : i32
      %parallel_loop3A_628 = arith.constant 1 : i32
      %parallel_loop3A_629 = arith.select %parallel_loop3A_627, %parallel_loop3A_628, %parallel_loop3A_625 : i32
      %parallel_loop3A_630 = arith.remsi %parallel_loop3A_600, %parallel_loop3A_629 : i32
      %parallel_loop3A_631 = arith.constant 0 : i32
      %parallel_loop3A_632 = arith.cmpi ne, %parallel_loop3A_630, %parallel_loop3A_631 : i32
      %parallel_loop3A_633 = arith.constant 0 : i32
      %parallel_loop3A_634 = arith.cmpi slt, %parallel_loop3A_630, %parallel_loop3A_633 : i32
      %parallel_loop3A_635 = arith.constant 0 : i32
      %parallel_loop3A_636 = arith.cmpi slt, %parallel_loop3A_629, %parallel_loop3A_635 : i32
      %parallel_loop3A_637 = arith.xori %parallel_loop3A_634, %parallel_loop3A_636 : i1
      %parallel_loop3A_638 = arith.andi %parallel_loop3A_637, %parallel_loop3A_632 : i1
      %parallel_loop3A_639 = arith.addi %parallel_loop3A_630, %parallel_loop3A_629 : i32
      %parallel_loop3A_640 = arith.select %parallel_loop3A_638, %parallel_loop3A_639, %parallel_loop3A_630 : i32
      %parallel_loop3A_641 = arith.index_cast %parallel_loop3A_624 : i32 to index
      %parallel_loop3A_642 = arith.index_cast %parallel_loop3A_640 : i32 to index
      %parallel_loop3A_643 = tpu.vector_load %arg11[%parallel_loop3A_641, %parallel_loop3A_642] {strides = array<i32>} : memref<16x1024xf32, #tpu.memory_space<vmem>>, vector<1x16xf32>,
      %parallel_loop3A_644 = vector.shape_cast %parallel_loop3A_643 : vector<1x16xf32> to vector<16xf32>
      %parallel_loop3A_645 = arith.index_cast %parallel_loop3A_624 : i32 to index
      %parallel_loop3A_646 = arith.index_cast %parallel_loop3A_640 : i32 to index
      %parallel_loop3A_647 = tpu.vector_load %arg7[%parallel_loop3A_645, %parallel_loop3A_646] {strides = array<i32>} : memref<16x1024xf32, #tpu.memory_space<vmem>>, vector<1x16xf32>,
      %parallel_loop3A_648 = vector.shape_cast %parallel_loop3A_647 : vector<1x16xf32> to vector<16xf32>
      %parallel_loop3A_649 = vector.shape_cast %parallel_loop3A_644 : vector<16xf32> to vector<1x16xf32>
      tpu.vector_store %arg7[%parallel_loop3A_645, %parallel_loop3A_646], %parallel_loop3A_649 {add = true, strides = array<i32>} : memref<16x1024xf32, #tpu.memory_space<vmem>>, vector<1x16xf32>,
    } {sc.loop_unroll_factor = 4 : i64, sc.parallel_access}
    %add3A_499 = arith.constant 48 : i32
    %add3A_500 = arith.addi %mul3A_2, %add3A_499 : i32
    %dma_start3A_501 = arith.constant 0 : i32
    %dma_start3A_502 = arith.constant 0 : i32
    %dma_start3A_503 = tpu.memref_slice %arg4[%dma_start3A_501, %add3A_500, %dma_start3A_502] : memref<4x2048x1024xf32, #tpu.memory_space<hbm>> -> memref<1x16x1024xf32, #tpu.memory_space<hbm>>
    %dma_start3A_504 = tpu.memref_squeeze %dma_start3A_503 : memref<1x16x1024xf32, #tpu.memory_space<hbm>> -> memref<16x1024xf32, #tpu.memory_space<hbm>>
    %dma_start3A_505 = arith.constant 0 : i32
    %dma_start3A_506 = tpu.memref_slice %arg4[%dma_start3A_501, %add3A_500, %dma_start3A_505] : memref<4x2048x1024xf32, #tpu.memory_space<hbm>> -> memref<1x16x1024xf32, #tpu.memory_space<hbm>>
    %dma_start3A_507 = tpu.memref_squeeze %dma_start3A_506 : memref<1x16x1024xf32, #tpu.memory_space<hbm>> -> memref<16x1024xf32, #tpu.memory_space<hbm>>
    tpu.enqueue_dma source(%arg7 : memref<16x1024xf32, #tpu.memory_space<vmem>>) target(%dma_start3A_507 : memref<16x1024xf32, #tpu.memory_space<hbm>>) target_semaphore(%arg19 : memref<!tpu.dma_semaphore, #tpu.memory_space<semaphore_mem>>)
    %dma_wait3A_508 = arith.constant 1 : i32
    %dma_wait3A_509 = arith.constant 0 : i32
    %dma_wait3A_510 = tpu.memref_slice %arg2[%dma_wait3A_508, %add3A_407, %dma_wait3A_509] : memref<4x2048x1024xf32, #tpu.memory_space<hbm>> -> memref<1x16x1024xf32, #tpu.memory_space<hbm>>
    %dma_wait3A_511 = tpu.memref_squeeze %dma_wait3A_510 : memref<1x16x1024xf32, #tpu.memory_space<hbm>> -> memref<16x1024xf32, #tpu.memory_space<hbm>>
    %dma_wait3A_512 = arith.constant 0 : i32
    %dma_wait3A_513 = tpu.memref_slice %arg2[%dma_wait3A_508, %add3A_407, %dma_wait3A_512] : memref<4x2048x1024xf32, #tpu.memory_space<hbm>> -> memref<1x16x1024xf32, #tpu.memory_space<hbm>>
    %dma_wait3A_514 = tpu.memref_squeeze %dma_wait3A_513 : memref<1x16x1024xf32, #tpu.memory_space<hbm>> -> memref<16x1024xf32, #tpu.memory_space<hbm>>
    tpu.wait_dma2 semaphore(%arg15 : memref<!tpu.dma_semaphore, #tpu.memory_space<semaphore_mem>>) src(%dma_wait3A_514 : memref<16x1024xf32, #tpu.memory_space<hbm>>) dst(%arg8 : memref<16x1024xf32, #tpu.memory_space<vmem>>)
    %parallel_loop3A_515 = arith.constant 0 : i32
    %parallel_loop3A_516 = arith.constant 16384 : i32
    %parallel_loop3A_517 = arith.constant 16 : i32
    scf.for %parallel_loop3A_600 = %parallel_loop3A_515 to %parallel_loop3A_516 step %parallel_loop3A_517  : i32 {
      %parallel_loop3A_601 = arith.constant 1024 : i32
      %parallel_loop3A_602 = arith.divsi %parallel_loop3A_600, %parallel_loop3A_601 : i32
      %parallel_loop3A_603 = arith.constant 0 : i32
      %parallel_loop3A_604 = arith.cmpi sgt, %parallel_loop3A_600, %parallel_loop3A_603 : i32
      %parallel_loop3A_605 = arith.extui %parallel_loop3A_604 : i1 to i32
      %parallel_loop3A_606 = arith.constant 0 : i32
      %parallel_loop3A_607 = arith.cmpi slt, %parallel_loop3A_600, %parallel_loop3A_606 : i32
      %parallel_loop3A_608 = arith.extui %parallel_loop3A_607 : i1 to i32
      %parallel_loop3A_609 = arith.subi %parallel_loop3A_605, %parallel_loop3A_608 : i32
      %parallel_loop3A_610 = arith.constant 0 : i32
      %parallel_loop3A_611 = arith.cmpi sgt, %parallel_loop3A_601, %parallel_loop3A_610 : i32
      %parallel_loop3A_612 = arith.extui %parallel_loop3A_611 : i1 to i32
      %parallel_loop3A_613 = arith.constant 0 : i32
      %parallel_loop3A_614 = arith.cmpi slt, %parallel_loop3A_601, %parallel_loop3A_613 : i32
      %parallel_loop3A_615 = arith.extui %parallel_loop3A_614 : i1 to i32
      %parallel_loop3A_616 = arith.subi %parallel_loop3A_612, %parallel_loop3A_615 : i32
      %parallel_loop3A_617 = arith.cmpi ne, %parallel_loop3A_609, %parallel_loop3A_616 : i32
      %parallel_loop3A_618 = arith.remsi %parallel_loop3A_600, %parallel_loop3A_601 : i32
      %parallel_loop3A_619 = arith.constant 0 : i32
      %parallel_loop3A_620 = arith.cmpi ne, %parallel_loop3A_618, %parallel_loop3A_619 : i32
      %parallel_loop3A_621 = arith.andi %parallel_loop3A_617, %parallel_loop3A_620 : i1
      %parallel_loop3A_622 = arith.constant 1 : i32
      %parallel_loop3A_623 = arith.subi %parallel_loop3A_602, %parallel_loop3A_622 : i32
      %parallel_loop3A_624 = arith.select %parallel_loop3A_621, %parallel_loop3A_623, %parallel_loop3A_602 : i32
      %parallel_loop3A_625 = arith.constant 1024 : i32
      %parallel_loop3A_626 = arith.constant 0 : i32
      %parallel_loop3A_627 = arith.cmpi eq, %parallel_loop3A_625, %parallel_loop3A_626 : i32
      %parallel_loop3A_628 = arith.constant 1 : i32
      %parallel_loop3A_629 = arith.select %parallel_loop3A_627, %parallel_loop3A_628, %parallel_loop3A_625 : i32
      %parallel_loop3A_630 = arith.remsi %parallel_loop3A_600, %parallel_loop3A_629 : i32
      %parallel_loop3A_631 = arith.constant 0 : i32
      %parallel_loop3A_632 = arith.cmpi ne, %parallel_loop3A_630, %parallel_loop3A_631 : i32
      %parallel_loop3A_633 = arith.constant 0 : i32
      %parallel_loop3A_634 = arith.cmpi slt, %parallel_loop3A_630, %parallel_loop3A_633 : i32
      %parallel_loop3A_635 = arith.constant 0 : i32
      %parallel_loop3A_636 = arith.cmpi slt, %parallel_loop3A_629, %parallel_loop3A_635 : i32
      %parallel_loop3A_637 = arith.xori %parallel_loop3A_634, %parallel_loop3A_636 : i1
      %parallel_loop3A_638 = arith.andi %parallel_loop3A_637, %parallel_loop3A_632 : i1
      %parallel_loop3A_639 = arith.addi %parallel_loop3A_630, %parallel_loop3A_629 : i32
      %parallel_loop3A_640 = arith.select %parallel_loop3A_638, %parallel_loop3A_639, %parallel_loop3A_630 : i32
      %parallel_loop3A_641 = arith.index_cast %parallel_loop3A_624 : i32 to index
      %parallel_loop3A_642 = arith.index_cast %parallel_loop3A_640 : i32 to index
      %parallel_loop3A_643 = tpu.vector_load %arg11[%parallel_loop3A_641, %parallel_loop3A_642] {strides = array<i32>} : memref<16x1024xf32, #tpu.memory_space<vmem>>, vector<1x16xf32>,
      %parallel_loop3A_644 = vector.shape_cast %parallel_loop3A_643 : vector<1x16xf32> to vector<16xf32>
      %parallel_loop3A_645 = arith.index_cast %parallel_loop3A_624 : i32 to index
      %parallel_loop3A_646 = arith.index_cast %parallel_loop3A_640 : i32 to index
      %parallel_loop3A_647 = tpu.vector_load %arg8[%parallel_loop3A_645, %parallel_loop3A_646] {strides = array<i32>} : memref<16x1024xf32, #tpu.memory_space<vmem>>, vector<1x16xf32>,
      %parallel_loop3A_648 = vector.shape_cast %parallel_loop3A_647 : vector<1x16xf32> to vector<16xf32>
      %parallel_loop3A_649 = vector.shape_cast %parallel_loop3A_644 : vector<16xf32> to vector<1x16xf32>
      tpu.vector_store %arg8[%parallel_loop3A_645, %parallel_loop3A_646], %parallel_loop3A_649 {add = true, strides = array<i32>} : memref<16x1024xf32, #tpu.memory_space<vmem>>, vector<1x16xf32>,
    } {sc.loop_unroll_factor = 4 : i64, sc.parallel_access}
    %add3A_518 = arith.constant 48 : i32
    %add3A_519 = arith.addi %mul3A_2, %add3A_518 : i32
    %dma_start3A_520 = arith.constant 1 : i32
    %dma_start3A_521 = arith.constant 0 : i32
    %dma_start3A_522 = tpu.memref_slice %arg4[%dma_start3A_520, %add3A_519, %dma_start3A_521] : memref<4x2048x1024xf32, #tpu.memory_space<hbm>> -> memref<1x16x1024xf32, #tpu.memory_space<hbm>>
    %dma_start3A_523 = tpu.memref_squeeze %dma_start3A_522 : memref<1x16x1024xf32, #tpu.memory_space<hbm>> -> memref<16x1024xf32, #tpu.memory_space<hbm>>
    %dma_start3A_524 = arith.constant 0 : i32
    %dma_start3A_525 = tpu.memref_slice %arg4[%dma_start3A_520, %add3A_519, %dma_start3A_524] : memref<4x2048x1024xf32, #tpu.memory_space<hbm>> -> memref<1x16x1024xf32, #tpu.memory_space<hbm>>
    %dma_start3A_526 = tpu.memref_squeeze %dma_start3A_525 : memref<1x16x1024xf32, #tpu.memory_space<hbm>> -> memref<16x1024xf32, #tpu.memory_space<hbm>>
    tpu.enqueue_dma source(%arg8 : memref<16x1024xf32, #tpu.memory_space<vmem>>) target(%dma_start3A_526 : memref<16x1024xf32, #tpu.memory_space<hbm>>) target_semaphore(%arg20 : memref<!tpu.dma_semaphore, #tpu.memory_space<semaphore_mem>>)
    %dma_wait3A_527 = arith.constant 2 : i32
    %dma_wait3A_528 = arith.constant 0 : i32
    %dma_wait3A_529 = tpu.memref_slice %arg2[%dma_wait3A_527, %add3A_442, %dma_wait3A_528] : memref<4x2048x1024xf32, #tpu.memory_space<hbm>> -> memref<1x16x1024xf32, #tpu.memory_space<hbm>>
    %dma_wait3A_530 = tpu.memref_squeeze %dma_wait3A_529 : memref<1x16x1024xf32, #tpu.memory_space<hbm>> -> memref<16x1024xf32, #tpu.memory_space<hbm>>
    %dma_wait3A_531 = arith.constant 0 : i32
    %dma_wait3A_532 = tpu.memref_slice %arg2[%dma_wait3A_527, %add3A_442, %dma_wait3A_531] : memref<4x2048x1024xf32, #tpu.memory_space<hbm>> -> memref<1x16x1024xf32, #tpu.memory_space<hbm>>
    %dma_wait3A_533 = tpu.memref_squeeze %dma_wait3A_532 : memref<1x16x1024xf32, #tpu.memory_space<hbm>> -> memref<16x1024xf32, #tpu.memory_space<hbm>>
    tpu.wait_dma2 semaphore(%arg16 : memref<!tpu.dma_semaphore, #tpu.memory_space<semaphore_mem>>) src(%dma_wait3A_533 : memref<16x1024xf32, #tpu.memory_space<hbm>>) dst(%arg9 : memref<16x1024xf32, #tpu.memory_space<vmem>>)
    %parallel_loop3A_534 = arith.constant 0 : i32
    %parallel_loop3A_535 = arith.constant 16384 : i32
    %parallel_loop3A_536 = arith.constant 16 : i32
    scf.for %parallel_loop3A_600 = %parallel_loop3A_534 to %parallel_loop3A_535 step %parallel_loop3A_536  : i32 {
      %parallel_loop3A_601 = arith.constant 1024 : i32
      %parallel_loop3A_602 = arith.divsi %parallel_loop3A_600, %parallel_loop3A_601 : i32
      %parallel_loop3A_603 = arith.constant 0 : i32
      %parallel_loop3A_604 = arith.cmpi sgt, %parallel_loop3A_600, %parallel_loop3A_603 : i32
      %parallel_loop3A_605 = arith.extui %parallel_loop3A_604 : i1 to i32
      %parallel_loop3A_606 = arith.constant 0 : i32
      %parallel_loop3A_607 = arith.cmpi slt, %parallel_loop3A_600, %parallel_loop3A_606 : i32
      %parallel_loop3A_608 = arith.extui %parallel_loop3A_607 : i1 to i32
      %parallel_loop3A_609 = arith.subi %parallel_loop3A_605, %parallel_loop3A_608 : i32
      %parallel_loop3A_610 = arith.constant 0 : i32
      %parallel_loop3A_611 = arith.cmpi sgt, %parallel_loop3A_601, %parallel_loop3A_610 : i32
      %parallel_loop3A_612 = arith.extui %parallel_loop3A_611 : i1 to i32
      %parallel_loop3A_613 = arith.constant 0 : i32
      %parallel_loop3A_614 = arith.cmpi slt, %parallel_loop3A_601, %parallel_loop3A_613 : i32
      %parallel_loop3A_615 = arith.extui %parallel_loop3A_614 : i1 to i32
      %parallel_loop3A_616 = arith.subi %parallel_loop3A_612, %parallel_loop3A_615 : i32
      %parallel_loop3A_617 = arith.cmpi ne, %parallel_loop3A_609, %parallel_loop3A_616 : i32
      %parallel_loop3A_618 = arith.remsi %parallel_loop3A_600, %parallel_loop3A_601 : i32
      %parallel_loop3A_619 = arith.constant 0 : i32
      %parallel_loop3A_620 = arith.cmpi ne, %parallel_loop3A_618, %parallel_loop3A_619 : i32
      %parallel_loop3A_621 = arith.andi %parallel_loop3A_617, %parallel_loop3A_620 : i1
      %parallel_loop3A_622 = arith.constant 1 : i32
      %parallel_loop3A_623 = arith.subi %parallel_loop3A_602, %parallel_loop3A_622 : i32
      %parallel_loop3A_624 = arith.select %parallel_loop3A_621, %parallel_loop3A_623, %parallel_loop3A_602 : i32
      %parallel_loop3A_625 = arith.constant 1024 : i32
      %parallel_loop3A_626 = arith.constant 0 : i32
      %parallel_loop3A_627 = arith.cmpi eq, %parallel_loop3A_625, %parallel_loop3A_626 : i32
      %parallel_loop3A_628 = arith.constant 1 : i32
      %parallel_loop3A_629 = arith.select %parallel_loop3A_627, %parallel_loop3A_628, %parallel_loop3A_625 : i32
      %parallel_loop3A_630 = arith.remsi %parallel_loop3A_600, %parallel_loop3A_629 : i32
      %parallel_loop3A_631 = arith.constant 0 : i32
      %parallel_loop3A_632 = arith.cmpi ne, %parallel_loop3A_630, %parallel_loop3A_631 : i32
      %parallel_loop3A_633 = arith.constant 0 : i32
      %parallel_loop3A_634 = arith.cmpi slt, %parallel_loop3A_630, %parallel_loop3A_633 : i32
      %parallel_loop3A_635 = arith.constant 0 : i32
      %parallel_loop3A_636 = arith.cmpi slt, %parallel_loop3A_629, %parallel_loop3A_635 : i32
      %parallel_loop3A_637 = arith.xori %parallel_loop3A_634, %parallel_loop3A_636 : i1
      %parallel_loop3A_638 = arith.andi %parallel_loop3A_637, %parallel_loop3A_632 : i1
      %parallel_loop3A_639 = arith.addi %parallel_loop3A_630, %parallel_loop3A_629 : i32
      %parallel_loop3A_640 = arith.select %parallel_loop3A_638, %parallel_loop3A_639, %parallel_loop3A_630 : i32
      %parallel_loop3A_641 = arith.index_cast %parallel_loop3A_624 : i32 to index
      %parallel_loop3A_642 = arith.index_cast %parallel_loop3A_640 : i32 to index
      %parallel_loop3A_643 = tpu.vector_load %arg11[%parallel_loop3A_641, %parallel_loop3A_642] {strides = array<i32>} : memref<16x1024xf32, #tpu.memory_space<vmem>>, vector<1x16xf32>,
      %parallel_loop3A_644 = vector.shape_cast %parallel_loop3A_643 : vector<1x16xf32> to vector<16xf32>
      %parallel_loop3A_645 = arith.index_cast %parallel_loop3A_624 : i32 to index
      %parallel_loop3A_646 = arith.index_cast %parallel_loop3A_640 : i32 to index
      %parallel_loop3A_647 = tpu.vector_load %arg9[%parallel_loop3A_645, %parallel_loop3A_646] {strides = array<i32>} : memref<16x1024xf32, #tpu.memory_space<vmem>>, vector<1x16xf32>,
      %parallel_loop3A_648 = vector.shape_cast %parallel_loop3A_647 : vector<1x16xf32> to vector<16xf32>
      %parallel_loop3A_649 = vector.shape_cast %parallel_loop3A_644 : vector<16xf32> to vector<1x16xf32>
      tpu.vector_store %arg9[%parallel_loop3A_645, %parallel_loop3A_646], %parallel_loop3A_649 {add = true, strides = array<i32>} : memref<16x1024xf32, #tpu.memory_space<vmem>>, vector<1x16xf32>,
    } {sc.loop_unroll_factor = 4 : i64, sc.parallel_access}
    %add3A_537 = arith.constant 48 : i32
    %add3A_538 = arith.addi %mul3A_2, %add3A_537 : i32
    %dma_start3A_539 = arith.constant 2 : i32
    %dma_start3A_540 = arith.constant 0 : i32
    %dma_start3A_541 = tpu.memref_slice %arg4[%dma_start3A_539, %add3A_538, %dma_start3A_540] : memref<4x2048x1024xf32, #tpu.memory_space<hbm>> -> memref<1x16x1024xf32, #tpu.memory_space<hbm>>
    %dma_start3A_542 = tpu.memref_squeeze %dma_start3A_541 : memref<1x16x1024xf32, #tpu.memory_space<hbm>> -> memref<16x1024xf32, #tpu.memory_space<hbm>>
    %dma_start3A_543 = arith.constant 0 : i32
    %dma_start3A_544 = tpu.memref_slice %arg4[%dma_start3A_539, %add3A_538, %dma_start3A_543] : memref<4x2048x1024xf32, #tpu.memory_space<hbm>> -> memref<1x16x1024xf32, #tpu.memory_space<hbm>>
    %dma_start3A_545 = tpu.memref_squeeze %dma_start3A_544 : memref<1x16x1024xf32, #tpu.memory_space<hbm>> -> memref<16x1024xf32, #tpu.memory_space<hbm>>
    tpu.enqueue_dma source(%arg9 : memref<16x1024xf32, #tpu.memory_space<vmem>>) target(%dma_start3A_545 : memref<16x1024xf32, #tpu.memory_space<hbm>>) target_semaphore(%arg21 : memref<!tpu.dma_semaphore, #tpu.memory_space<semaphore_mem>>)
    %dma_wait3A_546 = arith.constant 3 : i32
    %dma_wait3A_547 = arith.constant 0 : i32
    %dma_wait3A_548 = tpu.memref_slice %arg2[%dma_wait3A_546, %add3A_477, %dma_wait3A_547] : memref<4x2048x1024xf32, #tpu.memory_space<hbm>> -> memref<1x16x1024xf32, #tpu.memory_space<hbm>>
    %dma_wait3A_549 = tpu.memref_squeeze %dma_wait3A_548 : memref<1x16x1024xf32, #tpu.memory_space<hbm>> -> memref<16x1024xf32, #tpu.memory_space<hbm>>
    %dma_wait3A_550 = arith.constant 0 : i32
    %dma_wait3A_551 = tpu.memref_slice %arg2[%dma_wait3A_546, %add3A_477, %dma_wait3A_550] : memref<4x2048x1024xf32, #tpu.memory_space<hbm>> -> memref<1x16x1024xf32, #tpu.memory_space<hbm>>
    %dma_wait3A_552 = tpu.memref_squeeze %dma_wait3A_551 : memref<1x16x1024xf32, #tpu.memory_space<hbm>> -> memref<16x1024xf32, #tpu.memory_space<hbm>>
    tpu.wait_dma2 semaphore(%arg12 : memref<!tpu.dma_semaphore, #tpu.memory_space<semaphore_mem>>) src(%dma_wait3A_552 : memref<16x1024xf32, #tpu.memory_space<hbm>>) dst(%arg5 : memref<16x1024xf32, #tpu.memory_space<vmem>>)
    %parallel_loop3A_553 = arith.constant 0 : i32
    %parallel_loop3A_554 = arith.constant 16384 : i32
    %parallel_loop3A_555 = arith.constant 16 : i32
    scf.for %parallel_loop3A_600 = %parallel_loop3A_553 to %parallel_loop3A_554 step %parallel_loop3A_555  : i32 {
      %parallel_loop3A_601 = arith.constant 1024 : i32
      %parallel_loop3A_602 = arith.divsi %parallel_loop3A_600, %parallel_loop3A_601 : i32
      %parallel_loop3A_603 = arith.constant 0 : i32
      %parallel_loop3A_604 = arith.cmpi sgt, %parallel_loop3A_600, %parallel_loop3A_603 : i32
      %parallel_loop3A_605 = arith.extui %parallel_loop3A_604 : i1 to i32
      %parallel_loop3A_606 = arith.constant 0 : i32
      %parallel_loop3A_607 = arith.cmpi slt, %parallel_loop3A_600, %parallel_loop3A_606 : i32
      %parallel_loop3A_608 = arith.extui %parallel_loop3A_607 : i1 to i32
      %parallel_loop3A_609 = arith.subi %parallel_loop3A_605, %parallel_loop3A_608 : i32
      %parallel_loop3A_610 = arith.constant 0 : i32
      %parallel_loop3A_611 = arith.cmpi sgt, %parallel_loop3A_601, %parallel_loop3A_610 : i32
      %parallel_loop3A_612 = arith.extui %parallel_loop3A_611 : i1 to i32
      %parallel_loop3A_613 = arith.constant 0 : i32
      %parallel_loop3A_614 = arith.cmpi slt, %parallel_loop3A_601, %parallel_loop3A_613 : i32
      %parallel_loop3A_615 = arith.extui %parallel_loop3A_614 : i1 to i32
      %parallel_loop3A_616 = arith.subi %parallel_loop3A_612, %parallel_loop3A_615 : i32
      %parallel_loop3A_617 = arith.cmpi ne, %parallel_loop3A_609, %parallel_loop3A_616 : i32
      %parallel_loop3A_618 = arith.remsi %parallel_loop3A_600, %parallel_loop3A_601 : i32
      %parallel_loop3A_619 = arith.constant 0 : i32
      %parallel_loop3A_620 = arith.cmpi ne, %parallel_loop3A_618, %parallel_loop3A_619 : i32
      %parallel_loop3A_621 = arith.andi %parallel_loop3A_617, %parallel_loop3A_620 : i1
      %parallel_loop3A_622 = arith.constant 1 : i32
      %parallel_loop3A_623 = arith.subi %parallel_loop3A_602, %parallel_loop3A_622 : i32
      %parallel_loop3A_624 = arith.select %parallel_loop3A_621, %parallel_loop3A_623, %parallel_loop3A_602 : i32
      %parallel_loop3A_625 = arith.constant 1024 : i32
      %parallel_loop3A_626 = arith.constant 0 : i32
      %parallel_loop3A_627 = arith.cmpi eq, %parallel_loop3A_625, %parallel_loop3A_626 : i32
      %parallel_loop3A_628 = arith.constant 1 : i32
      %parallel_loop3A_629 = arith.select %parallel_loop3A_627, %parallel_loop3A_628, %parallel_loop3A_625 : i32
      %parallel_loop3A_630 = arith.remsi %parallel_loop3A_600, %parallel_loop3A_629 : i32
      %parallel_loop3A_631 = arith.constant 0 : i32
      %parallel_loop3A_632 = arith.cmpi ne, %parallel_loop3A_630, %parallel_loop3A_631 : i32
      %parallel_loop3A_633 = arith.constant 0 : i32
      %parallel_loop3A_634 = arith.cmpi slt, %parallel_loop3A_630, %parallel_loop3A_633 : i32
      %parallel_loop3A_635 = arith.constant 0 : i32
      %parallel_loop3A_636 = arith.cmpi slt, %parallel_loop3A_629, %parallel_loop3A_635 : i32
      %parallel_loop3A_637 = arith.xori %parallel_loop3A_634, %parallel_loop3A_636 : i1
      %parallel_loop3A_638 = arith.andi %parallel_loop3A_637, %parallel_loop3A_632 : i1
      %parallel_loop3A_639 = arith.addi %parallel_loop3A_630, %parallel_loop3A_629 : i32
      %parallel_loop3A_640 = arith.select %parallel_loop3A_638, %parallel_loop3A_639, %parallel_loop3A_630 : i32
      %parallel_loop3A_641 = arith.index_cast %parallel_loop3A_624 : i32 to index
      %parallel_loop3A_642 = arith.index_cast %parallel_loop3A_640 : i32 to index
      %parallel_loop3A_643 = tpu.vector_load %arg11[%parallel_loop3A_641, %parallel_loop3A_642] {strides = array<i32>} : memref<16x1024xf32, #tpu.memory_space<vmem>>, vector<1x16xf32>,
      %parallel_loop3A_644 = vector.shape_cast %parallel_loop3A_643 : vector<1x16xf32> to vector<16xf32>
      %parallel_loop3A_645 = arith.index_cast %parallel_loop3A_624 : i32 to index
      %parallel_loop3A_646 = arith.index_cast %parallel_loop3A_640 : i32 to index
      %parallel_loop3A_647 = tpu.vector_load %arg5[%parallel_loop3A_645, %parallel_loop3A_646] {strides = array<i32>} : memref<16x1024xf32, #tpu.memory_space<vmem>>, vector<1x16xf32>,
      %parallel_loop3A_648 = vector.shape_cast %parallel_loop3A_647 : vector<1x16xf32> to vector<16xf32>
      %parallel_loop3A_649 = vector.shape_cast %parallel_loop3A_644 : vector<16xf32> to vector<1x16xf32>
      tpu.vector_store %arg5[%parallel_loop3A_645, %parallel_loop3A_646], %parallel_loop3A_649 {add = true, strides = array<i32>} : memref<16x1024xf32, #tpu.memory_space<vmem>>, vector<1x16xf32>,
    } {sc.loop_unroll_factor = 4 : i64, sc.parallel_access}
    %add3A_556 = arith.constant 48 : i32
    %add3A_557 = arith.addi %mul3A_2, %add3A_556 : i32
    %dma_start3A_558 = arith.constant 3 : i32
    %dma_start3A_559 = arith.constant 0 : i32
    %dma_start3A_560 = tpu.memref_slice %arg4[%dma_start3A_558, %add3A_557, %dma_start3A_559] : memref<4x2048x1024xf32, #tpu.memory_space<hbm>> -> memref<1x16x1024xf32, #tpu.memory_space<hbm>>
    %dma_start3A_561 = tpu.memref_squeeze %dma_start3A_560 : memref<1x16x1024xf32, #tpu.memory_space<hbm>> -> memref<16x1024xf32, #tpu.memory_space<hbm>>
    %dma_start3A_562 = arith.constant 0 : i32
    %dma_start3A_563 = tpu.memref_slice %arg4[%dma_start3A_558, %add3A_557, %dma_start3A_562] : memref<4x2048x1024xf32, #tpu.memory_space<hbm>> -> memref<1x16x1024xf32, #tpu.memory_space<hbm>>
    %dma_start3A_564 = tpu.memref_squeeze %dma_start3A_563 : memref<1x16x1024xf32, #tpu.memory_space<hbm>> -> memref<16x1024xf32, #tpu.memory_space<hbm>>
    tpu.enqueue_dma source(%arg5 : memref<16x1024xf32, #tpu.memory_space<vmem>>) target(%dma_start3A_564 : memref<16x1024xf32, #tpu.memory_space<hbm>>) target_semaphore(%arg17 : memref<!tpu.dma_semaphore, #tpu.memory_space<semaphore_mem>>)
    %dma_wait3A_565 = arith.constant 3 : i32
    %dma_wait3A_566 = arith.constant 0 : i32
    %dma_wait3A_567 = tpu.memref_slice %arg4[%dma_wait3A_565, %add3A_461, %dma_wait3A_566] : memref<4x2048x1024xf32, #tpu.memory_space<hbm>> -> memref<1x16x1024xf32, #tpu.memory_space<hbm>>
    %dma_wait3A_568 = tpu.memref_squeeze %dma_wait3A_567 : memref<1x16x1024xf32, #tpu.memory_space<hbm>> -> memref<16x1024xf32, #tpu.memory_space<hbm>>
    %dma_wait3A_569 = arith.constant 0 : i32
    %dma_wait3A_570 = tpu.memref_slice %arg4[%dma_wait3A_565, %add3A_461, %dma_wait3A_569] : memref<4x2048x1024xf32, #tpu.memory_space<hbm>> -> memref<1x16x1024xf32, #tpu.memory_space<hbm>>
    %dma_wait3A_571 = tpu.memref_squeeze %dma_wait3A_570 : memref<1x16x1024xf32, #tpu.memory_space<hbm>> -> memref<16x1024xf32, #tpu.memory_space<hbm>>
    tpu.wait_dma2 semaphore(%arg18 : memref<!tpu.dma_semaphore, #tpu.memory_space<semaphore_mem>>) src(%arg6 : memref<16x1024xf32, #tpu.memory_space<vmem>>) dst(%dma_wait3A_571 : memref<16x1024xf32, #tpu.memory_space<hbm>>)
    %dma_wait3A_572 = arith.constant 0 : i32
    %dma_wait3A_573 = arith.constant 0 : i32
    %dma_wait3A_574 = tpu.memref_slice %arg4[%dma_wait3A_572, %add3A_500, %dma_wait3A_573] : memref<4x2048x1024xf32, #tpu.memory_space<hbm>> -> memref<1x16x1024xf32, #tpu.memory_space<hbm>>
    %dma_wait3A_575 = tpu.memref_squeeze %dma_wait3A_574 : memref<1x16x1024xf32, #tpu.memory_space<hbm>> -> memref<16x1024xf32, #tpu.memory_space<hbm>>
    %dma_wait3A_576 = arith.constant 0 : i32
    %dma_wait3A_577 = tpu.memref_slice %arg4[%dma_wait3A_572, %add3A_500, %dma_wait3A_576] : memref<4x2048x1024xf32, #tpu.memory_space<hbm>> -> memref<1x16x1024xf32, #tpu.memory_space<hbm>>
    %dma_wait3A_578 = tpu.memref_squeeze %dma_wait3A_577 : memref<1x16x1024xf32, #tpu.memory_space<hbm>> -> memref<16x1024xf32, #tpu.memory_space<hbm>>
    tpu.wait_dma2 semaphore(%arg19 : memref<!tpu.dma_semaphore, #tpu.memory_space<semaphore_mem>>) src(%arg7 : memref<16x1024xf32, #tpu.memory_space<vmem>>) dst(%dma_wait3A_578 : memref<16x1024xf32, #tpu.memory_space<hbm>>)
    %dma_wait3A_579 = arith.constant 1 : i32
    %dma_wait3A_580 = arith.constant 0 : i32
    %dma_wait3A_581 = tpu.memref_slice %arg4[%dma_wait3A_579, %add3A_519, %dma_wait3A_580] : memref<4x2048x1024xf32, #tpu.memory_space<hbm>> -> memref<1x16x1024xf32, #tpu.memory_space<hbm>>
    %dma_wait3A_582 = tpu.memref_squeeze %dma_wait3A_581 : memref<1x16x1024xf32, #tpu.memory_space<hbm>> -> memref<16x1024xf32, #tpu.memory_space<hbm>>
    %dma_wait3A_583 = arith.constant 0 : i32
    %dma_wait3A_584 = tpu.memref_slice %arg4[%dma_wait3A_579, %add3A_519, %dma_wait3A_583] : memref<4x2048x1024xf32, #tpu.memory_space<hbm>> -> memref<1x16x1024xf32, #tpu.memory_space<hbm>>
    %dma_wait3A_585 = tpu.memref_squeeze %dma_wait3A_584 : memref<1x16x1024xf32, #tpu.memory_space<hbm>> -> memref<16x1024xf32, #tpu.memory_space<hbm>>
    tpu.wait_dma2 semaphore(%arg20 : memref<!tpu.dma_semaphore, #tpu.memory_space<semaphore_mem>>) src(%arg8 : memref<16x1024xf32, #tpu.memory_space<vmem>>) dst(%dma_wait3A_585 : memref<16x1024xf32, #tpu.memory_space<hbm>>)
    %dma_wait3A_586 = arith.constant 2 : i32
    %dma_wait3A_587 = arith.constant 0 : i32
    %dma_wait3A_588 = tpu.memref_slice %arg4[%dma_wait3A_586, %add3A_538, %dma_wait3A_587] : memref<4x2048x1024xf32, #tpu.memory_space<hbm>> -> memref<1x16x1024xf32, #tpu.memory_space<hbm>>
    %dma_wait3A_589 = tpu.memref_squeeze %dma_wait3A_588 : memref<1x16x1024xf32, #tpu.memory_space<hbm>> -> memref<16x1024xf32, #tpu.memory_space<hbm>>
    %dma_wait3A_590 = arith.constant 0 : i32
    %dma_wait3A_591 = tpu.memref_slice %arg4[%dma_wait3A_586, %add3A_538, %dma_wait3A_590] : memref<4x2048x1024xf32, #tpu.memory_space<hbm>> -> memref<1x16x1024xf32, #tpu.memory_space<hbm>>
    %dma_wait3A_592 = tpu.memref_squeeze %dma_wait3A_591 : memref<1x16x1024xf32, #tpu.memory_space<hbm>> -> memref<16x1024xf32, #tpu.memory_space<hbm>>
    tpu.wait_dma2 semaphore(%arg21 : memref<!tpu.dma_semaphore, #tpu.memory_space<semaphore_mem>>) src(%arg9 : memref<16x1024xf32, #tpu.memory_space<vmem>>) dst(%dma_wait3A_592 : memref<16x1024xf32, #tpu.memory_space<hbm>>)
    %dma_wait3A_593 = arith.constant 3 : i32
    %dma_wait3A_594 = arith.constant 0 : i32
    %dma_wait3A_595 = tpu.memref_slice %arg4[%dma_wait3A_593, %add3A_557, %dma_wait3A_594] : memref<4x2048x1024xf32, #tpu.memory_space<hbm>> -> memref<1x16x1024xf32, #tpu.memory_space<hbm>>
    %dma_wait3A_596 = tpu.memref_squeeze %dma_wait3A_595 : memref<1x16x1024xf32, #tpu.memory_space<hbm>> -> memref<16x1024xf32, #tpu.memory_space<hbm>>
    %dma_wait3A_597 = arith.constant 0 : i32
    %dma_wait3A_598 = tpu.memref_slice %arg4[%dma_wait3A_593, %add3A_557, %dma_wait3A_597] : memref<4x2048x1024xf32, #tpu.memory_space<hbm>> -> memref<1x16x1024xf32, #tpu.memory_space<hbm>>
    %dma_wait3A_599 = tpu.memref_squeeze %dma_wait3A_598 : memref<1x16x1024xf32, #tpu.memory_space<hbm>> -> memref<16x1024xf32, #tpu.memory_space<hbm>>
    tpu.wait_dma2 semaphore(%arg17 : memref<!tpu.dma_semaphore, #tpu.memory_space<semaphore_mem>>) src(%arg5 : memref<16x1024xf32, #tpu.memory_space<vmem>>) dst(%dma_wait3A_599 : memref<16x1024xf32, #tpu.memory_space<hbm>>)
    return
  }
}

</mosaic_0001>

<sc_bundles>
// kernel: _sc_add.3.cloned.1.call-start
scs
__scs_entry_jumppad:
0x0: {  	(pc) =	sbr.rel $0x88, $3  }
0x1: {  	(tag) =	ssettag $0x0;
	lr =	simm.s32 $0x1  }
0x2: {  	[smem:$0x3F9F] =	sst lr;
	_ =	strace $0xD0000000  }
0x3: {  	_ = 	snop  }
0x4: {  	_ = 	snop  }
0x5: {  	_ = 	snop  }
0x6: {  	_ = 	snop  }
0x7: {  	_ = 	snop  }
__scs_overlays_trampoline_lowered:
0x8: {  	[smem:$0x3FAE] =	sst s0  }
0x9: {  	[smem:$0x3FAF] =	sst s1  }
0xa: {  	[smem:$0x3FB0] =	sst s2  }
0xb: {  	[smem:$0x3FB1] =	sst s3  }
0xc: {  	[smem:$0x3FB2] =	sst s4  }
0xd: {  	[smem:$0x3FB3] =	sst s5  }
0xe: {  	[smem:$0x3FB4] =	sst s6  }
0xf: {  	[smem:$0x3FB5] =	sst s7  }
0x10: {  	[smem:$0x3FB6] =	sst s8  }
0x11: {  	[smem:$0x3FB7] =	sst s9;
	s0 =	simm.s32 @!p0 $0x0  }
0x12: {  	s1 =	sld [smem:$0x3F9D];
	s0 =	simm.s32 @p0 $0x1  }
0x13: {  	[smem:$0x3FB8] =	sst s0;
	s0 =	simm.s32 @!p1 $0x0  }
0x14: {  	s2 =	sld [smem:$0x3F9C];
	s0 =	simm.s32 @p1 $0x1  }
0x15: {  	[smem:$0x3FB9] =	sst s0;
	s0 =	simm.s32 @!p2 $0x0  }
0x16: {  	s3 =	sld [smem:$0x3FDB];
	s0 =	simm.s32 @p2 $0x1  }
0x17: {  	s4 =	simm.s32 $0x1BF5;
	[smem:$0x3FBB] =	sst s0  }
0x18: {  	s0 =	sld [smem:$0x3F9E];
	_ =	swait.ge [sflag:s4], $0x0  }
0x19: {  	s7 =	sld [smem:$0x3F9F]  }
0x1a: {  	s8 =	sadd.s32 $0xFFFFE003, lr  }
0x1b: {  	s9 =	sadd.s32 $0xFFFFFEF7, lr;
	s5 =	simm.s32 $0xFFFFFFFF;
	p2 =	slt.u32 s8, $0xFFFFF086  }
0x1c: {  	p1 =	slt.u32 s9, $0xF7A;
	s5 =	simm.s32 @!p2 $0x0  }
0x1d: {  	s5 =	simm.s32 @p1 $0x1;
	p0 =	seq.s32 s7, s2  }
0x1e: {  	s7 =	smul.u32 @!p0 $0xF7A, s2;
	p2 =	seq.s32 @!p0 s5, $0x0  }
0x1f: {  	s9 =	smul.u32 $0xF7A, s1;
	s8 =	simm.s32 @!p0 $0x1BF5;
	p2 =	por !p2, p0  }
0x20: {  	[sflag:s8] =	ssyncset.s32 @!p0 $0xFFFFF086;
	s6 =	sadd.s32 @!p0 s3, s7;
	s7 =	simm.s32 @!p0 $0x108  }
0x21: {  	s3 =	sadd.s32 s3, s9;
	s6 =	sadd.s32 @!p0 $0x88, s6;
	s7 =	simm.s32 @p2 $0x1082  }
0x22: {  	[simem:s7], [sflag:s8] =	dma.local @!p0 [hbm:s6], $0xF7A  }
0x23: {  	s9 =	sor.u32 $0xD0000000, s2;
	s6 =	simm.s32 $0x108;
	_ =	swait.ge @!p0 [sflag:s8], $0x0  }
0x24: {  	s3 =	sadd.s32 $0x88, s3;
	s6 =	simm.s32 @!p1 $0x1082;
	[sflag:s4] =	ssyncset.s32 $0xFFFFF086  }
0x25: {  	[simem:s6], [sflag:s4] =	dma.local [hbm:s3], $0xF7A  }
0x26: {  	[smem:$0x3F9F] =	sst s1;
	(tag) =	ssettag s2;
	_ =	strace s9  }
0x27: {  	s1 =	sld [smem:$0x3FAF]  }
0x28: {  	s2 =	sld [smem:$0x3FB0]  }
0x29: {  	s4 =	sld [smem:$0x3FB2]  }
0x2a: {  	p0 =	seq.s32 s5, $0x0;
	s5 =	sld [smem:$0x3FB3]  }
0x2b: {  	s6 =	sld [smem:$0x3FB4]  }
0x2c: {  	s7 =	sld [smem:$0x3FB5]  }
0x2d: {  	s3 =	simm.s32 $0x108;
	s8 =	sld [smem:$0x3FB6]  }
0x2e: {  	s3 =	simm.s32 @!p0 $0x1082;
	s9 =	sld [smem:$0x3FB7]  }
0x2f: {  	lr =	sadd.s32 s0, s3;
	s0 =	sld [smem:$0x3FAE]  }
0x30: {  	s3 =	sld [smem:$0x3FB1]  }
0x31: {  	[smem:$0x3FBA] =	sst s10  }
0x32: {  	s10 =	sld [smem:$0x3FB8];
	_ =	sdelay $0x3  }
0x33: {  	p0 =	seq.s32 s10, $0x1;
	s10 =	sld [smem:$0x3FBA];
	_ =	sdelay $0x3  }
0x34: {  	[smem:$0x3FBA] =	sst s10  }
0x35: {  	s10 =	sld [smem:$0x3FB9];
	_ =	sdelay $0x3  }
0x36: {  	p1 =	seq.s32 s10, $0x1;
	s10 =	sld [smem:$0x3FBA];
	_ =	sdelay $0x3  }
0x37: {  	[smem:$0x3FBA] =	sst s10  }
0x38: {  	s10 =	sld [smem:$0x3FBB]  }
0x39: {  	_ = 	snop;
	(pc) =	sbr.ind lr, $3  }
0x3a: {  	_ = 	snop  }
0x3b: {  	_ = 	snop  }
0x3c: {  	p2 =	seq.s32 s10, $0x1;
	s10 =	sld [smem:$0x3FBA]  }
0x3d: {  	_ =	shalt  }
0x3e: {  	_ =	shalt  }
0x3f: {  	_ =	shalt  }
0x40: {  	_ =	shalt  }
0x41: {  	_ =	shalt  }
0x42: {  	_ =	shalt  }
0x43: {  	_ =	shalt  }
0x44: {  	_ =	shalt  }
0x45: {  	_ =	shalt  }
0x46: {  	_ =	shalt  }
0x47: {  	_ =	shalt  }
0x48: {  	_ =	shalt  }
0x49: {  	_ =	shalt  }
0x4a: {  	_ =	shalt  }
0x4b: {  	_ =	shalt  }
0x4c: {  	_ =	shalt  }
0x4d: {  	_ =	shalt  }
0x4e: {  	_ =	shalt  }
0x4f: {  	_ =	shalt  }
0x50: {  	_ =	shalt  }
0x51: {  	_ =	shalt  }
0x52: {  	_ =	shalt  }
0x53: {  	_ =	shalt  }
0x54: {  	_ =	shalt  }
0x55: {  	_ =	shalt  }
0x56: {  	_ =	shalt  }
0x57: {  	_ =	shalt  }
0x58: {  	_ =	shalt  }
0x59: {  	_ =	shalt  }
0x5a: {  	_ =	shalt  }
0x5b: {  	_ =	shalt  }
0x5c: {  	_ =	shalt  }
0x5d: {  	_ =	shalt  }
0x5e: {  	_ =	shalt  }
0x5f: {  	_ =	shalt  }
0x60: {  	_ =	shalt  }
0x61: {  	_ =	shalt  }
0x62: {  	_ =	shalt  }
0x63: {  	_ =	shalt  }
0x64: {  	_ =	shalt  }
0x65: {  	_ =	shalt  }
0x66: {  	_ =	shalt  }
0x67: {  	_ =	shalt  }
0x68: {  	_ =	shalt  }
0x69: {  	_ =	shalt  }
0x6a: {  	_ =	shalt  }
0x6b: {  	_ =	shalt  }
0x6c: {  	_ =	shalt  }
0x6d: {  	_ =	shalt  }
0x6e: {  	_ =	shalt  }
0x6f: {  	_ =	shalt  }
0x70: {  	_ =	shalt  }
0x71: {  	_ =	shalt  }
0x72: {  	_ =	shalt  }
0x73: {  	_ =	shalt  }
0x74: {  	_ =	shalt  }
0x75: {  	_ =	shalt  }
0x76: {  	_ =	shalt  }
0x77: {  	_ =	shalt  }
0x78: {  	_ =	shalt  }
0x79: {  	_ =	shalt  }
0x7a: {  	_ =	shalt  }
0x7b: {  	_ =	shalt  }
0x7c: {  	_ =	shalt  }
0x7d: {  	_ =	shalt  }
0x7e: {  	_ =	shalt  }
0x7f: {  	_ =	shalt  }
0x80: {  	_ =	shalt  }
0x81: {  	_ =	shalt  }
0x82: {  	_ =	shalt  }
0x83: {  	_ =	shalt  }
0x84: {  	_ =	shalt  }
0x85: {  	_ =	shalt  }
0x86: {  	_ =	shalt  }
0x87: {  	_ =	shalt  }
.Lfunc_end0:
.L_simem_size_0:
called_computation_lowered:
.L_overlay_start_0:
0x88: {  	s2 =	sld [smem:$0x3FD9]  }
0x89: {  	s3 =	sld [smem:$0x3FFE];
	_ =	sdelay $0x1  }
0x8a: {  	s1 =	srdreg.scid  }
0x8b: {  	s0 =	sand.u32 $0x1, s1  }
0x8c: {  	s18 =	sshll.u32 s0, $0xA;
	s2 =	sadd.s32 s3, s2  }
0x8d: {  	s2 =	sadd.s32 s2, s18  }
0x8e: {  	[smem:$0x3FC6] =	sst s2  }
0x8f: {  	_ = 	snop  }
0x90: {  	s2 =	sld [smem:$0x3FC9]  }
0x91: {  	s19 =	sld [smem:$0x3FC8]  }
0x92: {  	s4 =	sld [smem:$0x3FD0];
	(tm) =	ssettm $0x1  }
0x93: {  	s5 =	sld [smem:$0x3FFB];
	_ =	sdelay $0x3  }
0x94: {  	_ =	strace s5  }
0x95: {  	s5 =	sld [smem:$0x3FFC];
	_ =	sdelay $0x3  }
0x96: {  	_ =	strace s5  }
0x97: {  	s5 =	sld [smem:$0x3FFD];
	_ =	sdelay $0x3  }
0x98: {  	_ =	strace s5  }
0x99: {  	_ =	strace $0x8FFFFFFF  }
0x9a: {  	s20 =	sld [smem:$0x3FDB];
	_ =	sdelay $0x1  }
0x9b: {  	s6 =	simm.s32 $_scs_section_size  }
0x9c: {  	s7 =	simm.s32 $_size__tile_overlayer_lowered;
	s8 =	simm.s32 $_tile_overlayer_lowered  }
0x9d: {  	s23 =	simm.s32 $0x1BFF;
	s22 =	sshll.u32 s8, $0x1;
	s5 =	sadd.s32 s6, s20  }
0x9e: {  	s9 =	simm.s32 $0x0;
	s21 =	sshll.u32 s7, $0x1;
	s7 =	sadd.s32 s22, s5  }
0x9f: {  	[timem:s9], [sflag:s23] =	dma.local [hbm:s7], s21  }
0xa0: {  	_ =	swait.ge [sflag:s23], s21  }
0xa1: {  	s6 =	ssub.s32 $0x0, s21;
	[sflag:s23] =	ssyncset.done $0x0  }
0xa2: {  	[sflag:s23] =	ssyncadd.s32 s6;
	_ =	sdelay $0x1  }
0xa3: {  	s24 =	simm.s32 $0x1B8B  }
0xa4: {  	_ =	swait.ge [sflag:s24], $0x1  }
0xa5: {  	[sflag:s24] =	ssyncset.done $0x0  }
0xa6: {  	s25 =	simm.s32 $0x1B8E;
	[sflag:s24] =	ssyncadd.s32 $0xFFFFFFFF  }
0xa7: {  	s26 =	simm.s32 $execute0_lowered;
	[smem:$0x3FD2] =	sst s25  }
0xa8: {  	s6 =	sshll.u32 s26, $0x1;
	_ =	strace $0x80000046;
	[dreg:$0x1] =	wrdreg $0xFFFFFFFF  }
0xa9: {  	s28 =	simm.s32 $_size_execute0_lowered;
	s5 =	sadd.s32 s5, s6;
	[dreg:$0x0] =	wrdreg $0x0  }
0xaa: {  	s6 =	sshll.u32 s28, $0x1;
	[dreg:$0x2] =	wrdreg s5  }
0xab: {  	[dreg:$0x3] =	wrdreg s6  }
0xac: {  	[dreg:$0x4] =	wrdreg $0xC0  }
0xad: {  	_ =	task [dreg:s9], $0x5FFFF  }
0xae: {  	[dreg:$0x1] =	wrdreg $0xFFFFFFFF  }
0xaf: {  	[dreg:$0x0] =	wrdreg $0x60  }
0xb0: {  	[dreg:$0x2] =	wrdreg s2  }
0xb1: {  	[dreg:$0x3] =	wrdreg s19  }
0xb2: {  	[dreg:$0x4] =	wrdreg s4  }
0xb3: {  	[dreg:$0x5] =	wrdreg $0x9  }
0xb4: {  	_ =	task.clear_ibuf [dreg:s9], $0x6FFFF;
	_ =	strace $0x90000046  }
0xb5: {  	s29 =	simm.s32 $0x9;
	_ =	strace $0x80000048  }
0xb6: {  	_ =	swait.ge [sflag:s29], $0x1  }
0xb7: {  	[sflag:s29] =	ssyncadd.s32 $0xFFFFFFFF  }
0xb8: {  	_ =	strace $0x90000048  }
0xb9: {  	_ =	sfence  }
0xba: {  	s30 =	sld [smem:$0x0];
	_ =	sdelay $0x2  }
0xbb: {  	s31 =	sshll.u32 s1, $0xD;
	s1 =	sshrl.u32 s1, $0x2  }
0xbc: {  	s3 =	sand.u32 $0x4000, s31;
	s1 =	sadd.s32 s1, s30  }
0xbd: {  	s0 =	sor.u32 s3, s0;
	s1 =	sshll.u32 s1, $0x11  }
0xbe: {  	s0 =	sor.u32 s1, s0  }
0xbf: {  	s0 =	sadd.s32 $0x8F2B, s0  }
0xc0: {  	[sflag:s0] =	ssyncadd.remote.s32 $0x1  }
0xc1: {  	_ =	sfence.sel $0xFFFF  }
0xc2: {  	[dreg:$0x0] =	wrdreg $0xFFFFFFFF;
	(pc) =	sbr.abs _section_cstart, $3  }
0xc3: {  	[dreg:$0x1] =	wrdreg $0xFFFFFFFF  }
0xc4: {  	_ =	task.clear_ibuf [dreg:s9], $0x2FFFF;
	_ =	strace $0x9FFFFFFF  }
0xc5: {  	(tm) =	ssettm $0x7FFFFFFF  }
tec
execute0_lowered:
.L_overlay_start_1:
0x0: {  	(tag) =	ssettag $0x1  }
0x1: {  	s0 =	rddreg [dreg:$0x0];
	s1 =	srdreg.scid  }
0x2: {  	s2 =	rddreg [dreg:$0x1];
	s5 =	stileid.u32;
	s1 =	sand.u32 $0x1, s1  }
0x3: {  	s3 =	rddreg [dreg:$0x2];
	s5 =	sshll.u32 s5, $0xE;
	s6 =	sshll.u32 s1, $0xD  }
0x4: {  	s4 =	ssub.s32 $0x2, s1;
	s1 =	simm.s32 $0x0;
	s5 =	sor.u32 s6, s5  }
0x5: {  	[smem:$0x7FF] =	sst s1;
	s15 =	sor.u32 $0x800, s5;
	s6 =	sadd.s32 s2, s5  }
0x6: {  	s17 =	sor.u32 $0x40000, s5;
	[dreg:$0x4] =	wrdreg s6;
	s16 =	sadd.s32 s2, s15  }
0x7: {  	s19 =	sor.u32 $0x80000, s5;
	s18 =	sadd.s32 s0, s17;
	[dreg:$0x5] =	wrdreg s16  }
0x8: {  	s9 =	sor.u32 $0xC0000, s5;
	s10 =	sadd.s32 s0, s19;
	[dreg:$0x6] =	wrdreg s18  }
0x9: {  	s20 =	sadd.s32 s0, s9;
	[dreg:$0x7] =	wrdreg s10  }
0xa: {  	s7 =	sshrl.u32 s4, $0x1;
	s21 =	sadd.s32 s0, s15;
	[dreg:$0x8] =	wrdreg s20  }
0xb: {  	s22 =	sor.u32 $0x40800, s5;
	s6 =	sadd.s32 s3, s17;
	[dreg:$0x9] =	wrdreg s21  }
0xc: {  	s8 =	ssub.s32 s4, s7;
	s11 =	sadd.s32 s0, s22;
	[dreg:$0xa] =	wrdreg s6  }
0xd: {  	s23 =	sor.u32 $0x80800, s5;
	s7 =	sadd.s32 s3, s19;
	[dreg:$0xb] =	wrdreg s11  }
0xe: {  	s26 =	sor.u32 $0xC0800, s5;
	s24 =	sadd.s32 s0, s23;
	[dreg:$0xc] =	wrdreg s7  }
0xf: {  	s28 =	sor.u32 $0x1000, s5;
	s25 =	sadd.s32 s3, s9;
	[dreg:$0xd] =	wrdreg s24  }
0x10: {  	s12 =	sor.u32 $0x41000, s5;
	s29 =	sadd.s32 s0, s26;
	[dreg:$0xe] =	wrdreg s25  }
0x11: {  	s30 =	sadd.s32 s2, s28;
	s4 =	sadd.s32 s3, s15;
	[dreg:$0xf] =	wrdreg s29  }
0x12: {  	s31 =	sadd.s32 s3, s22;
	s13 =	sadd.s32 s0, s28;
	[dreg:$0x10] =	wrdreg s30  }
0x13: {  	s14 =	sadd.s32 s3, s28;
	s15 =	sadd.s32 s0, s12;
	[dreg:$0x11] =	wrdreg s4  }
0x14: {  	s17 =	sor.u32 $0xC1000, s5;
	s22 =	sadd.s32 s3, s5;
	[dreg:$0x12] =	wrdreg s31  }
0x15: {  	s8 =	smax.u32 s8, $0x1;
	s9 =	simm.s32 $0xC;
	[dreg:$0x16] =	wrdreg s13  }
0x16: {  	s6 =	sadd.s32 s3, s23;
	s10 =	sor.u32 $0x1800, s5;
	[dreg:$0x17] =	wrdreg s14  }
0x17: {  	s11 =	sadd.s32 s3, s26;
	[dreg:$0x18] =	wrdreg s15;
	s16 =	sor.u32 $0x81000, s5  }
0x18: {  	s19 =	sadd.s32 s0, s17;
	s20 =	sadd.s32 s3, s17;
	[dreg:$0x1f] =	wrdreg s22  }
0x19: {  	s21 =	sadd.s32 s0, s5;
	s23 =	sor.u32 $0x41800, s5;
	[dreg:$0x13] =	wrdreg s6  }
0x1a: {  	s24 =	sor.u32 $0x81800, s5;
	s25 =	sor.u32 $0xC1800, s5;
	[dreg:$0x14] =	wrdreg s11  }
0x1b: {  	s13 =	simm.s32 $0xC000;
	s14 =	simm.s32 $0x1;
	[dreg:$0x1c] =	wrdreg s19  }
0x1c: {  	s15 =	simm.s32 $0xB;
	s17 =	simm.s32 $0x2;
	[dreg:$0x1d] =	wrdreg s20  }
0x1d: {  	s22 =	simm.s32 $0x8;
	s2 =	sadd.s32 s2, s10;
	[dreg:$0x1e] =	wrdreg s21  }
0x1e: {  	s18 =	sadd.s32 s0, s16;
	s26 =	sadd.s32 s0, s10;
	[dreg:$0x15] =	wrdreg s2  }
0x1f: {  	s28 =	sadd.s32 s0, s23;
	s29 =	sadd.s32 s0, s24;
	[dreg:$0x1a] =	wrdreg s18  }
0x20: {  	s0 =	sadd.s32 s0, s25;
	s30 =	sadd.s32 s3, s10;
	[smem:$0x7F8] =	sst s26  }
0x21: {  	s31 =	sadd.s32 s3, s23;
	s6 =	sadd.s32 s3, s24;
	[smem:$0x7F9] =	sst s28  }
0x22: {  	s7 =	sadd.s32 s3, s25;
	s11 =	simm.s32 $0x4000;
	[smem:$0x7FA] =	sst s29  }
0x23: {  	s19 =	simm.s32 $0x3;
	s20 =	simm.s32 $0x7;
	[smem:$0x7FB] =	sst s0  }
0x24: {  	s21 =	simm.s32 $0x4;
	s23 =	simm.s32 $0x5;
	[smem:$0x7FC] =	sst s30  }
0x25: {  	s10 =	simm.s32 $0x9;
	s2 =	sadd.s32 s3, s12;
	[smem:$0x7FD] =	sst s31  }
0x26: {  	s24 =	simm.s32 $0xA;
	[dreg:$0x19] =	wrdreg s2;
	s2 =	sadd.s32 s3, s16  }
0x27: {  	s25 =	simm.s32 $0x0;
	s12 =	simm.s32 $0x8000;
	[dreg:$0x1b] =	wrdreg s2  }
0x28: {  	s18 =	simm.s32 $0x6;
	s16 =	simm.s32 $0x10000;
	_ =	strace $0x80000047  }
.LBB2_1:
0x29: {  	s0 =	rddreg [dreg:$0x4];
	s2 =	simm.s32 $0x14000  }
0x2a: {  	[tilespmem:s2], [sflag:$0xB] =	stream.linear.gather [hbm4b:s0+s1], $0x4000, $0x38;
	[tilespmem:$0x1C000] =	vst v63  }
0x2b: {  	s3 =	rddreg [dreg:$0x5];
	s4 =	simm.s32 $0x18000  }
0x2c: {  	[tilespmem:s4], [sflag:$0xC] =	stream.linear.gather [hbm4b:s3+s1], $0x4000, $0x38;
	[tilespmem:$0x1C000] =	vst v63  }
0x2d: {  	s5 =	rddreg [dreg:$0x1e]  }
0x2e: {  	[tilespmem:s1], [sflag:$0x1] =	stream.linear.gather [hbm4b:s5+s1], $0x4000, $0x38;
	[tilespmem:$0x1C000] =	vst v63  }
0x2f: {  	s26 =	rddreg [dreg:$0x6]  }
0x30: {  	[tilespmem:s11], [sflag:$0x2] =	stream.linear.gather [hbm4b:s26+s1], $0x4000, $0x38;
	[tilespmem:$0x1C000] =	vst v63  }
0x31: {  	s2 =	rddreg [dreg:$0x7]  }
0x32: {  	[tilespmem:s12], [sflag:$0x3] =	stream.linear.gather [hbm4b:s2+s1], $0x4000, $0x38;
	[tilespmem:$0x1C000] =	vst v63  }
0x33: {  	s3 =	rddreg [dreg:$0x8]  }
0x34: {  	[tilespmem:s13], [sflag:$0x4] =	stream.linear.gather [hbm4b:s3+s1], $0x4000, $0x38;
	[tilespmem:$0x1C000] =	vst v63  }
0x35: {  	_ =	swait.ge [sflag:s14], $0x4000  }
0x36: {  	s4 =	simm.s32 $0x0;
	[sflag:s14] =	ssyncset.done $0x0  }
0x37: {  	s5 =	sand.u32 $0x2000, s4;
	s3 =	sand.u32 $0x1C00, s1;
	[sflag:s14] =	ssyncadd.s32 $0xFFFFC000  }
0x38: {  	s26 =	sand.u32 $0x380, s1;
	s2 =	sor.u32 s5, s3;
	_ =	swait.ge [sflag:s15], $0x4000  }
0x39: {  	s0 =	sand.u32 $0x40, s4;
	s2 =	sor.u32 s26, s2;
	[sflag:s15] =	ssyncset.done $0x0  }
0x3a: {  	s0 =	sor.u32 s0, s2;
	[sflag:s15] =	ssyncadd.s32 $0xFFFFC000  }
0x3b: {  	v1 =	vld [tilespmem:s0+$0x14030]  }
0x3c: {  	v2 =	vld [tilespmem:s0+$0x14000]  }
0x3d: {  	v3 =	vld [tilespmem:s0+$0x14010]  }
0x3e: {  	s28 =	simm.s32 $0x200;
	s29 =	simm.s32 $0x8;
	s26 =	simm.s32 $0x40  }
0x3f: {  	s4 =	sand.u32 $0x1C00, s28;
	s3 =	sand.u32 $0x2000, s26;
	s30 =	sor.u32 $0x30, s0;
	v0 =	vld [tilespmem:s0+$0x14020]  }
0x40: {  	s5 =	sand.u32 $0x380, s29;
	s2 =	sor.u32 s3, s4;
	[tilespmem:s30+$0x0] =	vst.add.f32.msk $0xffff, v1  }
0x41: {  	s31 =	sor.u32 $0x10, s0;
	s2 =	sor.u32 s5, s2;
	s30 =	sand.u32 $0x40, s26;
	[tilespmem:s0+$0x0] =	vst.add.f32.msk $0xffff, v2  }
0x42: {  	[tilespmem:s31+$0x0] =	vst.add.f32.msk $0xffff, v3;
	s30 =	sor.u32 s30, s2  }
0x43: {  	v2 =	vld [tilespmem:s30+$0x14030]  }
0x44: {  	v1 =	vld [tilespmem:s30+$0x14000]  }
0x45: {  	s2 =	sor.u32 $0x20, s0;
	s31 =	sor.u32 $0x10, s30;
	s0 =	sor.u32 $0x20, s30;
	v3 =	vld [tilespmem:s30+$0x14010]  }
.LBB2_2:
0x46: {  	s26 =	sadd.s32 $0x40, s26;
	v4 =	vld [tilespmem:s30+$0x14020];
	s28 =	sadd.s32 $0x200, s28;
	s29 =	sadd.s32 $0x8, s29  }
0x47: {  	s5 =	sor.u32 $0x30, s30;
	s3 =	sand.u32 $0x2000, s26;
	s4 =	sand.u32 $0x1C00, s28;
	[tilespmem:s2+$0x0] =	vst.add.f32.msk $0xffff, v0  }
0x48: {  	p0 =	slt.u32 s26, $0x3FC0;
	s2 =	sor.u32 s3, s4;
	s3 =	sand.u32 $0x380, s29;
	[tilespmem:s5+$0x0] =	vst.add.f32.msk $0xffff, v2  }
.Ltmp0:
0x49: {  	s4 =	sand.u32 $0x40, s26;
	s2 =	sor.u32 s3, s2;
	[tilespmem:s30+$0x0] =	vst.add.f32.msk $0xffff, v1;
	(pc) =	sbr.rel @p0 .LBB2_2-.Ltmp0, $4  }
0x4a: {  	s30 =	sor.u32 s4, s2;
	[tilespmem:s31+$0x0] =	vst.add.f32.msk $0xffff, v3;
	s2 =	smov.u32 s0  }
0x4b: {  	s31 =	sor.u32 $0x10, s30;
	s0 =	sor.u32 $0x20, s30;
	v2 =	vld [tilespmem:s30+$0x14030];
	v0 =	vmov v4  }
0x4c: {  	v1 =	vld [tilespmem:s30+$0x14000]  }
0x4d: {  	v3 =	vld [tilespmem:s30+$0x14010]  }
0x4e: {  	v4 =	vld [tilespmem:s30+$0x14020]  }
0x4f: {  	s3 =	sor.u32 $0x30, s30;
	[tilespmem:s2+$0x0] =	vst.add.f32.msk $0xffff, v0  }
0x50: {  	[tilespmem:s3+$0x0] =	vst.add.f32.msk $0xffff, v2  }
0x51: {  	[tilespmem:s30+$0x0] =	vst.add.f32.msk $0xffff, v1  }
0x52: {  	[tilespmem:s31+$0x0] =	vst.add.f32.msk $0xffff, v3  }
0x53: {  	[tilespmem:s0+$0x0] =	vst.add.f32.msk $0xffff, v4  }
0x54: {  	s0 =	simm.s32 $0x0;
	s2 =	rddreg [dreg:$0x1f]  }
0x55: {  	[hbm4b:s2+s0] =	stream.linear.scatter [tilespmem:s0], [sflag:$0x6], $0x4000, $0x38;
	[tilespmem:$0x1C000] =	vst v63  }
0x56: {  	s5 =	simm.s32 $0x0;
	s4 =	rddreg [dreg:$0x9]  }
0x57: {  	[tilespmem:s16], [sflag:$0x5] =	stream.linear.gather [hbm4b:s4+s0], $0x4000, $0x38;
	[tilespmem:$0x1C000] =	vst v63  }
0x58: {  	s26 =	sand.u32 $0x2000, s5;
	s4 =	sand.u32 $0x1C00, s0  }
0x59: {  	s0 =	sand.u32 $0x380, s0;
	_ =	swait.ge [sflag:s17], $0x4000;
	s3 =	sor.u32 s26, s4  }
0x5a: {  	s2 =	sand.u32 $0x40, s5;
	[sflag:s17] =	ssyncset.done $0x0;
	s0 =	sor.u32 s0, s3  }
0x5b: {  	[sflag:s17] =	ssyncadd.s32 $0xFFFFC000;
	s0 =	sor.u32 s2, s0  }
0x5c: {  	v1 =	vld [tilespmem:s0+$0x14030]  }
0x5d: {  	v2 =	vld [tilespmem:s0+$0x14000]  }
0x5e: {  	s28 =	simm.s32 $0x200;
	s26 =	simm.s32 $0x40  }
0x5f: {  	s29 =	simm.s32 $0x8;
	s3 =	sand.u32 $0x1C00, s28;
	s2 =	sand.u32 $0x2000, s26;
	v3 =	vld [tilespmem:s0+$0x14010]  }
0x60: {  	v0 =	vld [tilespmem:s0+$0x14020];
	s4 =	sor.u32 $0x4030, s0;
	s2 =	sor.u32 s2, s3;
	s3 =	sand.u32 $0x380, s29  }
0x61: {  	s30 =	sand.u32 $0x40, s26;
	s5 =	sor.u32 $0x4000, s0;
	s2 =	sor.u32 s3, s2;
	[tilespmem:s4+$0x0] =	vst.add.f32.msk $0xffff, v1  }
0x62: {  	s2 =	sor.u32 s30, s2;
	[tilespmem:s5+$0x0] =	vst.add.f32.msk $0xffff, v2  }
0x63: {  	v1 =	vld [tilespmem:s2+$0x14030]  }
0x64: {  	s4 =	sor.u32 $0x4010, s0;
	v2 =	vld [tilespmem:s2+$0x14000]  }
0x65: {  	s3 =	sor.u32 $0x4020, s0;
	[tilespmem:s4+$0x0] =	vst.add.f32.msk $0xffff, v3  }
0x66: {  	s31 =	sor.u32 $0x4000, s2;
	s30 =	sor.u32 $0x4020, s2;
	s0 =	sor.u32 $0x4010, s2;
	v3 =	vld [tilespmem:s2+$0x14010]  }
.LBB2_4:
0x67: {  	s26 =	sadd.s32 $0x40, s26;
	v4 =	vld [tilespmem:s2+$0x14020];
	s28 =	sadd.s32 $0x200, s28;
	s29 =	sadd.s32 $0x8, s29  }
0x68: {  	s2 =	sor.u32 $0x4030, s2;
	s4 =	sand.u32 $0x2000, s26;
	s5 =	sand.u32 $0x1C00, s28;
	[tilespmem:s3+$0x0] =	vst.add.f32.msk $0xffff, v0  }
0x69: {  	p0 =	slt.u32 s26, $0x3FC0;
	s3 =	sor.u32 s4, s5;
	s4 =	sand.u32 $0x380, s29;
	[tilespmem:s2+$0x0] =	vst.add.f32.msk $0xffff, v1  }
.Ltmp1:
0x6a: {  	s2 =	sand.u32 $0x40, s26;
	s3 =	sor.u32 s4, s3;
	[tilespmem:s31+$0x0] =	vst.add.f32.msk $0xffff, v2;
	(pc) =	sbr.rel @p0 .LBB2_4-.Ltmp1, $4  }
0x6b: {  	s2 =	sor.u32 s2, s3;
	[tilespmem:s0+$0x0] =	vst.add.f32.msk $0xffff, v3;
	s3 =	smov.u32 s30  }
0x6c: {  	s31 =	sor.u32 $0x4000, s2;
	s0 =	sor.u32 $0x4010, s2;
	s30 =	sor.u32 $0x4020, s2;
	v1 =	vld [tilespmem:s2+$0x14030];
	v0 =	vmov v4  }
0x6d: {  	v2 =	vld [tilespmem:s2+$0x14000]  }
0x6e: {  	v3 =	vld [tilespmem:s2+$0x14010]  }
0x6f: {  	v4 =	vld [tilespmem:s2+$0x14020]  }
0x70: {  	s26 =	sor.u32 $0x4030, s2;
	[tilespmem:s3+$0x0] =	vst.add.f32.msk $0xffff, v0  }
0x71: {  	[tilespmem:s26+$0x0] =	vst.add.f32.msk $0xffff, v1  }
0x72: {  	[tilespmem:s31+$0x0] =	vst.add.f32.msk $0xffff, v2  }
0x73: {  	[tilespmem:s0+$0x0] =	vst.add.f32.msk $0xffff, v3  }
0x74: {  	[tilespmem:s30+$0x0] =	vst.add.f32.msk $0xffff, v4  }
0x75: {  	s0 =	simm.s32 $0x0;
	s2 =	rddreg [dreg:$0xa]  }
0x76: {  	[hbm4b:s2+s0] =	stream.linear.scatter [tilespmem:s11], [sflag:$0x7], $0x4000, $0x38;
	[tilespmem:$0x1C000] =	vst v63  }
0x77: {  	_ =	swait.ge [sflag:s18], $0x4000  }
0x78: {  	[sflag:s18] =	ssyncset.done $0x0  }
0x79: {  	s5 =	simm.s32 $0x0;
	s4 =	rddreg [dreg:$0xb];
	[sflag:s18] =	ssyncadd.s32 $0xFFFFC000  }
0x7a: {  	[tilespmem:s0], [sflag:$0x1] =	stream.linear.gather [hbm4b:s4+s0], $0x4000, $0x38;
	[tilespmem:$0x1C000] =	vst v63  }
0x7b: {  	s26 =	sand.u32 $0x2000, s5;
	s4 =	sand.u32 $0x1C00, s0  }
0x7c: {  	s0 =	sand.u32 $0x380, s0;
	_ =	swait.ge [sflag:s19], $0x4000;
	s3 =	sor.u32 s26, s4  }
0x7d: {  	s2 =	sand.u32 $0x40, s5;
	[sflag:s19] =	ssyncset.done $0x0;
	s0 =	sor.u32 s0, s3  }
0x7e: {  	[sflag:s19] =	ssyncadd.s32 $0xFFFFC000;
	s0 =	sor.u32 s2, s0  }
0x7f: {  	v1 =	vld [tilespmem:s0+$0x14030]  }
0x80: {  	v2 =	vld [tilespmem:s0+$0x14000]  }
0x81: {  	s28 =	simm.s32 $0x200;
	s26 =	simm.s32 $0x40  }
0x82: {  	s29 =	simm.s32 $0x8;
	s3 =	sand.u32 $0x1C00, s28;
	s2 =	sand.u32 $0x2000, s26;
	v3 =	vld [tilespmem:s0+$0x14010]  }
0x83: {  	v0 =	vld [tilespmem:s0+$0x14020];
	s4 =	sor.u32 $0x8030, s0;
	s2 =	sor.u32 s2, s3;
	s3 =	sand.u32 $0x380, s29  }
0x84: {  	s30 =	sand.u32 $0x40, s26;
	s5 =	sor.u32 $0x8000, s0;
	s2 =	sor.u32 s3, s2;
	[tilespmem:s4+$0x0] =	vst.add.f32.msk $0xffff, v1  }
0x85: {  	s2 =	sor.u32 s30, s2;
	[tilespmem:s5+$0x0] =	vst.add.f32.msk $0xffff, v2  }
0x86: {  	v1 =	vld [tilespmem:s2+$0x14030]  }
0x87: {  	s4 =	sor.u32 $0x8010, s0;
	v2 =	vld [tilespmem:s2+$0x14000]  }
0x88: {  	s3 =	sor.u32 $0x8020, s0;
	[tilespmem:s4+$0x0] =	vst.add.f32.msk $0xffff, v3  }
0x89: {  	s31 =	sor.u32 $0x8000, s2;
	s30 =	sor.u32 $0x8020, s2;
	s0 =	sor.u32 $0x8010, s2;
	v3 =	vld [tilespmem:s2+$0x14010]  }
.LBB2_6:
0x8a: {  	s26 =	sadd.s32 $0x40, s26;
	v4 =	vld [tilespmem:s2+$0x14020];
	s28 =	sadd.s32 $0x200, s28;
	s29 =	sadd.s32 $0x8, s29  }
0x8b: {  	s2 =	sor.u32 $0x8030, s2;
	s4 =	sand.u32 $0x2000, s26;
	s5 =	sand.u32 $0x1C00, s28;
	[tilespmem:s3+$0x0] =	vst.add.f32.msk $0xffff, v0  }
0x8c: {  	p0 =	slt.u32 s26, $0x3FC0;
	s3 =	sor.u32 s4, s5;
	s4 =	sand.u32 $0x380, s29;
	[tilespmem:s2+$0x0] =	vst.add.f32.msk $0xffff, v1  }
.Ltmp2:
0x8d: {  	s2 =	sand.u32 $0x40, s26;
	s3 =	sor.u32 s4, s3;
	[tilespmem:s31+$0x0] =	vst.add.f32.msk $0xffff, v2;
	(pc) =	sbr.rel @p0 .LBB2_6-.Ltmp2, $4  }
0x8e: {  	s2 =	sor.u32 s2, s3;
	[tilespmem:s0+$0x0] =	vst.add.f32.msk $0xffff, v3;
	s3 =	smov.u32 s30  }
0x8f: {  	s31 =	sor.u32 $0x8000, s2;
	s0 =	sor.u32 $0x8010, s2;
	s30 =	sor.u32 $0x8020, s2;
	v1 =	vld [tilespmem:s2+$0x14030];
	v0 =	vmov v4  }
0x90: {  	v2 =	vld [tilespmem:s2+$0x14000]  }
0x91: {  	v3 =	vld [tilespmem:s2+$0x14010]  }
0x92: {  	v4 =	vld [tilespmem:s2+$0x14020]  }
0x93: {  	s26 =	sor.u32 $0x8030, s2;
	[tilespmem:s3+$0x0] =	vst.add.f32.msk $0xffff, v0  }
0x94: {  	[tilespmem:s26+$0x0] =	vst.add.f32.msk $0xffff, v1  }
0x95: {  	[tilespmem:s31+$0x0] =	vst.add.f32.msk $0xffff, v2  }
0x96: {  	[tilespmem:s0+$0x0] =	vst.add.f32.msk $0xffff, v3  }
0x97: {  	[tilespmem:s30+$0x0] =	vst.add.f32.msk $0xffff, v4  }
0x98: {  	s0 =	simm.s32 $0x0;
	s2 =	rddreg [dreg:$0xc]  }
0x99: {  	[hbm4b:s2+s0] =	stream.linear.scatter [tilespmem:s12], [sflag:$0x8], $0x4000, $0x38;
	[tilespmem:$0x1C000] =	vst v63  }
0x9a: {  	_ =	swait.ge [sflag:s20], $0x4000  }
0x9b: {  	[sflag:s20] =	ssyncset.done $0x0  }
0x9c: {  	s5 =	simm.s32 $0x0;
	s4 =	rddreg [dreg:$0xd];
	[sflag:s20] =	ssyncadd.s32 $0xFFFFC000  }
0x9d: {  	[tilespmem:s11], [sflag:$0x2] =	stream.linear.gather [hbm4b:s4+s0], $0x4000, $0x38;
	[tilespmem:$0x1C000] =	vst v63  }
0x9e: {  	s26 =	sand.u32 $0x2000, s5;
	s4 =	sand.u32 $0x1C00, s0  }
0x9f: {  	s0 =	sand.u32 $0x380, s0;
	_ =	swait.ge [sflag:s21], $0x4000;
	s3 =	sor.u32 s26, s4  }
0xa0: {  	s2 =	sand.u32 $0x40, s5;
	[sflag:s21] =	ssyncset.done $0x0;
	s0 =	sor.u32 s0, s3  }
0xa1: {  	[sflag:s21] =	ssyncadd.s32 $0xFFFFC000;
	s0 =	sor.u32 s2, s0  }
0xa2: {  	v1 =	vld [tilespmem:s0+$0x14030]  }
0xa3: {  	v2 =	vld [tilespmem:s0+$0x14000]  }
0xa4: {  	s28 =	simm.s32 $0x200;
	s26 =	simm.s32 $0x40  }
0xa5: {  	s29 =	simm.s32 $0x8;
	s3 =	sand.u32 $0x1C00, s28;
	s2 =	sand.u32 $0x2000, s26;
	v3 =	vld [tilespmem:s0+$0x14010]  }
0xa6: {  	v0 =	vld [tilespmem:s0+$0x14020];
	s4 =	sor.u32 $0xC030, s0;
	s2 =	sor.u32 s2, s3;
	s3 =	sand.u32 $0x380, s29  }
0xa7: {  	s30 =	sand.u32 $0x40, s26;
	s5 =	sor.u32 $0xC000, s0;
	s2 =	sor.u32 s3, s2;
	[tilespmem:s4+$0x0] =	vst.add.f32.msk $0xffff, v1  }
0xa8: {  	s2 =	sor.u32 s30, s2;
	[tilespmem:s5+$0x0] =	vst.add.f32.msk $0xffff, v2  }
0xa9: {  	v1 =	vld [tilespmem:s2+$0x14030]  }
0xaa: {  	s4 =	sor.u32 $0xC010, s0;
	v2 =	vld [tilespmem:s2+$0x14000]  }
0xab: {  	s3 =	sor.u32 $0xC020, s0;
	[tilespmem:s4+$0x0] =	vst.add.f32.msk $0xffff, v3  }
0xac: {  	s31 =	sor.u32 $0xC000, s2;
	s30 =	sor.u32 $0xC020, s2;
	s0 =	sor.u32 $0xC010, s2;
	v3 =	vld [tilespmem:s2+$0x14010]  }
.LBB2_8:
0xad: {  	s26 =	sadd.s32 $0x40, s26;
	v4 =	vld [tilespmem:s2+$0x14020];
	s28 =	sadd.s32 $0x200, s28;
	s29 =	sadd.s32 $0x8, s29  }
0xae: {  	s2 =	sor.u32 $0xC030, s2;
	s4 =	sand.u32 $0x2000, s26;
	s5 =	sand.u32 $0x1C00, s28;
	[tilespmem:s3+$0x0] =	vst.add.f32.msk $0xffff, v0  }
0xaf: {  	p0 =	slt.u32 s26, $0x3FC0;
	s3 =	sor.u32 s4, s5;
	s4 =	sand.u32 $0x380, s29;
	[tilespmem:s2+$0x0] =	vst.add.f32.msk $0xffff, v1  }
.Ltmp3:
0xb0: {  	s2 =	sand.u32 $0x40, s26;
	s3 =	sor.u32 s4, s3;
	[tilespmem:s31+$0x0] =	vst.add.f32.msk $0xffff, v2;
	(pc) =	sbr.rel @p0 .LBB2_8-.Ltmp3, $4  }
0xb1: {  	s2 =	sor.u32 s2, s3;
	[tilespmem:s0+$0x0] =	vst.add.f32.msk $0xffff, v3;
	s3 =	smov.u32 s30  }
0xb2: {  	s31 =	sor.u32 $0xC000, s2;
	s0 =	sor.u32 $0xC010, s2;
	s30 =	sor.u32 $0xC020, s2;
	v1 =	vld [tilespmem:s2+$0x14030];
	v0 =	vmov v4  }
0xb3: {  	v2 =	vld [tilespmem:s2+$0x14000]  }
0xb4: {  	v3 =	vld [tilespmem:s2+$0x14010]  }
0xb5: {  	v4 =	vld [tilespmem:s2+$0x14020]  }
0xb6: {  	s5 =	sor.u32 $0xC030, s2;
	[tilespmem:s3+$0x0] =	vst.add.f32.msk $0xffff, v0  }
0xb7: {  	[tilespmem:s5+$0x0] =	vst.add.f32.msk $0xffff, v1  }
0xb8: {  	[tilespmem:s31+$0x0] =	vst.add.f32.msk $0xffff, v2  }
0xb9: {  	[tilespmem:s0+$0x0] =	vst.add.f32.msk $0xffff, v3  }
0xba: {  	[tilespmem:s30+$0x0] =	vst.add.f32.msk $0xffff, v4  }
0xbb: {  	s0 =	simm.s32 $0x0;
	s2 =	rddreg [dreg:$0xe]  }
0xbc: {  	[hbm4b:s2+s0] =	stream.linear.scatter [tilespmem:s13], [sflag:$0x9], $0x4000, $0x38;
	[tilespmem:$0x1C000] =	vst v63  }
0xbd: {  	_ =	swait.ge [sflag:s22], $0x4000  }
0xbe: {  	[sflag:s22] =	ssyncset.done $0x0  }
0xbf: {  	s26 =	rddreg [dreg:$0xf];
	[sflag:s22] =	ssyncadd.s32 $0xFFFFC000  }
0xc0: {  	[tilespmem:s12], [sflag:$0x3] =	stream.linear.gather [hbm4b:s26+s0], $0x4000, $0x38;
	[tilespmem:$0x1C000] =	vst v63  }
0xc1: {  	s4 =	simm.s32 $0x14000;
	s3 =	rddreg [dreg:$0x10]  }
0xc2: {  	[tilespmem:s4], [sflag:$0xB] =	stream.linear.gather [hbm4b:s3+s0], $0x4000, $0x38;
	[tilespmem:$0x1C000] =	vst v63  }
0xc3: {  	_ =	swait.ge [sflag:s23], $0x4000  }
0xc4: {  	s5 =	simm.s32 $0x0;
	[sflag:s23] =	ssyncset.done $0x0  }
0xc5: {  	s26 =	sand.u32 $0x2000, s5;
	s4 =	sand.u32 $0x1C00, s0;
	[sflag:s23] =	ssyncadd.s32 $0xFFFFC000  }
0xc6: {  	s0 =	sand.u32 $0x380, s0;
	s3 =	sor.u32 s26, s4;
	_ =	swait.ge [sflag:s9], $0x4000  }
0xc7: {  	s2 =	sand.u32 $0x40, s5;
	s0 =	sor.u32 s0, s3;
	[sflag:s9] =	ssyncset.done $0x0  }
0xc8: {  	s0 =	sor.u32 s2, s0;
	[sflag:s9] =	ssyncadd.s32 $0xFFFFC000  }
0xc9: {  	v1 =	vld [tilespmem:s0+$0x18030]  }
0xca: {  	v2 =	vld [tilespmem:s0+$0x18000]  }
0xcb: {  	s28 =	simm.s32 $0x200;
	s26 =	simm.s32 $0x40  }
0xcc: {  	s29 =	simm.s32 $0x8;
	s3 =	sand.u32 $0x1C00, s28;
	s2 =	sand.u32 $0x2000, s26;
	v3 =	vld [tilespmem:s0+$0x18010]  }
0xcd: {  	s4 =	sor.u32 $0x10030, s0;
	s2 =	sor.u32 s2, s3;
	s3 =	sand.u32 $0x380, s29;
	v0 =	vld [tilespmem:s0+$0x18020]  }
0xce: {  	s30 =	sand.u32 $0x40, s26;
	s5 =	sor.u32 $0x10000, s0;
	s2 =	sor.u32 s3, s2;
	[tilespmem:s4+$0x0] =	vst.add.f32.msk $0xffff, v1  }
0xcf: {  	s2 =	sor.u32 s30, s2;
	[tilespmem:s5+$0x0] =	vst.add.f32.msk $0xffff, v2  }
0xd0: {  	v1 =	vld [tilespmem:s2+$0x18030]  }
0xd1: {  	s4 =	sor.u32 $0x10010, s0;
	v2 =	vld [tilespmem:s2+$0x18000]  }
0xd2: {  	s3 =	sor.u32 $0x10020, s0;
	[tilespmem:s4+$0x0] =	vst.add.f32.msk $0xffff, v3  }
0xd3: {  	s31 =	sor.u32 $0x10000, s2;
	s30 =	sor.u32 $0x10020, s2;
	s0 =	sor.u32 $0x10010, s2;
	v3 =	vld [tilespmem:s2+$0x18010]  }
.LBB2_10:
0xd4: {  	s26 =	sadd.s32 $0x40, s26;
	v4 =	vld [tilespmem:s2+$0x18020];
	s28 =	sadd.s32 $0x200, s28;
	s29 =	sadd.s32 $0x8, s29  }
0xd5: {  	s2 =	sor.u32 $0x10030, s2;
	s4 =	sand.u32 $0x2000, s26;
	s5 =	sand.u32 $0x1C00, s28;
	[tilespmem:s3+$0x0] =	vst.add.f32.msk $0xffff, v0  }
0xd6: {  	p0 =	slt.u32 s26, $0x3FC0;
	s3 =	sor.u32 s4, s5;
	s4 =	sand.u32 $0x380, s29;
	[tilespmem:s2+$0x0] =	vst.add.f32.msk $0xffff, v1  }
.Ltmp4:
0xd7: {  	s2 =	sand.u32 $0x40, s26;
	s3 =	sor.u32 s4, s3;
	[tilespmem:s31+$0x0] =	vst.add.f32.msk $0xffff, v2;
	(pc) =	sbr.rel @p0 .LBB2_10-.Ltmp4, $4  }
0xd8: {  	s2 =	sor.u32 s2, s3;
	[tilespmem:s0+$0x0] =	vst.add.f32.msk $0xffff, v3;
	s3 =	smov.u32 s30  }
0xd9: {  	s31 =	sor.u32 $0x10000, s2;
	s0 =	sor.u32 $0x10010, s2;
	s30 =	sor.u32 $0x10020, s2;
	v1 =	vld [tilespmem:s2+$0x18030];
	v0 =	vmov v4  }
0xda: {  	v2 =	vld [tilespmem:s2+$0x18000]  }
0xdb: {  	v3 =	vld [tilespmem:s2+$0x18010]  }
0xdc: {  	v4 =	vld [tilespmem:s2+$0x18020]  }
0xdd: {  	s26 =	sor.u32 $0x10030, s2;
	[tilespmem:s3+$0x0] =	vst.add.f32.msk $0xffff, v0  }
0xde: {  	[tilespmem:s26+$0x0] =	vst.add.f32.msk $0xffff, v1  }
0xdf: {  	[tilespmem:s31+$0x0] =	vst.add.f32.msk $0xffff, v2  }
0xe0: {  	[tilespmem:s0+$0x0] =	vst.add.f32.msk $0xffff, v3  }
0xe1: {  	[tilespmem:s30+$0x0] =	vst.add.f32.msk $0xffff, v4  }
0xe2: {  	s0 =	simm.s32 $0x0;
	s2 =	rddreg [dreg:$0x11]  }
0xe3: {  	[hbm4b:s2+s0] =	stream.linear.scatter [tilespmem:s16], [sflag:$0xA], $0x4000, $0x38;
	[tilespmem:$0x1C000] =	vst v63  }
0xe4: {  	_ =	swait.ge [sflag:s10], $0x4000  }
0xe5: {  	[sflag:s10] =	ssyncset.done $0x0  }
0xe6: {  	s5 =	simm.s32 $0x0;
	s4 =	rddreg [dreg:$0x16];
	[sflag:s10] =	ssyncadd.s32 $0xFFFFC000  }
0xe7: {  	[tilespmem:s13], [sflag:$0x4] =	stream.linear.gather [hbm4b:s4+s0], $0x4000, $0x38;
	[tilespmem:$0x1C000] =	vst v63  }
0xe8: {  	s26 =	sand.u32 $0x2000, s5;
	s4 =	sand.u32 $0x1C00, s0  }
0xe9: {  	s0 =	sand.u32 $0x380, s0;
	_ =	swait.ge [sflag:s14], $0x4000;
	s3 =	sor.u32 s26, s4  }
0xea: {  	s2 =	sand.u32 $0x40, s5;
	[sflag:s14] =	ssyncset.done $0x0;
	s0 =	sor.u32 s0, s3  }
0xeb: {  	[sflag:s14] =	ssyncadd.s32 $0xFFFFC000;
	s0 =	sor.u32 s2, s0  }
0xec: {  	v1 =	vld [tilespmem:s0+$0x18030]  }
0xed: {  	v2 =	vld [tilespmem:s0+$0x18000]  }
0xee: {  	v3 =	vld [tilespmem:s0+$0x18010]  }
0xef: {  	s28 =	simm.s32 $0x200;
	s29 =	simm.s32 $0x8;
	s26 =	simm.s32 $0x40  }
0xf0: {  	s4 =	sand.u32 $0x1C00, s28;
	s3 =	sand.u32 $0x2000, s26;
	v0 =	vld [tilespmem:s0+$0x18020];
	s5 =	sor.u32 $0x30, s0  }
0xf1: {  	s2 =	sor.u32 s3, s4;
	s3 =	sand.u32 $0x380, s29;
	[tilespmem:s5+$0x0] =	vst.add.f32.msk $0xffff, v1  }
0xf2: {  	s4 =	sor.u32 $0x10, s0;
	s2 =	sor.u32 s3, s2;
	s5 =	sand.u32 $0x40, s26;
	[tilespmem:s0+$0x0] =	vst.add.f32.msk $0xffff, v2  }
0xf3: {  	[tilespmem:s4+$0x0] =	vst.add.f32.msk $0xffff, v3;
	s30 =	sor.u32 s5, s2  }
0xf4: {  	v2 =	vld [tilespmem:s30+$0x18030]  }
0xf5: {  	v1 =	vld [tilespmem:s30+$0x18000]  }
0xf6: {  	s2 =	sor.u32 $0x20, s0;
	s0 =	sor.u32 $0x10, s30;
	s31 =	sor.u32 $0x20, s30;
	v3 =	vld [tilespmem:s30+$0x18010]  }
.LBB2_12:
0xf7: {  	s26 =	sadd.s32 $0x40, s26;
	v4 =	vld [tilespmem:s30+$0x18020];
	s28 =	sadd.s32 $0x200, s28;
	s29 =	sadd.s32 $0x8, s29  }
0xf8: {  	s5 =	sor.u32 $0x30, s30;
	s3 =	sand.u32 $0x2000, s26;
	s4 =	sand.u32 $0x1C00, s28;
	[tilespmem:s2+$0x0] =	vst.add.f32.msk $0xffff, v0  }
0xf9: {  	p0 =	slt.u32 s26, $0x3FC0;
	s2 =	sor.u32 s3, s4;
	s3 =	sand.u32 $0x380, s29;
	[tilespmem:s5+$0x0] =	vst.add.f32.msk $0xffff, v2  }
.Ltmp5:
0xfa: {  	s4 =	sand.u32 $0x40, s26;
	s2 =	sor.u32 s3, s2;
	[tilespmem:s30+$0x0] =	vst.add.f32.msk $0xffff, v1;
	(pc) =	sbr.rel @p0 .LBB2_12-.Ltmp5, $4  }
0xfb: {  	s30 =	sor.u32 s4, s2;
	[tilespmem:s0+$0x0] =	vst.add.f32.msk $0xffff, v3;
	s2 =	smov.u32 s31  }
0xfc: {  	s0 =	sor.u32 $0x10, s30;
	s31 =	sor.u32 $0x20, s30;
	v2 =	vld [tilespmem:s30+$0x18030];
	v0 =	vmov v4  }
0xfd: {  	v1 =	vld [tilespmem:s30+$0x18000]  }
0xfe: {  	v3 =	vld [tilespmem:s30+$0x18010]  }
0xff: {  	v4 =	vld [tilespmem:s30+$0x18020]  }
0x100: {  	s3 =	sor.u32 $0x30, s30;
	[tilespmem:s2+$0x0] =	vst.add.f32.msk $0xffff, v0  }
0x101: {  	[tilespmem:s3+$0x0] =	vst.add.f32.msk $0xffff, v2  }
0x102: {  	[tilespmem:s30+$0x0] =	vst.add.f32.msk $0xffff, v1  }
0x103: {  	[tilespmem:s0+$0x0] =	vst.add.f32.msk $0xffff, v3  }
0x104: {  	[tilespmem:s31+$0x0] =	vst.add.f32.msk $0xffff, v4  }
0x105: {  	s0 =	simm.s32 $0x0;
	s2 =	rddreg [dreg:$0x12]  }
0x106: {  	[hbm4b:s2+s0] =	stream.linear.scatter [tilespmem:s0], [sflag:$0x6], $0x4000, $0x38;
	[tilespmem:$0x1C000] =	vst v63  }
0x107: {  	_ =	swait.ge [sflag:s24], $0x4000  }
0x108: {  	[sflag:s24] =	ssyncset.done $0x0  }
0x109: {  	s5 =	simm.s32 $0x0;
	s4 =	rddreg [dreg:$0x18];
	[sflag:s24] =	ssyncadd.s32 $0xFFFFC000  }
0x10a: {  	[tilespmem:s16], [sflag:$0x5] =	stream.linear.gather [hbm4b:s4+s0], $0x4000, $0x38;
	[tilespmem:$0x1C000] =	vst v63  }
0x10b: {  	s26 =	sand.u32 $0x2000, s5;
	s4 =	sand.u32 $0x1C00, s0  }
0x10c: {  	s0 =	sand.u32 $0x380, s0;
	_ =	swait.ge [sflag:s17], $0x4000;
	s3 =	sor.u32 s26, s4  }
0x10d: {  	s2 =	sand.u32 $0x40, s5;
	[sflag:s17] =	ssyncset.done $0x0;
	s0 =	sor.u32 s0, s3  }
0x10e: {  	[sflag:s17] =	ssyncadd.s32 $0xFFFFC000;
	s0 =	sor.u32 s2, s0  }
0x10f: {  	v1 =	vld [tilespmem:s0+$0x18030]  }
0x110: {  	v2 =	vld [tilespmem:s0+$0x18000]  }
0x111: {  	s28 =	simm.s32 $0x200;
	s26 =	simm.s32 $0x40  }
0x112: {  	s29 =	simm.s32 $0x8;
	s3 =	sand.u32 $0x1C00, s28;
	s2 =	sand.u32 $0x2000, s26;
	v3 =	vld [tilespmem:s0+$0x18010]  }
0x113: {  	v0 =	vld [tilespmem:s0+$0x18020];
	s4 =	sor.u32 $0x4030, s0;
	s2 =	sor.u32 s2, s3;
	s3 =	sand.u32 $0x380, s29  }
0x114: {  	s30 =	sand.u32 $0x40, s26;
	s5 =	sor.u32 $0x4000, s0;
	s2 =	sor.u32 s3, s2;
	[tilespmem:s4+$0x0] =	vst.add.f32.msk $0xffff, v1  }
0x115: {  	s2 =	sor.u32 s30, s2;
	[tilespmem:s5+$0x0] =	vst.add.f32.msk $0xffff, v2  }
0x116: {  	v1 =	vld [tilespmem:s2+$0x18030]  }
0x117: {  	s4 =	sor.u32 $0x4010, s0;
	v2 =	vld [tilespmem:s2+$0x18000]  }
0x118: {  	s3 =	sor.u32 $0x4020, s0;
	[tilespmem:s4+$0x0] =	vst.add.f32.msk $0xffff, v3  }
0x119: {  	s31 =	sor.u32 $0x4000, s2;
	s30 =	sor.u32 $0x4020, s2;
	s0 =	sor.u32 $0x4010, s2;
	v3 =	vld [tilespmem:s2+$0x18010]  }
.LBB2_14:
0x11a: {  	s26 =	sadd.s32 $0x40, s26;
	v4 =	vld [tilespmem:s2+$0x18020];
	s28 =	sadd.s32 $0x200, s28;
	s29 =	sadd.s32 $0x8, s29  }
0x11b: {  	s2 =	sor.u32 $0x4030, s2;
	s4 =	sand.u32 $0x2000, s26;
	s5 =	sand.u32 $0x1C00, s28;
	[tilespmem:s3+$0x0] =	vst.add.f32.msk $0xffff, v0  }
0x11c: {  	p0 =	slt.u32 s26, $0x3FC0;
	s3 =	sor.u32 s4, s5;
	s4 =	sand.u32 $0x380, s29;
	[tilespmem:s2+$0x0] =	vst.add.f32.msk $0xffff, v1  }
.Ltmp6:
0x11d: {  	s2 =	sand.u32 $0x40, s26;
	s3 =	sor.u32 s4, s3;
	[tilespmem:s31+$0x0] =	vst.add.f32.msk $0xffff, v2;
	(pc) =	sbr.rel @p0 .LBB2_14-.Ltmp6, $4  }
0x11e: {  	s2 =	sor.u32 s2, s3;
	[tilespmem:s0+$0x0] =	vst.add.f32.msk $0xffff, v3;
	s3 =	smov.u32 s30  }
0x11f: {  	s31 =	sor.u32 $0x4000, s2;
	s0 =	sor.u32 $0x4010, s2;
	s30 =	sor.u32 $0x4020, s2;
	v1 =	vld [tilespmem:s2+$0x18030];
	v0 =	vmov v4  }
0x120: {  	v2 =	vld [tilespmem:s2+$0x18000]  }
0x121: {  	v3 =	vld [tilespmem:s2+$0x18010]  }
0x122: {  	v4 =	vld [tilespmem:s2+$0x18020]  }
0x123: {  	s26 =	sor.u32 $0x4030, s2;
	[tilespmem:s3+$0x0] =	vst.add.f32.msk $0xffff, v0  }
0x124: {  	[tilespmem:s26+$0x0] =	vst.add.f32.msk $0xffff, v1  }
0x125: {  	[tilespmem:s31+$0x0] =	vst.add.f32.msk $0xffff, v2  }
0x126: {  	[tilespmem:s0+$0x0] =	vst.add.f32.msk $0xffff, v3  }
0x127: {  	[tilespmem:s30+$0x0] =	vst.add.f32.msk $0xffff, v4  }
0x128: {  	s0 =	simm.s32 $0x0;
	s2 =	rddreg [dreg:$0x13]  }
0x129: {  	[hbm4b:s2+s0] =	stream.linear.scatter [tilespmem:s11], [sflag:$0x7], $0x4000, $0x38;
	[tilespmem:$0x1C000] =	vst v63  }
0x12a: {  	_ =	swait.ge [sflag:s18], $0x4000  }
0x12b: {  	[sflag:s18] =	ssyncset.done $0x0  }
0x12c: {  	s5 =	simm.s32 $0x0;
	s4 =	rddreg [dreg:$0x1a];
	[sflag:s18] =	ssyncadd.s32 $0xFFFFC000  }
0x12d: {  	[tilespmem:s0], [sflag:$0x1] =	stream.linear.gather [hbm4b:s4+s0], $0x4000, $0x38;
	[tilespmem:$0x1C000] =	vst v63  }
0x12e: {  	s26 =	sand.u32 $0x2000, s5;
	s4 =	sand.u32 $0x1C00, s0  }
0x12f: {  	s0 =	sand.u32 $0x380, s0;
	_ =	swait.ge [sflag:s19], $0x4000;
	s3 =	sor.u32 s26, s4  }
0x130: {  	s2 =	sand.u32 $0x40, s5;
	[sflag:s19] =	ssyncset.done $0x0;
	s0 =	sor.u32 s0, s3  }
0x131: {  	[sflag:s19] =	ssyncadd.s32 $0xFFFFC000;
	s0 =	sor.u32 s2, s0  }
0x132: {  	v1 =	vld [tilespmem:s0+$0x18030]  }
0x133: {  	v2 =	vld [tilespmem:s0+$0x18000]  }
0x134: {  	s28 =	simm.s32 $0x200;
	s26 =	simm.s32 $0x40  }
0x135: {  	s29 =	simm.s32 $0x8;
	s3 =	sand.u32 $0x1C00, s28;
	s2 =	sand.u32 $0x2000, s26;
	v3 =	vld [tilespmem:s0+$0x18010]  }
0x136: {  	v0 =	vld [tilespmem:s0+$0x18020];
	s4 =	sor.u32 $0x8030, s0;
	s2 =	sor.u32 s2, s3;
	s3 =	sand.u32 $0x380, s29  }
0x137: {  	s30 =	sand.u32 $0x40, s26;
	s5 =	sor.u32 $0x8000, s0;
	s2 =	sor.u32 s3, s2;
	[tilespmem:s4+$0x0] =	vst.add.f32.msk $0xffff, v1  }
0x138: {  	s2 =	sor.u32 s30, s2;
	[tilespmem:s5+$0x0] =	vst.add.f32.msk $0xffff, v2  }
0x139: {  	v1 =	vld [tilespmem:s2+$0x18030]  }
0x13a: {  	s4 =	sor.u32 $0x8010, s0;
	v2 =	vld [tilespmem:s2+$0x18000]  }
0x13b: {  	s3 =	sor.u32 $0x8020, s0;
	[tilespmem:s4+$0x0] =	vst.add.f32.msk $0xffff, v3  }
0x13c: {  	s31 =	sor.u32 $0x8000, s2;
	s30 =	sor.u32 $0x8020, s2;
	s0 =	sor.u32 $0x8010, s2;
	v3 =	vld [tilespmem:s2+$0x18010]  }
.LBB2_16:
0x13d: {  	s26 =	sadd.s32 $0x40, s26;
	v4 =	vld [tilespmem:s2+$0x18020];
	s28 =	sadd.s32 $0x200, s28;
	s29 =	sadd.s32 $0x8, s29  }
0x13e: {  	s2 =	sor.u32 $0x8030, s2;
	s4 =	sand.u32 $0x2000, s26;
	s5 =	sand.u32 $0x1C00, s28;
	[tilespmem:s3+$0x0] =	vst.add.f32.msk $0xffff, v0  }
0x13f: {  	p0 =	slt.u32 s26, $0x3FC0;
	s3 =	sor.u32 s4, s5;
	s4 =	sand.u32 $0x380, s29;
	[tilespmem:s2+$0x0] =	vst.add.f32.msk $0xffff, v1  }
.Ltmp7:
0x140: {  	s2 =	sand.u32 $0x40, s26;
	s3 =	sor.u32 s4, s3;
	[tilespmem:s31+$0x0] =	vst.add.f32.msk $0xffff, v2;
	(pc) =	sbr.rel @p0 .LBB2_16-.Ltmp7, $4  }
0x141: {  	s2 =	sor.u32 s2, s3;
	[tilespmem:s0+$0x0] =	vst.add.f32.msk $0xffff, v3;
	s3 =	smov.u32 s30  }
0x142: {  	s31 =	sor.u32 $0x8000, s2;
	s0 =	sor.u32 $0x8010, s2;
	s30 =	sor.u32 $0x8020, s2;
	v1 =	vld [tilespmem:s2+$0x18030];
	v0 =	vmov v4  }
0x143: {  	v2 =	vld [tilespmem:s2+$0x18000]  }
0x144: {  	v3 =	vld [tilespmem:s2+$0x18010]  }
0x145: {  	v4 =	vld [tilespmem:s2+$0x18020]  }
0x146: {  	s5 =	sor.u32 $0x8030, s2;
	[tilespmem:s3+$0x0] =	vst.add.f32.msk $0xffff, v0  }
0x147: {  	[tilespmem:s5+$0x0] =	vst.add.f32.msk $0xffff, v1  }
0x148: {  	[tilespmem:s31+$0x0] =	vst.add.f32.msk $0xffff, v2  }
0x149: {  	[tilespmem:s0+$0x0] =	vst.add.f32.msk $0xffff, v3  }
0x14a: {  	[tilespmem:s30+$0x0] =	vst.add.f32.msk $0xffff, v4  }
0x14b: {  	s0 =	simm.s32 $0x0;
	s2 =	rddreg [dreg:$0x14]  }
0x14c: {  	[hbm4b:s2+s0] =	stream.linear.scatter [tilespmem:s12], [sflag:$0x8], $0x4000, $0x38;
	[tilespmem:$0x1C000] =	vst v63  }
0x14d: {  	_ =	swait.ge [sflag:s20], $0x4000  }
0x14e: {  	[sflag:s20] =	ssyncset.done $0x0  }
0x14f: {  	s26 =	rddreg [dreg:$0x1c];
	[sflag:s20] =	ssyncadd.s32 $0xFFFFC000  }
0x150: {  	[tilespmem:s11], [sflag:$0x2] =	stream.linear.gather [hbm4b:s26+s0], $0x4000, $0x38;
	[tilespmem:$0x1C000] =	vst v63  }
0x151: {  	s4 =	simm.s32 $0x18000;
	s3 =	rddreg [dreg:$0x15]  }
0x152: {  	[tilespmem:s4], [sflag:$0xC] =	stream.linear.gather [hbm4b:s3+s0], $0x4000, $0x38;
	[tilespmem:$0x1C000] =	vst v63  }
0x153: {  	_ =	swait.ge [sflag:s21], $0x4000  }
0x154: {  	s5 =	simm.s32 $0x0;
	[sflag:s21] =	ssyncset.done $0x0  }
0x155: {  	s26 =	sand.u32 $0x2000, s5;
	s4 =	sand.u32 $0x1C00, s0;
	[sflag:s21] =	ssyncadd.s32 $0xFFFFC000  }
0x156: {  	s0 =	sand.u32 $0x380, s0;
	s3 =	sor.u32 s26, s4;
	_ =	swait.ge [sflag:s15], $0x4000  }
0x157: {  	s2 =	sand.u32 $0x40, s5;
	s0 =	sor.u32 s0, s3;
	[sflag:s15] =	ssyncset.done $0x0  }
0x158: {  	s0 =	sor.u32 s2, s0;
	[sflag:s15] =	ssyncadd.s32 $0xFFFFC000  }
0x159: {  	v1 =	vld [tilespmem:s0+$0x14030]  }
0x15a: {  	v2 =	vld [tilespmem:s0+$0x14000]  }
0x15b: {  	s28 =	simm.s32 $0x200;
	s26 =	simm.s32 $0x40  }
0x15c: {  	s29 =	simm.s32 $0x8;
	s3 =	sand.u32 $0x1C00, s28;
	s2 =	sand.u32 $0x2000, s26;
	v3 =	vld [tilespmem:s0+$0x14010]  }
0x15d: {  	s4 =	sor.u32 $0xC030, s0;
	s2 =	sor.u32 s2, s3;
	s3 =	sand.u32 $0x380, s29;
	v0 =	vld [tilespmem:s0+$0x14020]  }
0x15e: {  	s30 =	sand.u32 $0x40, s26;
	s5 =	sor.u32 $0xC000, s0;
	s2 =	sor.u32 s3, s2;
	[tilespmem:s4+$0x0] =	vst.add.f32.msk $0xffff, v1  }
0x15f: {  	s2 =	sor.u32 s30, s2;
	[tilespmem:s5+$0x0] =	vst.add.f32.msk $0xffff, v2  }
0x160: {  	v1 =	vld [tilespmem:s2+$0x14030]  }
0x161: {  	s4 =	sor.u32 $0xC010, s0;
	v2 =	vld [tilespmem:s2+$0x14000]  }
0x162: {  	s3 =	sor.u32 $0xC020, s0;
	[tilespmem:s4+$0x0] =	vst.add.f32.msk $0xffff, v3  }
0x163: {  	s31 =	sor.u32 $0xC000, s2;
	s30 =	sor.u32 $0xC020, s2;
	s0 =	sor.u32 $0xC010, s2;
	v3 =	vld [tilespmem:s2+$0x14010]  }
.LBB2_18:
0x164: {  	s26 =	sadd.s32 $0x40, s26;
	v4 =	vld [tilespmem:s2+$0x14020];
	s28 =	sadd.s32 $0x200, s28;
	s29 =	sadd.s32 $0x8, s29  }
0x165: {  	s2 =	sor.u32 $0xC030, s2;
	s4 =	sand.u32 $0x2000, s26;
	s5 =	sand.u32 $0x1C00, s28;
	[tilespmem:s3+$0x0] =	vst.add.f32.msk $0xffff, v0  }
0x166: {  	p0 =	slt.u32 s26, $0x3FC0;
	s3 =	sor.u32 s4, s5;
	s4 =	sand.u32 $0x380, s29;
	[tilespmem:s2+$0x0] =	vst.add.f32.msk $0xffff, v1  }
.Ltmp8:
0x167: {  	s2 =	sand.u32 $0x40, s26;
	s3 =	sor.u32 s4, s3;
	[tilespmem:s31+$0x0] =	vst.add.f32.msk $0xffff, v2;
	(pc) =	sbr.rel @p0 .LBB2_18-.Ltmp8, $4  }
0x168: {  	s2 =	sor.u32 s2, s3;
	[tilespmem:s0+$0x0] =	vst.add.f32.msk $0xffff, v3;
	s3 =	smov.u32 s30  }
0x169: {  	s31 =	sor.u32 $0xC000, s2;
	s0 =	sor.u32 $0xC010, s2;
	s30 =	sor.u32 $0xC020, s2;
	v1 =	vld [tilespmem:s2+$0x14030];
	v0 =	vmov v4  }
0x16a: {  	v2 =	vld [tilespmem:s2+$0x14000]  }
0x16b: {  	v3 =	vld [tilespmem:s2+$0x14010]  }
0x16c: {  	v4 =	vld [tilespmem:s2+$0x14020]  }
0x16d: {  	s26 =	sor.u32 $0xC030, s2;
	[tilespmem:s3+$0x0] =	vst.add.f32.msk $0xffff, v0  }
0x16e: {  	[tilespmem:s26+$0x0] =	vst.add.f32.msk $0xffff, v1  }
0x16f: {  	[tilespmem:s31+$0x0] =	vst.add.f32.msk $0xffff, v2  }
0x170: {  	[tilespmem:s0+$0x0] =	vst.add.f32.msk $0xffff, v3  }
0x171: {  	[tilespmem:s30+$0x0] =	vst.add.f32.msk $0xffff, v4  }
0x172: {  	s0 =	simm.s32 $0x0;
	s2 =	rddreg [dreg:$0x17]  }
0x173: {  	[hbm4b:s2+s0] =	stream.linear.scatter [tilespmem:s13], [sflag:$0x9], $0x4000, $0x38;
	[tilespmem:$0x1C000] =	vst v63  }
0x174: {  	_ =	swait.ge [sflag:s22], $0x4000  }
0x175: {  	s4 =	sld [smem:$0x7F8]  }
0x176: {  	[sflag:s22] =	ssyncset.done $0x0  }
0x177: {  	s5 =	simm.s32 $0x0;
	[sflag:s22] =	ssyncadd.s32 $0xFFFFC000  }
0x178: {  	[tilespmem:s12], [sflag:$0x3] =	stream.linear.gather [hbm4b:s4+s0], $0x4000, $0x38;
	[tilespmem:$0x1C000] =	vst v63  }
0x179: {  	s26 =	sand.u32 $0x2000, s5;
	s4 =	sand.u32 $0x1C00, s0  }
0x17a: {  	s0 =	sand.u32 $0x380, s0;
	_ =	swait.ge [sflag:s23], $0x4000;
	s3 =	sor.u32 s26, s4  }
0x17b: {  	s2 =	sand.u32 $0x40, s5;
	[sflag:s23] =	ssyncset.done $0x0;
	s0 =	sor.u32 s0, s3  }
0x17c: {  	[sflag:s23] =	ssyncadd.s32 $0xFFFFC000;
	s0 =	sor.u32 s2, s0  }
0x17d: {  	v1 =	vld [tilespmem:s0+$0x14030]  }
0x17e: {  	v2 =	vld [tilespmem:s0+$0x14000]  }
0x17f: {  	s28 =	simm.s32 $0x200;
	s26 =	simm.s32 $0x40  }
0x180: {  	s29 =	simm.s32 $0x8;
	s3 =	sand.u32 $0x1C00, s28;
	s2 =	sand.u32 $0x2000, s26;
	v3 =	vld [tilespmem:s0+$0x14010]  }
0x181: {  	v0 =	vld [tilespmem:s0+$0x14020];
	s4 =	sor.u32 $0x10030, s0;
	s2 =	sor.u32 s2, s3;
	s3 =	sand.u32 $0x380, s29  }
0x182: {  	s30 =	sand.u32 $0x40, s26;
	s5 =	sor.u32 $0x10000, s0;
	s2 =	sor.u32 s3, s2;
	[tilespmem:s4+$0x0] =	vst.add.f32.msk $0xffff, v1  }
0x183: {  	s2 =	sor.u32 s30, s2;
	[tilespmem:s5+$0x0] =	vst.add.f32.msk $0xffff, v2  }
0x184: {  	v1 =	vld [tilespmem:s2+$0x14030]  }
0x185: {  	s4 =	sor.u32 $0x10010, s0;
	v2 =	vld [tilespmem:s2+$0x14000]  }
0x186: {  	s3 =	sor.u32 $0x10020, s0;
	[tilespmem:s4+$0x0] =	vst.add.f32.msk $0xffff, v3  }
0x187: {  	s31 =	sor.u32 $0x10000, s2;
	s30 =	sor.u32 $0x10020, s2;
	s0 =	sor.u32 $0x10010, s2;
	v3 =	vld [tilespmem:s2+$0x14010]  }
.LBB2_20:
0x188: {  	s26 =	sadd.s32 $0x40, s26;
	v4 =	vld [tilespmem:s2+$0x14020];
	s28 =	sadd.s32 $0x200, s28;
	s29 =	sadd.s32 $0x8, s29  }
0x189: {  	s2 =	sor.u32 $0x10030, s2;
	s4 =	sand.u32 $0x2000, s26;
	s5 =	sand.u32 $0x1C00, s28;
	[tilespmem:s3+$0x0] =	vst.add.f32.msk $0xffff, v0  }
0x18a: {  	p0 =	slt.u32 s26, $0x3FC0;
	s3 =	sor.u32 s4, s5;
	s4 =	sand.u32 $0x380, s29;
	[tilespmem:s2+$0x0] =	vst.add.f32.msk $0xffff, v1  }
.Ltmp9:
0x18b: {  	s2 =	sand.u32 $0x40, s26;
	s3 =	sor.u32 s4, s3;
	[tilespmem:s31+$0x0] =	vst.add.f32.msk $0xffff, v2;
	(pc) =	sbr.rel @p0 .LBB2_20-.Ltmp9, $4  }
0x18c: {  	s2 =	sor.u32 s2, s3;
	[tilespmem:s0+$0x0] =	vst.add.f32.msk $0xffff, v3;
	s3 =	smov.u32 s30  }
0x18d: {  	s31 =	sor.u32 $0x10000, s2;
	s0 =	sor.u32 $0x10010, s2;
	s30 =	sor.u32 $0x10020, s2;
	v1 =	vld [tilespmem:s2+$0x14030];
	v0 =	vmov v4  }
0x18e: {  	v2 =	vld [tilespmem:s2+$0x14000]  }
0x18f: {  	v3 =	vld [tilespmem:s2+$0x14010]  }
0x190: {  	v4 =	vld [tilespmem:s2+$0x14020]  }
0x191: {  	s26 =	sor.u32 $0x10030, s2;
	[tilespmem:s3+$0x0] =	vst.add.f32.msk $0xffff, v0  }
0x192: {  	[tilespmem:s26+$0x0] =	vst.add.f32.msk $0xffff, v1  }
0x193: {  	[tilespmem:s31+$0x0] =	vst.add.f32.msk $0xffff, v2  }
0x194: {  	[tilespmem:s0+$0x0] =	vst.add.f32.msk $0xffff, v3  }
0x195: {  	[tilespmem:s30+$0x0] =	vst.add.f32.msk $0xffff, v4  }
0x196: {  	s0 =	simm.s32 $0x0;
	s2 =	rddreg [dreg:$0x19]  }
0x197: {  	[hbm4b:s2+s0] =	stream.linear.scatter [tilespmem:s16], [sflag:$0xA], $0x4000, $0x38;
	[tilespmem:$0x1C000] =	vst v63  }
0x198: {  	_ =	swait.ge [sflag:s10], $0x4000  }
0x199: {  	s4 =	sld [smem:$0x7F9]  }
0x19a: {  	[sflag:s10] =	ssyncset.done $0x0  }
0x19b: {  	s5 =	simm.s32 $0x0;
	[sflag:s10] =	ssyncadd.s32 $0xFFFFC000  }
0x19c: {  	[tilespmem:s13], [sflag:$0x4] =	stream.linear.gather [hbm4b:s4+s0], $0x4000, $0x38;
	[tilespmem:$0x1C000] =	vst v63  }
0x19d: {  	s26 =	sand.u32 $0x2000, s5;
	s4 =	sand.u32 $0x1C00, s0  }
0x19e: {  	s0 =	sand.u32 $0x380, s0;
	_ =	swait.ge [sflag:s14], $0x4000;
	s3 =	sor.u32 s26, s4  }
0x19f: {  	s2 =	sand.u32 $0x40, s5;
	[sflag:s14] =	ssyncset.done $0x0;
	s0 =	sor.u32 s0, s3  }
0x1a0: {  	[sflag:s14] =	ssyncadd.s32 $0xFFFFC000;
	s0 =	sor.u32 s2, s0  }
0x1a1: {  	v1 =	vld [tilespmem:s0+$0x14030]  }
0x1a2: {  	v2 =	vld [tilespmem:s0+$0x14000]  }
0x1a3: {  	v3 =	vld [tilespmem:s0+$0x14010]  }
0x1a4: {  	s28 =	simm.s32 $0x200;
	s29 =	simm.s32 $0x8;
	s26 =	simm.s32 $0x40  }
0x1a5: {  	s4 =	sand.u32 $0x1C00, s28;
	s3 =	sand.u32 $0x2000, s26;
	v0 =	vld [tilespmem:s0+$0x14020];
	s5 =	sor.u32 $0x30, s0  }
0x1a6: {  	s2 =	sor.u32 s3, s4;
	s3 =	sand.u32 $0x380, s29;
	[tilespmem:s5+$0x0] =	vst.add.f32.msk $0xffff, v1  }
0x1a7: {  	s4 =	sor.u32 $0x10, s0;
	s2 =	sor.u32 s3, s2;
	s5 =	sand.u32 $0x40, s26;
	[tilespmem:s0+$0x0] =	vst.add.f32.msk $0xffff, v2  }
0x1a8: {  	[tilespmem:s4+$0x0] =	vst.add.f32.msk $0xffff, v3;
	s30 =	sor.u32 s5, s2  }
0x1a9: {  	v2 =	vld [tilespmem:s30+$0x14030]  }
0x1aa: {  	v1 =	vld [tilespmem:s30+$0x14000]  }
0x1ab: {  	s2 =	sor.u32 $0x20, s0;
	s0 =	sor.u32 $0x10, s30;
	s31 =	sor.u32 $0x20, s30;
	v3 =	vld [tilespmem:s30+$0x14010]  }
.LBB2_22:
0x1ac: {  	s26 =	sadd.s32 $0x40, s26;
	v4 =	vld [tilespmem:s30+$0x14020];
	s28 =	sadd.s32 $0x200, s28;
	s29 =	sadd.s32 $0x8, s29  }
0x1ad: {  	s5 =	sor.u32 $0x30, s30;
	s3 =	sand.u32 $0x2000, s26;
	s4 =	sand.u32 $0x1C00, s28;
	[tilespmem:s2+$0x0] =	vst.add.f32.msk $0xffff, v0  }
0x1ae: {  	p0 =	slt.u32 s26, $0x3FC0;
	s2 =	sor.u32 s3, s4;
	s3 =	sand.u32 $0x380, s29;
	[tilespmem:s5+$0x0] =	vst.add.f32.msk $0xffff, v2  }
.Ltmp10:
0x1af: {  	s4 =	sand.u32 $0x40, s26;
	s2 =	sor.u32 s3, s2;
	[tilespmem:s30+$0x0] =	vst.add.f32.msk $0xffff, v1;
	(pc) =	sbr.rel @p0 .LBB2_22-.Ltmp10, $4  }
0x1b0: {  	s30 =	sor.u32 s4, s2;
	[tilespmem:s0+$0x0] =	vst.add.f32.msk $0xffff, v3;
	s2 =	smov.u32 s31  }
0x1b1: {  	s0 =	sor.u32 $0x10, s30;
	s31 =	sor.u32 $0x20, s30;
	v2 =	vld [tilespmem:s30+$0x14030];
	v0 =	vmov v4  }
0x1b2: {  	v1 =	vld [tilespmem:s30+$0x14000]  }
0x1b3: {  	v3 =	vld [tilespmem:s30+$0x14010]  }
0x1b4: {  	v4 =	vld [tilespmem:s30+$0x14020]  }
0x1b5: {  	s3 =	sor.u32 $0x30, s30;
	[tilespmem:s2+$0x0] =	vst.add.f32.msk $0xffff, v0  }
0x1b6: {  	[tilespmem:s3+$0x0] =	vst.add.f32.msk $0xffff, v2  }
0x1b7: {  	[tilespmem:s30+$0x0] =	vst.add.f32.msk $0xffff, v1  }
0x1b8: {  	[tilespmem:s0+$0x0] =	vst.add.f32.msk $0xffff, v3  }
0x1b9: {  	[tilespmem:s31+$0x0] =	vst.add.f32.msk $0xffff, v4  }
0x1ba: {  	s0 =	simm.s32 $0x0;
	s2 =	rddreg [dreg:$0x1b]  }
0x1bb: {  	[hbm4b:s2+s0] =	stream.linear.scatter [tilespmem:s0], [sflag:$0x6], $0x4000, $0x38;
	[tilespmem:$0x1C000] =	vst v63  }
0x1bc: {  	_ =	swait.ge [sflag:s24], $0x4000  }
0x1bd: {  	s4 =	sld [smem:$0x7FA]  }
0x1be: {  	[sflag:s24] =	ssyncset.done $0x0  }
0x1bf: {  	s5 =	simm.s32 $0x0;
	[sflag:s24] =	ssyncadd.s32 $0xFFFFC000  }
0x1c0: {  	[tilespmem:s16], [sflag:$0x5] =	stream.linear.gather [hbm4b:s4+s0], $0x4000, $0x38;
	[tilespmem:$0x1C000] =	vst v63  }
0x1c1: {  	s26 =	sand.u32 $0x2000, s5;
	s4 =	sand.u32 $0x1C00, s0  }
0x1c2: {  	s0 =	sand.u32 $0x380, s0;
	_ =	swait.ge [sflag:s17], $0x4000;
	s3 =	sor.u32 s26, s4  }
0x1c3: {  	s2 =	sand.u32 $0x40, s5;
	[sflag:s17] =	ssyncset.done $0x0;
	s0 =	sor.u32 s0, s3  }
0x1c4: {  	[sflag:s17] =	ssyncadd.s32 $0xFFFFC000;
	s0 =	sor.u32 s2, s0  }
0x1c5: {  	v1 =	vld [tilespmem:s0+$0x14030]  }
0x1c6: {  	v2 =	vld [tilespmem:s0+$0x14000]  }
0x1c7: {  	s28 =	simm.s32 $0x200;
	s26 =	simm.s32 $0x40  }
0x1c8: {  	s29 =	simm.s32 $0x8;
	s3 =	sand.u32 $0x1C00, s28;
	s2 =	sand.u32 $0x2000, s26;
	v3 =	vld [tilespmem:s0+$0x14010]  }
0x1c9: {  	v0 =	vld [tilespmem:s0+$0x14020];
	s4 =	sor.u32 $0x4030, s0;
	s2 =	sor.u32 s2, s3;
	s3 =	sand.u32 $0x380, s29  }
0x1ca: {  	s30 =	sand.u32 $0x40, s26;
	s5 =	sor.u32 $0x4000, s0;
	s2 =	sor.u32 s3, s2;
	[tilespmem:s4+$0x0] =	vst.add.f32.msk $0xffff, v1  }
0x1cb: {  	s2 =	sor.u32 s30, s2;
	[tilespmem:s5+$0x0] =	vst.add.f32.msk $0xffff, v2  }
0x1cc: {  	v1 =	vld [tilespmem:s2+$0x14030]  }
0x1cd: {  	s4 =	sor.u32 $0x4010, s0;
	v2 =	vld [tilespmem:s2+$0x14000]  }
0x1ce: {  	s3 =	sor.u32 $0x4020, s0;
	[tilespmem:s4+$0x0] =	vst.add.f32.msk $0xffff, v3  }
0x1cf: {  	s31 =	sor.u32 $0x4000, s2;
	s30 =	sor.u32 $0x4020, s2;
	s0 =	sor.u32 $0x4010, s2;
	v3 =	vld [tilespmem:s2+$0x14010]  }
.LBB2_24:
0x1d0: {  	s26 =	sadd.s32 $0x40, s26;
	v4 =	vld [tilespmem:s2+$0x14020];
	s28 =	sadd.s32 $0x200, s28;
	s29 =	sadd.s32 $0x8, s29  }
0x1d1: {  	s2 =	sor.u32 $0x4030, s2;
	s4 =	sand.u32 $0x2000, s26;
	s5 =	sand.u32 $0x1C00, s28;
	[tilespmem:s3+$0x0] =	vst.add.f32.msk $0xffff, v0  }
0x1d2: {  	p0 =	slt.u32 s26, $0x3FC0;
	s3 =	sor.u32 s4, s5;
	s4 =	sand.u32 $0x380, s29;
	[tilespmem:s2+$0x0] =	vst.add.f32.msk $0xffff, v1  }
.Ltmp11:
0x1d3: {  	s2 =	sand.u32 $0x40, s26;
	s3 =	sor.u32 s4, s3;
	[tilespmem:s31+$0x0] =	vst.add.f32.msk $0xffff, v2;
	(pc) =	sbr.rel @p0 .LBB2_24-.Ltmp11, $4  }
0x1d4: {  	s2 =	sor.u32 s2, s3;
	[tilespmem:s0+$0x0] =	vst.add.f32.msk $0xffff, v3;
	s3 =	smov.u32 s30  }
0x1d5: {  	s31 =	sor.u32 $0x4000, s2;
	s0 =	sor.u32 $0x4010, s2;
	s30 =	sor.u32 $0x4020, s2;
	v1 =	vld [tilespmem:s2+$0x14030];
	v0 =	vmov v4  }
0x1d6: {  	v2 =	vld [tilespmem:s2+$0x14000]  }
0x1d7: {  	v3 =	vld [tilespmem:s2+$0x14010]  }
0x1d8: {  	v4 =	vld [tilespmem:s2+$0x14020]  }
0x1d9: {  	s26 =	sor.u32 $0x4030, s2;
	[tilespmem:s3+$0x0] =	vst.add.f32.msk $0xffff, v0  }
0x1da: {  	[tilespmem:s26+$0x0] =	vst.add.f32.msk $0xffff, v1  }
0x1db: {  	[tilespmem:s31+$0x0] =	vst.add.f32.msk $0xffff, v2  }
0x1dc: {  	[tilespmem:s0+$0x0] =	vst.add.f32.msk $0xffff, v3  }
0x1dd: {  	[tilespmem:s30+$0x0] =	vst.add.f32.msk $0xffff, v4  }
0x1de: {  	s0 =	simm.s32 $0x0;
	s2 =	rddreg [dreg:$0x1d]  }
0x1df: {  	[hbm4b:s2+s0] =	stream.linear.scatter [tilespmem:s11], [sflag:$0x7], $0x4000, $0x38;
	[tilespmem:$0x1C000] =	vst v63  }
0x1e0: {  	_ =	swait.ge [sflag:s18], $0x4000  }
0x1e1: {  	s4 =	sld [smem:$0x7FB]  }
0x1e2: {  	[sflag:s18] =	ssyncset.done $0x0  }
0x1e3: {  	[sflag:s18] =	ssyncadd.s32 $0xFFFFC000  }
0x1e4: {  	[tilespmem:s0], [sflag:$0x1] =	stream.linear.gather [hbm4b:s4+s0], $0x4000, $0x38;
	[tilespmem:$0x1C000] =	vst v63  }
0x1e5: {  	_ =	swait.ge [sflag:s19], $0x4000  }
0x1e6: {  	s5 =	simm.s32 $0x0;
	[sflag:s19] =	ssyncset.done $0x0  }
0x1e7: {  	s26 =	sand.u32 $0x2000, s5;
	s4 =	sand.u32 $0x1C00, s0;
	[sflag:s19] =	ssyncadd.s32 $0xFFFFC000  }
0x1e8: {  	s0 =	sand.u32 $0x380, s0;
	s3 =	sor.u32 s26, s4;
	_ =	swait.ge [sflag:s9], $0x4000  }
0x1e9: {  	s2 =	sand.u32 $0x40, s5;
	s0 =	sor.u32 s0, s3;
	[sflag:s9] =	ssyncset.done $0x0  }
0x1ea: {  	s0 =	sor.u32 s2, s0;
	[sflag:s9] =	ssyncadd.s32 $0xFFFFC000  }
0x1eb: {  	v1 =	vld [tilespmem:s0+$0x18030]  }
0x1ec: {  	v2 =	vld [tilespmem:s0+$0x18000]  }
0x1ed: {  	s28 =	simm.s32 $0x200;
	s26 =	simm.s32 $0x40  }
0x1ee: {  	s29 =	simm.s32 $0x8;
	s3 =	sand.u32 $0x1C00, s28;
	s2 =	sand.u32 $0x2000, s26;
	v3 =	vld [tilespmem:s0+$0x18010]  }
0x1ef: {  	s4 =	sor.u32 $0x8030, s0;
	s2 =	sor.u32 s2, s3;
	s3 =	sand.u32 $0x380, s29;
	v0 =	vld [tilespmem:s0+$0x18020]  }
0x1f0: {  	s30 =	sand.u32 $0x40, s26;
	s5 =	sor.u32 $0x8000, s0;
	s2 =	sor.u32 s3, s2;
	[tilespmem:s4+$0x0] =	vst.add.f32.msk $0xffff, v1  }
0x1f1: {  	s2 =	sor.u32 s30, s2;
	[tilespmem:s5+$0x0] =	vst.add.f32.msk $0xffff, v2  }
0x1f2: {  	v1 =	vld [tilespmem:s2+$0x18030]  }
0x1f3: {  	s4 =	sor.u32 $0x8010, s0;
	v2 =	vld [tilespmem:s2+$0x18000]  }
0x1f4: {  	s3 =	sor.u32 $0x8020, s0;
	[tilespmem:s4+$0x0] =	vst.add.f32.msk $0xffff, v3  }
0x1f5: {  	s31 =	sor.u32 $0x8000, s2;
	s30 =	sor.u32 $0x8020, s2;
	s0 =	sor.u32 $0x8010, s2;
	v3 =	vld [tilespmem:s2+$0x18010]  }
.LBB2_26:
0x1f6: {  	s26 =	sadd.s32 $0x40, s26;
	v4 =	vld [tilespmem:s2+$0x18020];
	s28 =	sadd.s32 $0x200, s28;
	s29 =	sadd.s32 $0x8, s29  }
0x1f7: {  	s2 =	sor.u32 $0x8030, s2;
	s4 =	sand.u32 $0x2000, s26;
	s5 =	sand.u32 $0x1C00, s28;
	[tilespmem:s3+$0x0] =	vst.add.f32.msk $0xffff, v0  }
0x1f8: {  	p0 =	slt.u32 s26, $0x3FC0;
	s3 =	sor.u32 s4, s5;
	s4 =	sand.u32 $0x380, s29;
	[tilespmem:s2+$0x0] =	vst.add.f32.msk $0xffff, v1  }
.Ltmp12:
0x1f9: {  	s2 =	sand.u32 $0x40, s26;
	s3 =	sor.u32 s4, s3;
	[tilespmem:s31+$0x0] =	vst.add.f32.msk $0xffff, v2;
	(pc) =	sbr.rel @p0 .LBB2_26-.Ltmp12, $4  }
0x1fa: {  	s2 =	sor.u32 s2, s3;
	[tilespmem:s0+$0x0] =	vst.add.f32.msk $0xffff, v3;
	s3 =	smov.u32 s30  }
0x1fb: {  	s31 =	sor.u32 $0x8000, s2;
	s0 =	sor.u32 $0x8010, s2;
	s30 =	sor.u32 $0x8020, s2;
	v1 =	vld [tilespmem:s2+$0x18030];
	v0 =	vmov v4  }
0x1fc: {  	v2 =	vld [tilespmem:s2+$0x18000]  }
0x1fd: {  	v3 =	vld [tilespmem:s2+$0x18010]  }
0x1fe: {  	v4 =	vld [tilespmem:s2+$0x18020]  }
0x1ff: {  	s4 =	sor.u32 $0x8030, s2;
	[tilespmem:s3+$0x0] =	vst.add.f32.msk $0xffff, v0  }
0x200: {  	[tilespmem:s4+$0x0] =	vst.add.f32.msk $0xffff, v1  }
0x201: {  	[tilespmem:s31+$0x0] =	vst.add.f32.msk $0xffff, v2  }
0x202: {  	[tilespmem:s0+$0x0] =	vst.add.f32.msk $0xffff, v3  }
0x203: {  	[tilespmem:s30+$0x0] =	vst.add.f32.msk $0xffff, v4  }
0x204: {  	s2 =	sld [smem:$0x7FC]  }
0x205: {  	s5 =	simm.s32 $0x0;
	s0 =	simm.s32 $0x0  }
0x206: {  	s26 =	sand.u32 $0x2000, s5;
	s4 =	sand.u32 $0x1C00, s0  }
0x207: {  	[hbm4b:s2+s0] =	stream.linear.scatter [tilespmem:s12], [sflag:$0x8], $0x4000, $0x38;
	[tilespmem:$0x1C000] =	vst v63  }
0x208: {  	s3 =	sor.u32 s26, s4;
	s0 =	sand.u32 $0x380, s0;
	_ =	swait.ge [sflag:s21], $0x4000  }
0x209: {  	s2 =	sand.u32 $0x40, s5;
	s0 =	sor.u32 s0, s3;
	[sflag:s21] =	ssyncset.done $0x0  }
0x20a: {  	s0 =	sor.u32 s2, s0;
	[sflag:s21] =	ssyncadd.s32 $0xFFFFC000  }
0x20b: {  	v1 =	vld [tilespmem:s0+$0x18030]  }
0x20c: {  	v2 =	vld [tilespmem:s0+$0x18000]  }
0x20d: {  	s28 =	simm.s32 $0x200;
	s26 =	simm.s32 $0x40  }
0x20e: {  	s29 =	simm.s32 $0x8;
	s3 =	sand.u32 $0x1C00, s28;
	s2 =	sand.u32 $0x2000, s26;
	v3 =	vld [tilespmem:s0+$0x18010]  }
0x20f: {  	s4 =	sor.u32 $0xC030, s0;
	s2 =	sor.u32 s2, s3;
	s3 =	sand.u32 $0x380, s29;
	v0 =	vld [tilespmem:s0+$0x18020]  }
0x210: {  	s30 =	sand.u32 $0x40, s26;
	s5 =	sor.u32 $0xC000, s0;
	s2 =	sor.u32 s3, s2;
	[tilespmem:s4+$0x0] =	vst.add.f32.msk $0xffff, v1  }
0x211: {  	s2 =	sor.u32 s30, s2;
	[tilespmem:s5+$0x0] =	vst.add.f32.msk $0xffff, v2  }
0x212: {  	v1 =	vld [tilespmem:s2+$0x18030]  }
0x213: {  	s4 =	sor.u32 $0xC010, s0;
	v2 =	vld [tilespmem:s2+$0x18000]  }
0x214: {  	s3 =	sor.u32 $0xC020, s0;
	[tilespmem:s4+$0x0] =	vst.add.f32.msk $0xffff, v3  }
0x215: {  	s31 =	sor.u32 $0xC000, s2;
	s30 =	sor.u32 $0xC020, s2;
	s0 =	sor.u32 $0xC010, s2;
	v3 =	vld [tilespmem:s2+$0x18010]  }
.LBB2_28:
0x216: {  	s26 =	sadd.s32 $0x40, s26;
	v4 =	vld [tilespmem:s2+$0x18020];
	s28 =	sadd.s32 $0x200, s28;
	s29 =	sadd.s32 $0x8, s29  }
0x217: {  	s2 =	sor.u32 $0xC030, s2;
	s4 =	sand.u32 $0x2000, s26;
	s5 =	sand.u32 $0x1C00, s28;
	[tilespmem:s3+$0x0] =	vst.add.f32.msk $0xffff, v0  }
0x218: {  	p0 =	slt.u32 s26, $0x3FC0;
	s3 =	sor.u32 s4, s5;
	s4 =	sand.u32 $0x380, s29;
	[tilespmem:s2+$0x0] =	vst.add.f32.msk $0xffff, v1  }
.Ltmp13:
0x219: {  	s2 =	sand.u32 $0x40, s26;
	s3 =	sor.u32 s4, s3;
	[tilespmem:s31+$0x0] =	vst.add.f32.msk $0xffff, v2;
	(pc) =	sbr.rel @p0 .LBB2_28-.Ltmp13, $4  }
0x21a: {  	s2 =	sor.u32 s2, s3;
	[tilespmem:s0+$0x0] =	vst.add.f32.msk $0xffff, v3;
	s3 =	smov.u32 s30  }
0x21b: {  	s31 =	sor.u32 $0xC000, s2;
	s0 =	sor.u32 $0xC010, s2;
	s30 =	sor.u32 $0xC020, s2;
	v1 =	vld [tilespmem:s2+$0x18030];
	v0 =	vmov v4  }
0x21c: {  	v2 =	vld [tilespmem:s2+$0x18000]  }
0x21d: {  	v3 =	vld [tilespmem:s2+$0x18010]  }
0x21e: {  	v4 =	vld [tilespmem:s2+$0x18020]  }
0x21f: {  	s4 =	sor.u32 $0xC030, s2;
	[tilespmem:s3+$0x0] =	vst.add.f32.msk $0xffff, v0  }
0x220: {  	[tilespmem:s4+$0x0] =	vst.add.f32.msk $0xffff, v1  }
0x221: {  	[tilespmem:s31+$0x0] =	vst.add.f32.msk $0xffff, v2  }
0x222: {  	[tilespmem:s0+$0x0] =	vst.add.f32.msk $0xffff, v3  }
0x223: {  	[tilespmem:s30+$0x0] =	vst.add.f32.msk $0xffff, v4  }
0x224: {  	s2 =	sld [smem:$0x7FD]  }
0x225: {  	s5 =	simm.s32 $0x0;
	s0 =	simm.s32 $0x0  }
0x226: {  	s26 =	sand.u32 $0x2000, s5;
	s4 =	sand.u32 $0x1C00, s0  }
0x227: {  	[hbm4b:s2+s0] =	stream.linear.scatter [tilespmem:s13], [sflag:$0x9], $0x4000, $0x38;
	[tilespmem:$0x1C000] =	vst v63  }
0x228: {  	s3 =	sor.u32 s26, s4;
	s0 =	sand.u32 $0x380, s0;
	_ =	swait.ge [sflag:s23], $0x4000  }
0x229: {  	s2 =	sand.u32 $0x40, s5;
	s0 =	sor.u32 s0, s3;
	[sflag:s23] =	ssyncset.done $0x0  }
0x22a: {  	s0 =	sor.u32 s2, s0;
	[sflag:s23] =	ssyncadd.s32 $0xFFFFC000  }
0x22b: {  	v1 =	vld [tilespmem:s0+$0x18030]  }
0x22c: {  	v2 =	vld [tilespmem:s0+$0x18000]  }
0x22d: {  	s28 =	simm.s32 $0x200;
	s26 =	simm.s32 $0x40  }
0x22e: {  	s29 =	simm.s32 $0x8;
	s3 =	sand.u32 $0x1C00, s28;
	s2 =	sand.u32 $0x2000, s26;
	v3 =	vld [tilespmem:s0+$0x18010]  }
0x22f: {  	s4 =	sor.u32 $0x10030, s0;
	s2 =	sor.u32 s2, s3;
	s3 =	sand.u32 $0x380, s29;
	v0 =	vld [tilespmem:s0+$0x18020]  }
0x230: {  	s30 =	sand.u32 $0x40, s26;
	s5 =	sor.u32 $0x10000, s0;
	s2 =	sor.u32 s3, s2;
	[tilespmem:s4+$0x0] =	vst.add.f32.msk $0xffff, v1  }
0x231: {  	s2 =	sor.u32 s30, s2;
	[tilespmem:s5+$0x0] =	vst.add.f32.msk $0xffff, v2  }
0x232: {  	v1 =	vld [tilespmem:s2+$0x18030]  }
0x233: {  	s4 =	sor.u32 $0x10010, s0;
	v2 =	vld [tilespmem:s2+$0x18000]  }
0x234: {  	s3 =	sor.u32 $0x10020, s0;
	[tilespmem:s4+$0x0] =	vst.add.f32.msk $0xffff, v3  }
0x235: {  	s31 =	sor.u32 $0x10000, s2;
	s30 =	sor.u32 $0x10020, s2;
	s0 =	sor.u32 $0x10010, s2;
	v3 =	vld [tilespmem:s2+$0x18010]  }
.LBB2_30:
0x236: {  	s26 =	sadd.s32 $0x40, s26;
	v4 =	vld [tilespmem:s2+$0x18020];
	s28 =	sadd.s32 $0x200, s28;
	s29 =	sadd.s32 $0x8, s29  }
0x237: {  	s2 =	sor.u32 $0x10030, s2;
	s4 =	sand.u32 $0x2000, s26;
	s5 =	sand.u32 $0x1C00, s28;
	[tilespmem:s3+$0x0] =	vst.add.f32.msk $0xffff, v0  }
0x238: {  	p0 =	slt.u32 s26, $0x3FC0;
	s3 =	sor.u32 s4, s5;
	s4 =	sand.u32 $0x380, s29;
	[tilespmem:s2+$0x0] =	vst.add.f32.msk $0xffff, v1  }
.Ltmp14:
0x239: {  	s2 =	sand.u32 $0x40, s26;
	s3 =	sor.u32 s4, s3;
	[tilespmem:s31+$0x0] =	vst.add.f32.msk $0xffff, v2;
	(pc) =	sbr.rel @p0 .LBB2_30-.Ltmp14, $4  }
0x23a: {  	s2 =	sor.u32 s2, s3;
	[tilespmem:s0+$0x0] =	vst.add.f32.msk $0xffff, v3;
	s3 =	smov.u32 s30  }
0x23b: {  	s31 =	sor.u32 $0x10000, s2;
	s0 =	sor.u32 $0x10010, s2;
	s30 =	sor.u32 $0x10020, s2;
	v1 =	vld [tilespmem:s2+$0x18030];
	v0 =	vmov v4  }
0x23c: {  	v2 =	vld [tilespmem:s2+$0x18000]  }
0x23d: {  	v3 =	vld [tilespmem:s2+$0x18010]  }
0x23e: {  	v4 =	vld [tilespmem:s2+$0x18020]  }
0x23f: {  	s26 =	sor.u32 $0x10030, s2;
	[tilespmem:s3+$0x0] =	vst.add.f32.msk $0xffff, v0  }
0x240: {  	[tilespmem:s26+$0x0] =	vst.add.f32.msk $0xffff, v1  }
0x241: {  	[tilespmem:s31+$0x0] =	vst.add.f32.msk $0xffff, v2  }
0x242: {  	s2 =	simm.s32 $0x0;
	s5 =	simm.s32 $0x0;
	[tilespmem:s0+$0x0] =	vst.add.f32.msk $0xffff, v3  }
0x243: {  	s4 =	sand.u32 $0x1C00, s2;
	s26 =	sand.u32 $0x2000, s5;
	[tilespmem:s30+$0x0] =	vst.add.f32.msk $0xffff, v4  }
0x244: {  	[hbm4b:s6+s2] =	stream.linear.scatter [tilespmem:s16], [sflag:$0xA], $0x4000, $0x38;
	[tilespmem:$0x1C000] =	vst v63  }
0x245: {  	s3 =	sor.u32 s26, s4;
	s0 =	sand.u32 $0x380, s2;
	_ =	swait.ge [sflag:s14], $0x4000  }
0x246: {  	s0 =	sor.u32 s0, s3;
	s2 =	sand.u32 $0x40, s5;
	[sflag:s14] =	ssyncset.done $0x0  }
0x247: {  	s0 =	sor.u32 s2, s0;
	[sflag:s14] =	ssyncadd.s32 $0xFFFFC000  }
0x248: {  	v1 =	vld [tilespmem:s0+$0x18030]  }
0x249: {  	v2 =	vld [tilespmem:s0+$0x18000]  }
0x24a: {  	v3 =	vld [tilespmem:s0+$0x18010]  }
0x24b: {  	s28 =	simm.s32 $0x200;
	s29 =	simm.s32 $0x8;
	s26 =	simm.s32 $0x40  }
0x24c: {  	s4 =	sand.u32 $0x1C00, s28;
	s3 =	sand.u32 $0x2000, s26;
	s5 =	sor.u32 $0x30, s0;
	v0 =	vld [tilespmem:s0+$0x18020]  }
0x24d: {  	s2 =	sor.u32 s3, s4;
	s3 =	sand.u32 $0x380, s29;
	[tilespmem:s5+$0x0] =	vst.add.f32.msk $0xffff, v1  }
0x24e: {  	s4 =	sor.u32 $0x10, s0;
	s2 =	sor.u32 s3, s2;
	s5 =	sand.u32 $0x40, s26;
	[tilespmem:s0+$0x0] =	vst.add.f32.msk $0xffff, v2  }
0x24f: {  	[tilespmem:s4+$0x0] =	vst.add.f32.msk $0xffff, v3;
	s30 =	sor.u32 s5, s2  }
0x250: {  	v2 =	vld [tilespmem:s30+$0x18030]  }
0x251: {  	v1 =	vld [tilespmem:s30+$0x18000]  }
0x252: {  	s2 =	sor.u32 $0x20, s0;
	s0 =	sor.u32 $0x10, s30;
	s31 =	sor.u32 $0x20, s30;
	v3 =	vld [tilespmem:s30+$0x18010]  }
.LBB2_32:
0x253: {  	s26 =	sadd.s32 $0x40, s26;
	v4 =	vld [tilespmem:s30+$0x18020];
	s28 =	sadd.s32 $0x200, s28;
	s29 =	sadd.s32 $0x8, s29  }
0x254: {  	s5 =	sor.u32 $0x30, s30;
	s3 =	sand.u32 $0x2000, s26;
	s4 =	sand.u32 $0x1C00, s28;
	[tilespmem:s2+$0x0] =	vst.add.f32.msk $0xffff, v0  }
0x255: {  	p0 =	slt.u32 s26, $0x3FC0;
	s2 =	sor.u32 s3, s4;
	s3 =	sand.u32 $0x380, s29;
	[tilespmem:s5+$0x0] =	vst.add.f32.msk $0xffff, v2  }
.Ltmp15:
0x256: {  	s4 =	sand.u32 $0x40, s26;
	s2 =	sor.u32 s3, s2;
	[tilespmem:s30+$0x0] =	vst.add.f32.msk $0xffff, v1;
	(pc) =	sbr.rel @p0 .LBB2_32-.Ltmp15, $4  }
0x257: {  	s30 =	sor.u32 s4, s2;
	[tilespmem:s0+$0x0] =	vst.add.f32.msk $0xffff, v3;
	s2 =	smov.u32 s31  }
0x258: {  	s0 =	sor.u32 $0x10, s30;
	s31 =	sor.u32 $0x20, s30;
	v2 =	vld [tilespmem:s30+$0x18030];
	v0 =	vmov v4  }
0x259: {  	v1 =	vld [tilespmem:s30+$0x18000]  }
0x25a: {  	v3 =	vld [tilespmem:s30+$0x18010]  }
0x25b: {  	v4 =	vld [tilespmem:s30+$0x18020]  }
0x25c: {  	s3 =	sor.u32 $0x30, s30;
	[tilespmem:s2+$0x0] =	vst.add.f32.msk $0xffff, v0  }
0x25d: {  	[tilespmem:s3+$0x0] =	vst.add.f32.msk $0xffff, v2  }
0x25e: {  	[tilespmem:s30+$0x0] =	vst.add.f32.msk $0xffff, v1  }
0x25f: {  	[tilespmem:s0+$0x0] =	vst.add.f32.msk $0xffff, v3  }
0x260: {  	[tilespmem:s31+$0x0] =	vst.add.f32.msk $0xffff, v4  }
0x261: {  	[hbm4b:s7+s1] =	stream.linear.scatter [tilespmem:s1], [sflag:$0x6], $0x4000, $0x38;
	[tilespmem:$0x1C000] =	vst v63  }
0x262: {  	_ =	swait.ge [sflag:s20], $0x4000  }
0x263: {  	[sflag:s20] =	ssyncset.done $0x0  }
0x264: {  	[sflag:s20] =	ssyncadd.s32 $0xFFFFC000  }
0x265: {  	_ =	swait.ge [sflag:s22], $0x4000  }
0x266: {  	[sflag:s22] =	ssyncset.done $0x0  }
0x267: {  	[sflag:s22] =	ssyncadd.s32 $0xFFFFC000  }
0x268: {  	_ =	swait.ge [sflag:s10], $0x4000  }
0x269: {  	[sflag:s10] =	ssyncset.done $0x0  }
0x26a: {  	s25 =	sadd.s32 $0x1, s25;
	[sflag:s10] =	ssyncadd.s32 $0xFFFFC000  }
0x26b: {  	p0 =	sne.s32 s25, s8;
	_ =	swait.ge [sflag:s24], $0x4000  }
.Ltmp16:
0x26c: {  	[sflag:s24] =	ssyncset.done $0x0;
	(pc) =	sbr.rel @p0 .LBB2_1-.Ltmp16, $4  }
0x26d: {  	[sflag:s24] =	ssyncadd.s32 $0xFFFFC000  }
0x26e: {  	_ =	swait.ge [sflag:s18], $0x4000  }
0x26f: {  	[sflag:s18] =	ssyncset.done $0x0  }
0x270: {  	[sflag:s18] =	ssyncadd.s32 $0xFFFFC000  }
0x271: {  	_ =	sfence.sel $0x180000  }
0x272: {  	[bflag:$0x0] =	sbarrier.arrive $0xFFFF  }
0x273: {  	_ =	strace $0x90000047  }
0x274: {  	s0 =	stileid.u32;
	[bflag:$0x2] =	sbarrier.arrive $0xFFFF  }
0x275: {  	p0 =	sne.s32 s0, $0x0;
	s0 =	rddreg [dreg:$0x3]  }
0x276: {  	s0 =	sadd.s32 @!p0 $0x100000, s0  }
0x277: {  	[sflag:s0] =	ssyncadd.tile.s32 @!p0 $0x1;
	_ =	shalt  }
.Lfunc_end2:
_tile_overlayer_lowered:
.L_overlay_start_2:
0x278: {  	(tag) =	ssettag $0x2  }
0x279: {  	s0 =	rddreg [dreg:$0x0];
	s2 =	stileid.u32  }
0x27a: {  	s1 =	rddreg [dreg:$0x1];
	p0 =	sne.s32 s2, $0x0  }
0x27b: {  	s3 =	rddreg [dreg:$0x2];
	[bflag:$0x3] =	sbarrier.arrive $0xFFFF;
	s2 =	simm.s32 @!p0 $0x1C0D  }
0x27c: {  	[timem:s3], [sflag:s2] =	dma.local @!p0 [hbm:s0], s1  }
0x27d: {  	s0 =	simm.s32 @!p0 $0xD  }
0x27e: {  	_ =	swait.ge @!p0 [sflag:s0], s1  }
0x27f: {  	s1 =	ssub.s32 @!p0 $0x0, s1;
	[sflag:s0] =	ssyncset.done @!p0 $0x0  }
0x280: {  	[sflag:s0] =	ssyncadd.s32 @!p0 s1  }
0x281: {  	[bflag:$0x3] =	sbarrier.arrive $0xFFFF  }
0x282: {  	_ =	shalt  }

</sc_bundles>
